<compile_context>
chip_gen: v7x
topology: tpu7x:2x2x1
jax: 0.10.2.dev20260603
libtpu: 0.0.44.dev20260713+nightly
codegen_flags: <defaults>
</compile_context>

<pallas_src>
import jax
import jax.numpy as jnp
from jax import lax
from jax.experimental import pallas as pl
from jax.experimental.pallas import tpu as pltpu
from jax.experimental.pallas import tpu_sc as plsc

N = 10000
E = 320000
D_IN = 128
HID = 16
HEADS = 8
D_OUT = 64

NC = 2
NS = 16
CHUNK = 16
EPT = E // NS
NCHUNK = EPT // CHUNK
RPT = 624
RTAIL = N - RPT * NS
ROWW = 128

_EPS = 1e-16


def _take16(v, idx):
    return lax.gather(
        v, idx[:, None],
        dimension_numbers=lax.GatherDimensionNumbers(
            offset_dims=(), collapsed_slice_dims=(0,), start_index_map=(0,)),
        slice_sizes=(1,),
        mode=lax.GatherScatterMode.PROMISE_IN_BOUNDS)


def _k1_body(x_ref, w_ref, as_ref, ad_ref, h_ref, atab_ref, s_ref):
    x = x_ref[...]
    h = jnp.dot(x, w_ref[...], preferred_element_type=jnp.float32)
    jj = lax.broadcasted_iota(jnp.int32, (HEADS * HID, HEADS), 0)
    hh = lax.broadcasted_iota(jnp.int32, (HEADS * HID, HEADS), 1)
    G = (jj // HID == hh).astype(jnp.float32)
    asrc = jnp.dot(h * as_ref[...], G, preferred_element_type=jnp.float32)
    adst = jnp.dot(h * ad_ref[...], G, preferred_element_type=jnp.float32)
    h_ref[...] = h
    z = jnp.zeros((N, 8), jnp.float32)
    atab_ref[0] = jnp.concatenate([asrc[:, :4], adst[:, :4], z], axis=1)
    atab_ref[1] = jnp.concatenate([asrc[:, 4:], adst[:, 4:], z], axis=1)
    S = jnp.maximum(jnp.max(asrc) + jnp.max(adst), 0.0)
    s_ref[...] = jnp.full((1, 16), S, jnp.float32)


def _k1(x, W1, att_s1, att_d1):
    return pl.pallas_call(
        _k1_body,
        out_shape=[
            jax.ShapeDtypeStruct((N, D_IN), jnp.float32),
            jax.ShapeDtypeStruct((2, N, 16), jnp.float32),
            jax.ShapeDtypeStruct((1, 16), jnp.float32),
        ],
    )(x, W1, att_s1, att_d1)


def _sc1_body(h, atab, s1, src, dst, out,
              s_v, srcb, dstb, abuf_s, abuf_d, inrows, outrows, pbuf,
              atab_sh, acc, sem, sema, semd):
    c = lax.axis_index("c")
    s = lax.axis_index("s")

    @pl.when(s == 0)
    def _stage_tab():
        pltpu.sync_copy(atab.at[c], atab_sh)

    pltpu.sync_copy(s1, s_v)

    zero16 = jnp.zeros((16,), jnp.float32)
    lane = lax.iota(jnp.int32, 16)

    def zrow(i, carry):
        for k in range(ROWW // 16):
            outrows[i, pl.ds(k * 16, 16)] = zero16
        return carry

    lax.fori_loop(0, CHUNK, zrow, 0)

    base = s * RPT
    for it in range(RPT // CHUNK):
        pltpu.sync_copy(outrows, acc.at[pl.ds(base + it * CHUNK, CHUNK)])
    rem = RPT % CHUNK
    if rem:
        pltpu.sync_copy(outrows.at[pl.ds(0, rem)],
                        acc.at[pl.ds(base + RPT - rem, rem)])

    @pl.when(s == NS - 1)
    def _zero_tail():
        pltpu.sync_copy(outrows.at[pl.ds(0, RTAIL)],
                        acc.at[pl.ds(N - RTAIL, RTAIL)])

    plsc.subcore_barrier()

    svec = s_v[...]
    cbase = c * (HEADS * HID // 2)
    ebase = s * EPT

    def chunk_body(ci, carry):
        off = ebase + ci * CHUNK
        pltpu.sync_copy(src.at[pl.ds(off, CHUNK)], srcb)
        pltpu.sync_copy(dst.at[pl.ds(off, CHUNK)], dstb)
        pltpu.async_copy(h.at[srcb], inrows, sem).wait()
        pltpu.async_copy(atab_sh.at[srcb], abuf_s, sema).wait()
        pltpu.async_copy(atab_sh.at[dstb], abuf_d, semd).wait()

        def edge_body(e, carry2):
            rs = abuf_s[e, pl.ds(0, 16)]
            rd = abuf_d[e, pl.ds(0, 16)]
            a = rs + _take16(rd, jnp.minimum(lane + 4, 15))
            a = jnp.maximum(a, 0.2 * a)
            p = jnp.exp(a - svec)
            prow = jnp.where(lane < 4, p, 0.0)
            outrows[e, pl.ds(64, 16)] = prow
            for hh in range(4):
                bc = _take16(prow, jnp.full((16,), hh, jnp.int32))
                outrows[e, pl.ds(hh * 16, 16)] = (
                    inrows[e, pl.ds(cbase + hh * 16, 16)] * bc)
            return carry2

        lax.fori_loop(0, CHUNK, edge_body, 0)
        pltpu.sync_copy(outrows, acc.at[dstb], add=True)
        return carry

    lax.fori_loop(0, NCHUNK, chunk_body, 0)
    plsc.subcore_barrier()
    pltpu.sync_copy(acc.at[pl.ds(base, RPT)], out.at[c].at[pl.ds(base, RPT)])

    @pl.when(s == NS - 1)
    def _out_tail():
        pltpu.sync_copy(acc.at[pl.ds(N - RTAIL, RTAIL)],
                        out.at[c].at[pl.ds(N - RTAIL, RTAIL)])


def _sc1(h, atab, s1, src, dst):
    mesh = plsc.VectorSubcoreMesh(core_axis_name="c", subcore_axis_name="s")
    return pl.kernel(
        _sc1_body,
        out_type=jax.ShapeDtypeStruct((2, N, ROWW), jnp.float32),
        mesh=mesh,
        compiler_params=pltpu.CompilerParams(
            needs_layout_passes=False, use_tc_tiling_on_sc=False),
        scratch_types=[
            pltpu.VMEM((16,), jnp.float32),
            pltpu.VMEM((CHUNK,), jnp.int32),
            pltpu.VMEM((CHUNK,), jnp.int32),
            pltpu.VMEM((CHUNK, 16), jnp.float32),
            pltpu.VMEM((CHUNK, 16), jnp.float32),
            pltpu.VMEM((CHUNK, ROWW), jnp.float32),
            pltpu.VMEM((CHUNK, ROWW), jnp.float32),
            pltpu.VMEM((4 * CHUNK,), jnp.float32),
            pltpu.VMEM_SHARED((N, 16), jnp.float32),
            pltpu.VMEM_SHARED((N, ROWW), jnp.float32),
            pltpu.SemaphoreType.DMA,
            pltpu.SemaphoreType.DMA,
            pltpu.SemaphoreType.DMA,
        ],
    )(h, atab, s1, src, dst)


def _k2_body(acc_ref, b1_ref, w2_ref, as2_ref, ad2_ref,
             gp_ref, atab_ref, s_ref):
    A0 = acc_ref[0]
    A1 = acc_ref[1]
    jj = lax.broadcasted_iota(jnp.int32, (HEADS // 2, HEADS * HID // 2), 1)
    hh = lax.broadcasted_iota(jnp.int32, (HEADS // 2, HEADS * HID // 2), 0)
    R = (jj // HID == hh).astype(jnp.float32)
    d0 = jnp.dot(A0[:, 64:68], R, preferred_element_type=jnp.float32) + _EPS
    d1 = jnp.dot(A1[:, 64:68], R, preferred_element_type=jnp.float32) + _EPS
    h2 = jnp.concatenate([A0[:, :64] / d0, A1[:, :64] / d1], axis=1)
    h2 = h2 + b1_ref[...]
    h2 = jnp.where(h2 > 0, h2, jnp.exp(jnp.minimum(h2, 0.0)) - 1.0)
    g = jnp.dot(h2, w2_ref[...], preferred_element_type=jnp.float32)
    gp_ref[...] = jnp.concatenate([g, jnp.zeros_like(g)], axis=1)
    a2s = jnp.dot(g, as2_ref[...], preferred_element_type=jnp.float32)
    a2d = jnp.dot(g, ad2_ref[...], preferred_element_type=jnp.float32)
    atab_ref[...] = jnp.concatenate(
        [a2s, a2d, jnp.zeros((N, 14), jnp.float32)], axis=1)
    S = jnp.maximum(jnp.max(a2s) + jnp.max(a2d), 0.0)
    s_ref[...] = jnp.full((1, 16), S, jnp.float32)


def _k2(acc1, b1, W2, att_s2, att_d2):
    return pl.pallas_call(
        _k2_body,
        out_shape=[
            jax.ShapeDtypeStruct((N, ROWW), jnp.float32),
            jax.ShapeDtypeStruct((N, 16), jnp.float32),
            jax.ShapeDtypeStruct((1, 16), jnp.float32),
        ],
    )(acc1, b1, W2, att_s2, att_d2)


def _sc2_body(gp, atab, s2, src, dst, out,
              s_v, srcb, dstb, abuf_s, abuf_d, inrows, outrows, pbuf,
              atab_sh, acc, sem, sema, semd):
    c = lax.axis_index("c")
    s = lax.axis_index("s")

    @pl.when(s == 0)
    def _stage_tab():
        pltpu.sync_copy(atab, atab_sh)

    pltpu.sync_copy(s2, s_v)

    zero16 = jnp.zeros((16,), jnp.float32)
    lane = lax.iota(jnp.int32, 16)

    def zrow(i, carry):
        for k in range(ROWW // 16):
            outrows[i, pl.ds(k * 16, 16)] = zero16
        return carry

    lax.fori_loop(0, CHUNK, zrow, 0)

    base = s * RPT
    for it in range(RPT // CHUNK):
        pltpu.sync_copy(outrows, acc.at[pl.ds(base + it * CHUNK, CHUNK)])
    rem = RPT % CHUNK
    if rem:
        pltpu.sync_copy(outrows.at[pl.ds(0, rem)],
                        acc.at[pl.ds(base + RPT - rem, rem)])

    @pl.when(s == NS - 1)
    def _zero_tail():
        pltpu.sync_copy(outrows.at[pl.ds(0, RTAIL)],
                        acc.at[pl.ds(N - RTAIL, RTAIL)])

    plsc.subcore_barrier()

    svec = s_v[...]
    cbase = c * (D_OUT // 2)
    ebase = s * EPT

    def chunk_body(ci, carry):
        off = ebase + ci * CHUNK
        pltpu.sync_copy(src.at[pl.ds(off, CHUNK)], srcb)
        pltpu.sync_copy(dst.at[pl.ds(off, CHUNK)], dstb)
        pltpu.async_copy(gp.at[srcb], inrows, sem).wait()
        pltpu.async_copy(atab_sh.at[srcb], abuf_s, sema).wait()
        pltpu.async_copy(atab_sh.at[dstb], abuf_d, semd).wait()

        def edge_body(e, carry2):
            rs = abuf_s[e, pl.ds(0, 16)]
            rd = abuf_d[e, pl.ds(0, 16)]
            a = rs + _take16(rd, jnp.ones((16,), jnp.int32))
            a = jnp.maximum(a, 0.2 * a)
            p = jnp.exp(a - svec)
            bc = _take16(p, jnp.zeros((16,), jnp.int32))
            prow = jnp.where(lane < 1, bc, 0.0)
            outrows[e, pl.ds(32, 16)] = prow
            for hh in range(2):
                outrows[e, pl.ds(hh * 16, 16)] = (
                    inrows[e, pl.ds(cbase + hh * 16, 16)] * bc)
            return carry2

        lax.fori_loop(0, CHUNK, edge_body, 0)
        pltpu.sync_copy(outrows, acc.at[dstb], add=True)
        return carry

    lax.fori_loop(0, NCHUNK, chunk_body, 0)
    plsc.subcore_barrier()
    pltpu.sync_copy(acc.at[pl.ds(base, RPT)], out.at[c].at[pl.ds(base, RPT)])

    @pl.when(s == NS - 1)
    def _out_tail():
        pltpu.sync_copy(acc.at[pl.ds(N - RTAIL, RTAIL)],
                        out.at[c].at[pl.ds(N - RTAIL, RTAIL)])


def _sc2(gp, atab, s2, src, dst):
    mesh = plsc.VectorSubcoreMesh(core_axis_name="c", subcore_axis_name="s")
    return pl.kernel(
        _sc2_body,
        out_type=jax.ShapeDtypeStruct((2, N, ROWW), jnp.float32),
        mesh=mesh,
        compiler_params=pltpu.CompilerParams(
            needs_layout_passes=False, use_tc_tiling_on_sc=False),
        scratch_types=[
            pltpu.VMEM((16,), jnp.float32),
            pltpu.VMEM((CHUNK,), jnp.int32),
            pltpu.VMEM((CHUNK,), jnp.int32),
            pltpu.VMEM((CHUNK, 16), jnp.float32),
            pltpu.VMEM((CHUNK, 16), jnp.float32),
            pltpu.VMEM((CHUNK, ROWW), jnp.float32),
            pltpu.VMEM((CHUNK, ROWW), jnp.float32),
            pltpu.VMEM((CHUNK,), jnp.float32),
            pltpu.VMEM_SHARED((N, 16), jnp.float32),
            pltpu.VMEM_SHARED((N, ROWW), jnp.float32),
            pltpu.SemaphoreType.DMA,
            pltpu.SemaphoreType.DMA,
            pltpu.SemaphoreType.DMA,
        ],
    )(gp, atab, s2, src, dst)


def _k3_body(acc_ref, b2_ref, out_ref):
    A0 = acc_ref[0]
    A1 = acc_ref[1]
    d0 = A0[:, 32:33] + _EPS
    d1 = A1[:, 32:33] + _EPS
    out_ref[...] = (jnp.concatenate([A0[:, :32] / d0, A1[:, :32] / d1], axis=1)
                    + b2_ref[...])


def _k3(acc2, b2):
    return pl.pallas_call(
        _k3_body,
        out_shape=jax.ShapeDtypeStruct((N, D_OUT), jnp.float32),
    )(acc2, b2)


def kernel(x, edge_index, W1, att_src1, att_dst1, b1, W2, att_src2, att_dst2, b2):
    src = edge_index[0].astype(jnp.int32)
    dst = edge_index[1].astype(jnp.int32)
    att_s1 = att_src1.reshape(1, HEADS * HID)
    att_d1 = att_dst1.reshape(1, HEADS * HID)
    h, atab1, S1 = _k1(x, W1, att_s1, att_d1)
    acc1 = _sc1(h, atab1, S1.reshape(16), src, dst)
    gp, atab2, S2 = _k2(acc1, b1.reshape(1, HEADS * HID), W2,
                        att_src2.reshape(D_OUT, 1), att_dst2.reshape(D_OUT, 1))
    acc2 = _sc2(gp, atab2, S2.reshape(16), src, dst)
    return _k3(acc2, b2.reshape(1, D_OUT))

# --- scband reference (transcript-rebuilt; emitter-appended) ---
"""Pipeline reference for scband-flexible-gat-4028679324280 (READ-ONLY COPY).

The authoritative reference and input builder live on the scoring server;
editing this copy changes nothing except your own understanding.
"""

import jax, jax.numpy as jnp
import numpy as np

N = 10000
E = 320000
D_IN = 128
HID = 16
HEADS = 8
D_OUT = 64


def gat_conv(x, edge_index, W, att_src, att_dst, bias, heads, out_ch, concat, num_nodes):
    src = edge_index[0]
    dst = edge_index[1]
    h = (x @ W).reshape(num_nodes, heads, out_ch)          # [N, H, C]
    a_src = (h * att_src).sum(-1)                          # [N, H]
    a_dst = (h * att_dst).sum(-1)                          # [N, H]
    alpha = a_src[src] + a_dst[dst]                        # [E, H]
    alpha = jax.nn.leaky_relu(alpha, negative_slope=0.2)
    amax = jax.ops.segment_max(alpha, dst, num_segments=num_nodes)
    amax = jnp.where(jnp.isfinite(amax), amax, 0.0)
    amax = jax.lax.stop_gradient(amax)
    alpha = jnp.exp(alpha - amax[dst])
    denom = jax.ops.segment_sum(alpha, dst, num_segments=num_nodes)
    alpha = alpha / (denom[dst] + 1e-16)
    msg = h[src] * alpha[..., None]                        # [E, H, C]
    out = jax.ops.segment_sum(msg, dst, num_segments=num_nodes)  # [N, H, C]
    if concat:
        out = out.reshape(num_nodes, heads * out_ch)
    else:
        out = out.mean(axis=1)
    return out + bias


def setup_inputs(seed: int = 0) -> dict:
    key = jax.random.key(seed)
    ks = jax.random.split(key, 12)
    x = jax.random.normal(ks[0], (N, D_IN), dtype=jnp.float32)
    edge_index = jax.random.randint(ks[1], (2, E), 0, N, dtype=jnp.int64)
    s1 = 1.0 / np.sqrt(D_IN)
    W1 = jax.random.uniform(ks[2], (D_IN, HEADS * HID), minval=-s1, maxval=s1, dtype=jnp.float32)
    att_src1 = jax.random.normal(ks[3], (1, HEADS, HID), dtype=jnp.float32) * 0.1
    att_dst1 = jax.random.normal(ks[4], (1, HEADS, HID), dtype=jnp.float32) * 0.1
    b1 = jnp.zeros((HEADS * HID,), dtype=jnp.float32)
    s2 = 1.0 / np.sqrt(HEADS * HID)
    W2 = jax.random.uniform(ks[5], (HEADS * HID, 1 * D_OUT), minval=-s2, maxval=s2, dtype=jnp.float32)
    att_src2 = jax.random.normal(ks[6], (1, 1, D_OUT), dtype=jnp.float32) * 0.1
    att_dst2 = jax.random.normal(ks[7], (1, 1, D_OUT), dtype=jnp.float32) * 0.1
    b2 = jnp.zeros((D_OUT,), dtype=jnp.float32)
    return {"x": x, "edge_index": edge_index, "W1": W1, "att_src1": att_src1,
            "att_dst1": att_dst1, "b1": b1, "W2": W2, "att_src2": att_src2,
            "att_dst2": att_dst2, "b2": b2}


def reference(x, edge_index, W1, att_src1, att_dst1, b1, W2, att_src2, att_dst2, b2):
    # eval mode: dropout p = 0 (training=False, force_dropout=False)
    h = gat_conv(x, edge_index, W1, att_src1, att_dst1, b1, HEADS, HID, True, N)
    h = jax.nn.elu(h)
    out = gat_conv(h, edge_index, W2, att_src2, att_dst2, b2, 1, D_OUT, False, N)
    return out

if __name__ == "__main__":
    import jax
    _d = setup_inputs()
    print(jax.jit(kernel)(*tuple(_d.values())))

</pallas_src>

<mosaic_0001>
#map = affine_map<(d0, d1) -> (0, 0)>
#map1 = affine_map<(d0, d1) -> (0, 0, 0)>
#map2 = affine_map<(d0, d1) -> (0)>
module attributes {stable_mosaic.version = 14 : i64} {
  func.func @_sc1_body(%arg0: i32, %arg1: i32, %arg2: memref<10000x128xf32, #tpu.memory_space<hbm>>, %arg3: memref<2x10000x16xf32, #tpu.memory_space<hbm>>, %arg4: memref<16xf32, #tpu.memory_space<hbm>>, %arg5: memref<320000xi32, #tpu.memory_space<hbm>>, %arg6: memref<320000xi32, #tpu.memory_space<hbm>>, %arg7: memref<2x10000x128xf32, #tpu.memory_space<hbm>>, %arg8: memref<16xf32, #tpu.memory_space<vmem>>, %arg9: memref<16xi32, #tpu.memory_space<vmem>>, %arg10: memref<16xi32, #tpu.memory_space<vmem>>, %arg11: memref<16x16xf32, #tpu.memory_space<vmem>>, %arg12: memref<16x16xf32, #tpu.memory_space<vmem>>, %arg13: memref<16x128xf32, #tpu.memory_space<vmem>>, %arg14: memref<16x128xf32, #tpu.memory_space<vmem>>, %arg15: memref<64xf32, #tpu.memory_space<vmem>>, %arg16: memref<10000x16xf32, #tpu.memory_space<vmem_shared>>, %arg17: memref<10000x128xf32, #tpu.memory_space<vmem_shared>>, %arg18: memref<!tpu.dma_semaphore, #tpu.memory_space<semaphore_mem>>, %arg19: memref<!tpu.dma_semaphore, #tpu.memory_space<semaphore_mem>>, %arg20: memref<!tpu.dma_semaphore, #tpu.memory_space<semaphore_mem>>) attributes {dimension_semantics = [#tpu.dimension_semantics<core_parallel>, #tpu.dimension_semantics<subcore_parallel>], iteration_bounds = array<i64: 2, 16>, scalar_prefetch = 0 : i64, scratch_operands = 13 : i64, tpu.core_type = #tpu.core_type<sc_vector_subcore>, window_params = [{transform_indices = #map}, {transform_indices = #map1}, {transform_indices = #map2}, {transform_indices = #map2}, {transform_indices = #map2}, {transform_indices = #map1}]} {
    %eq3A = arith.constant 0 : i32
    %eq3A_0 = arith.cmpi eq, %arg1, %eq3A : i32
    %convert_element_type3A = arith.extui %eq3A_0 : i1 to i32
    %cond3A = arith.constant 0 : i32
    %cond3A_1 = arith.cmpi ne, %convert_element_type3A, %cond3A : i32
    scf.if %cond3A_1 {
      "tpu.region"() ({
        %run_scoped3A = tpu.sem_alloc : memref<!tpu.dma_semaphore, #tpu.memory_space<semaphore_mem>>
        %dma_start3A = arith.constant 0 : i32
        %dma_start3A_108 = arith.constant 0 : i32
        %dma_start3A_109 = tpu.memref_slice %arg3[%arg0, %dma_start3A, %dma_start3A_108] : memref<2x10000x16xf32, #tpu.memory_space<hbm>> -> memref<1x10000x16xf32, #tpu.memory_space<hbm>>
        %dma_start3A_110 = tpu.memref_squeeze %dma_start3A_109 : memref<1x10000x16xf32, #tpu.memory_space<hbm>> -> memref<10000x16xf32, #tpu.memory_space<hbm>>
        tpu.enqueue_dma source(%dma_start3A_110 : memref<10000x16xf32, #tpu.memory_space<hbm>>) target(%arg16 : memref<10000x16xf32, #tpu.memory_space<vmem_shared>>) target_semaphore(%run_scoped3A : memref<!tpu.dma_semaphore, #tpu.memory_space<semaphore_mem>>)
        %dma_wait3A = arith.constant 0 : i32
        %dma_wait3A_111 = arith.constant 0 : i32
        %dma_wait3A_112 = tpu.memref_slice %arg3[%arg0, %dma_wait3A, %dma_wait3A_111] : memref<2x10000x16xf32, #tpu.memory_space<hbm>> -> memref<1x10000x16xf32, #tpu.memory_space<hbm>>
        %dma_wait3A_113 = tpu.memref_squeeze %dma_wait3A_112 : memref<1x10000x16xf32, #tpu.memory_space<hbm>> -> memref<10000x16xf32, #tpu.memory_space<hbm>>
        tpu.wait_dma2 semaphore(%run_scoped3A : memref<!tpu.dma_semaphore, #tpu.memory_space<semaphore_mem>>) src(%dma_wait3A_113 : memref<10000x16xf32, #tpu.memory_space<hbm>>) dst(%arg16 : memref<10000x16xf32, #tpu.memory_space<vmem_shared>>)
        tpu.yield
      }) : () -> ()
    } else {
    }
    "tpu.region"() ({
      %run_scoped3A = tpu.sem_alloc : memref<!tpu.dma_semaphore, #tpu.memory_space<semaphore_mem>>
      tpu.enqueue_dma source(%arg4 : memref<16xf32, #tpu.memory_space<hbm>>) target(%arg8 : memref<16xf32, #tpu.memory_space<vmem>>) target_semaphore(%run_scoped3A : memref<!tpu.dma_semaphore, #tpu.memory_space<semaphore_mem>>)
      tpu.wait_dma2 semaphore(%run_scoped3A : memref<!tpu.dma_semaphore, #tpu.memory_space<semaphore_mem>>) src(%arg4 : memref<16xf32, #tpu.memory_space<hbm>>) dst(%arg8 : memref<16xf32, #tpu.memory_space<vmem>>)
      tpu.yield
    }) : () -> ()
    %broadcast_in_dim3A = arith.constant 0.000000e+00 : f32
    %broadcast_in_dim3A_2 = vector.broadcast %broadcast_in_dim3A : f32 to vector<16xf32>
    %iota3A = tpu.iota {dimensions = array<i32: 0>} : vector<16xi32>
    %scan3A = arith.constant 0 : i32
    %scan3A_3 = arith.constant 0 : i32
    %scan3A_4 = arith.constant 16 : i32
    %scan3A_5 = arith.addi %scan3A_3, %scan3A_4 : i32
    %scan3A_6 = arith.constant 1 : i32
    scf.for %scan3A_108 = %scan3A_3 to %scan3A_5 step %scan3A_6  : i32 {
      %swap3A = arith.index_cast %scan3A_108 : i32 to index
      %swap3A_109 = arith.constant 0 : index
      %swap3A_110 = tpu.vector_load %arg14[%swap3A, %swap3A_109] {strides = array<i32>} : memref<16x128xf32, #tpu.memory_space<vmem>>, vector<16xf32>,
      tpu.vector_store %arg14[%swap3A, %swap3A_109], %broadcast_in_dim3A_2 {strides = array<i32>} : memref<16x128xf32, #tpu.memory_space<vmem>>, vector<16xf32>,
      %swap3A_111 = arith.index_cast %scan3A_108 : i32 to index
      %swap3A_112 = arith.constant 16 : index
      %swap3A_113 = tpu.vector_load %arg14[%swap3A_111, %swap3A_112] {strides = array<i32>} : memref<16x128xf32, #tpu.memory_space<vmem>>, vector<16xf32>,
      tpu.vector_store %arg14[%swap3A_111, %swap3A_112], %broadcast_in_dim3A_2 {strides = array<i32>} : memref<16x128xf32, #tpu.memory_space<vmem>>, vector<16xf32>,
      %swap3A_114 = arith.index_cast %scan3A_108 : i32 to index
      %swap3A_115 = arith.constant 32 : index
      %swap3A_116 = tpu.vector_load %arg14[%swap3A_114, %swap3A_115] {strides = array<i32>} : memref<16x128xf32, #tpu.memory_space<vmem>>, vector<16xf32>,
      tpu.vector_store %arg14[%swap3A_114, %swap3A_115], %broadcast_in_dim3A_2 {strides = array<i32>} : memref<16x128xf32, #tpu.memory_space<vmem>>, vector<16xf32>,
      %swap3A_117 = arith.index_cast %scan3A_108 : i32 to index
      %swap3A_118 = arith.constant 48 : index
      %swap3A_119 = tpu.vector_load %arg14[%swap3A_117, %swap3A_118] {strides = array<i32>} : memref<16x128xf32, #tpu.memory_space<vmem>>, vector<16xf32>,
      tpu.vector_store %arg14[%swap3A_117, %swap3A_118], %broadcast_in_dim3A_2 {strides = array<i32>} : memref<16x128xf32, #tpu.memory_space<vmem>>, vector<16xf32>,
      %swap3A_120 = arith.index_cast %scan3A_108 : i32 to index
      %swap3A_121 = arith.constant 64 : index
      %swap3A_122 = tpu.vector_load %arg14[%swap3A_120, %swap3A_121] {strides = array<i32>} : memref<16x128xf32, #tpu.memory_space<vmem>>, vector<16xf32>,
      tpu.vector_store %arg14[%swap3A_120, %swap3A_121], %broadcast_in_dim3A_2 {strides = array<i32>} : memref<16x128xf32, #tpu.memory_space<vmem>>, vector<16xf32>,
      %swap3A_123 = arith.index_cast %scan3A_108 : i32 to index
      %swap3A_124 = arith.constant 80 : index
      %swap3A_125 = tpu.vector_load %arg14[%swap3A_123, %swap3A_124] {strides = array<i32>} : memref<16x128xf32, #tpu.memory_space<vmem>>, vector<16xf32>,
      tpu.vector_store %arg14[%swap3A_123, %swap3A_124], %broadcast_in_dim3A_2 {strides = array<i32>} : memref<16x128xf32, #tpu.memory_space<vmem>>, vector<16xf32>,
      %swap3A_126 = arith.index_cast %scan3A_108 : i32 to index
      %swap3A_127 = arith.constant 96 : index
      %swap3A_128 = tpu.vector_load %arg14[%swap3A_126, %swap3A_127] {strides = array<i32>} : memref<16x128xf32, #tpu.memory_space<vmem>>, vector<16xf32>,
      tpu.vector_store %arg14[%swap3A_126, %swap3A_127], %broadcast_in_dim3A_2 {strides = array<i32>} : memref<16x128xf32, #tpu.memory_space<vmem>>, vector<16xf32>,
      %swap3A_129 = arith.index_cast %scan3A_108 : i32 to index
      %swap3A_130 = arith.constant 112 : index
      %swap3A_131 = tpu.vector_load %arg14[%swap3A_129, %swap3A_130] {strides = array<i32>} : memref<16x128xf32, #tpu.memory_space<vmem>>, vector<16xf32>,
      tpu.vector_store %arg14[%swap3A_129, %swap3A_130], %broadcast_in_dim3A_2 {strides = array<i32>} : memref<16x128xf32, #tpu.memory_space<vmem>>, vector<16xf32>,
    }
    %scan3A_7 = arith.constant 16 : i32
    %mul3A = arith.constant 624 : i32
    %mul3A_8 = arith.muli %arg1, %mul3A : i32
    %add3A = arith.constant 0 : i32
    %add3A_9 = arith.addi %mul3A_8, %add3A : i32
    "tpu.region"() ({
      %run_scoped3A = tpu.sem_alloc : memref<!tpu.dma_semaphore, #tpu.memory_space<semaphore_mem>>
      %dma_start3A = arith.constant 0 : i32
      %dma_start3A_108 = tpu.memref_slice %arg17[%add3A_9, %dma_start3A] : memref<10000x128xf32, #tpu.memory_space<vmem_shared>> -> memref<16x128xf32, #tpu.memory_space<vmem_shared>>
      %dma_start3A_109 = arith.constant 0 : i32
      %dma_start3A_110 = tpu.memref_slice %arg17[%add3A_9, %dma_start3A_109] : memref<10000x128xf32, #tpu.memory_space<vmem_shared>> -> memref<16x128xf32, #tpu.memory_space<vmem_shared>>
      tpu.enqueue_dma source(%arg14 : memref<16x128xf32, #tpu.memory_space<vmem>>) target(%dma_start3A_110 : memref<16x128xf32, #tpu.memory_space<vmem_shared>>) target_semaphore(%run_scoped3A : memref<!tpu.dma_semaphore, #tpu.memory_space<semaphore_mem>>)
      %dma_wait3A = arith.constant 0 : i32
      %dma_wait3A_111 = tpu.memref_slice %arg17[%add3A_9, %dma_wait3A] : memref<10000x128xf32, #tpu.memory_space<vmem_shared>> -> memref<16x128xf32, #tpu.memory_space<vmem_shared>>
      %dma_wait3A_112 = arith.constant 0 : i32
      %dma_wait3A_113 = tpu.memref_slice %arg17[%add3A_9, %dma_wait3A_112] : memref<10000x128xf32, #tpu.memory_space<vmem_shared>> -> memref<16x128xf32, #tpu.memory_space<vmem_shared>>
      tpu.wait_dma2 semaphore(%run_scoped3A : memref<!tpu.dma_semaphore, #tpu.memory_space<semaphore_mem>>) src(%arg14 : memref<16x128xf32, #tpu.memory_space<vmem>>) dst(%dma_wait3A_113 : memref<16x128xf32, #tpu.memory_space<vmem_shared>>)
      tpu.yield
    }) : () -> ()
    %add3A_10 = arith.constant 16 : i32
    %add3A_11 = arith.addi %mul3A_8, %add3A_10 : i32
    "tpu.region"() ({
      %run_scoped3A = tpu.sem_alloc : memref<!tpu.dma_semaphore, #tpu.memory_space<semaphore_mem>>
      %dma_start3A = arith.constant 0 : i32
      %dma_start3A_108 = tpu.memref_slice %arg17[%add3A_11, %dma_start3A] : memref<10000x128xf32, #tpu.memory_space<vmem_shared>> -> memref<16x128xf32, #tpu.memory_space<vmem_shared>>
      %dma_start3A_109 = arith.constant 0 : i32
      %dma_start3A_110 = tpu.memref_slice %arg17[%add3A_11, %dma_start3A_109] : memref<10000x128xf32, #tpu.memory_space<vmem_shared>> -> memref<16x128xf32, #tpu.memory_space<vmem_shared>>
      tpu.enqueue_dma source(%arg14 : memref<16x128xf32, #tpu.memory_space<vmem>>) target(%dma_start3A_110 : memref<16x128xf32, #tpu.memory_space<vmem_shared>>) target_semaphore(%run_scoped3A : memref<!tpu.dma_semaphore, #tpu.memory_space<semaphore_mem>>)
      %dma_wait3A = arith.constant 0 : i32
      %dma_wait3A_111 = tpu.memref_slice %arg17[%add3A_11, %dma_wait3A] : memref<10000x128xf32, #tpu.memory_space<vmem_shared>> -> memref<16x128xf32, #tpu.memory_space<vmem_shared>>
      %dma_wait3A_112 = arith.constant 0 : i32
      %dma_wait3A_113 = tpu.memref_slice %arg17[%add3A_11, %dma_wait3A_112] : memref<10000x128xf32, #tpu.memory_space<vmem_shared>> -> memref<16x128xf32, #tpu.memory_space<vmem_shared>>
      tpu.wait_dma2 semaphore(%run_scoped3A : memref<!tpu.dma_semaphore, #tpu.memory_space<semaphore_mem>>) src(%arg14 : memref<16x128xf32, #tpu.memory_space<vmem>>) dst(%dma_wait3A_113 : memref<16x128xf32, #tpu.memory_space<vmem_shared>>)
      tpu.yield
    }) : () -> ()
    %add3A_12 = arith.constant 32 : i32
    %add3A_13 = arith.addi %mul3A_8, %add3A_12 : i32
    "tpu.region"() ({
      %run_scoped3A = tpu.sem_alloc : memref<!tpu.dma_semaphore, #tpu.memory_space<semaphore_mem>>
      %dma_start3A = arith.constant 0 : i32
      %dma_start3A_108 = tpu.memref_slice %arg17[%add3A_13, %dma_start3A] : memref<10000x128xf32, #tpu.memory_space<vmem_shared>> -> memref<16x128xf32, #tpu.memory_space<vmem_shared>>
      %dma_start3A_109 = arith.constant 0 : i32
      %dma_start3A_110 = tpu.memref_slice %arg17[%add3A_13, %dma_start3A_109] : memref<10000x128xf32, #tpu.memory_space<vmem_shared>> -> memref<16x128xf32, #tpu.memory_space<vmem_shared>>
      tpu.enqueue_dma source(%arg14 : memref<16x128xf32, #tpu.memory_space<vmem>>) target(%dma_start3A_110 : memref<16x128xf32, #tpu.memory_space<vmem_shared>>) target_semaphore(%run_scoped3A : memref<!tpu.dma_semaphore, #tpu.memory_space<semaphore_mem>>)
      %dma_wait3A = arith.constant 0 : i32
      %dma_wait3A_111 = tpu.memref_slice %arg17[%add3A_13, %dma_wait3A] : memref<10000x128xf32, #tpu.memory_space<vmem_shared>> -> memref<16x128xf32, #tpu.memory_space<vmem_shared>>
      %dma_wait3A_112 = arith.constant 0 : i32
      %dma_wait3A_113 = tpu.memref_slice %arg17[%add3A_13, %dma_wait3A_112] : memref<10000x128xf32, #tpu.memory_space<vmem_shared>> -> memref<16x128xf32, #tpu.memory_space<vmem_shared>>
      tpu.wait_dma2 semaphore(%run_scoped3A : memref<!tpu.dma_semaphore, #tpu.memory_space<semaphore_mem>>) src(%arg14 : memref<16x128xf32, #tpu.memory_space<vmem>>) dst(%dma_wait3A_113 : memref<16x128xf32, #tpu.memory_space<vmem_shared>>)
      tpu.yield
    }) : () -> ()
    %add3A_14 = arith.constant 48 : i32
    %add3A_15 = arith.addi %mul3A_8, %add3A_14 : i32
    "tpu.region"() ({
      %run_scoped3A = tpu.sem_alloc : memref<!tpu.dma_semaphore, #tpu.memory_space<semaphore_mem>>
      %dma_start3A = arith.constant 0 : i32
      %dma_start3A_108 = tpu.memref_slice %arg17[%add3A_15, %dma_start3A] : memref<10000x128xf32, #tpu.memory_space<vmem_shared>> -> memref<16x128xf32, #tpu.memory_space<vmem_shared>>
      %dma_start3A_109 = arith.constant 0 : i32
      %dma_start3A_110 = tpu.memref_slice %arg17[%add3A_15, %dma_start3A_109] : memref<10000x128xf32, #tpu.memory_space<vmem_shared>> -> memref<16x128xf32, #tpu.memory_space<vmem_shared>>
      tpu.enqueue_dma source(%arg14 : memref<16x128xf32, #tpu.memory_space<vmem>>) target(%dma_start3A_110 : memref<16x128xf32, #tpu.memory_space<vmem_shared>>) target_semaphore(%run_scoped3A : memref<!tpu.dma_semaphore, #tpu.memory_space<semaphore_mem>>)
      %dma_wait3A = arith.constant 0 : i32
      %dma_wait3A_111 = tpu.memref_slice %arg17[%add3A_15, %dma_wait3A] : memref<10000x128xf32, #tpu.memory_space<vmem_shared>> -> memref<16x128xf32, #tpu.memory_space<vmem_shared>>
      %dma_wait3A_112 = arith.constant 0 : i32
      %dma_wait3A_113 = tpu.memref_slice %arg17[%add3A_15, %dma_wait3A_112] : memref<10000x128xf32, #tpu.memory_space<vmem_shared>> -> memref<16x128xf32, #tpu.memory_space<vmem_shared>>
      tpu.wait_dma2 semaphore(%run_scoped3A : memref<!tpu.dma_semaphore, #tpu.memory_space<semaphore_mem>>) src(%arg14 : memref<16x128xf32, #tpu.memory_space<vmem>>) dst(%dma_wait3A_113 : memref<16x128xf32, #tpu.memory_space<vmem_shared>>)
      tpu.yield
    }) : () -> ()
    %add3A_16 = arith.constant 64 : i32
    %add3A_17 = arith.addi %mul3A_8, %add3A_16 : i32
    "tpu.region"() ({
      %run_scoped3A = tpu.sem_alloc : memref<!tpu.dma_semaphore, #tpu.memory_space<semaphore_mem>>
      %dma_start3A = arith.constant 0 : i32
      %dma_start3A_108 = tpu.memref_slice %arg17[%add3A_17, %dma_start3A] : memref<10000x128xf32, #tpu.memory_space<vmem_shared>> -> memref<16x128xf32, #tpu.memory_space<vmem_shared>>
      %dma_start3A_109 = arith.constant 0 : i32
      %dma_start3A_110 = tpu.memref_slice %arg17[%add3A_17, %dma_start3A_109] : memref<10000x128xf32, #tpu.memory_space<vmem_shared>> -> memref<16x128xf32, #tpu.memory_space<vmem_shared>>
      tpu.enqueue_dma source(%arg14 : memref<16x128xf32, #tpu.memory_space<vmem>>) target(%dma_start3A_110 : memref<16x128xf32, #tpu.memory_space<vmem_shared>>) target_semaphore(%run_scoped3A : memref<!tpu.dma_semaphore, #tpu.memory_space<semaphore_mem>>)
      %dma_wait3A = arith.constant 0 : i32
      %dma_wait3A_111 = tpu.memref_slice %arg17[%add3A_17, %dma_wait3A] : memref<10000x128xf32, #tpu.memory_space<vmem_shared>> -> memref<16x128xf32, #tpu.memory_space<vmem_shared>>
      %dma_wait3A_112 = arith.constant 0 : i32
      %dma_wait3A_113 = tpu.memref_slice %arg17[%add3A_17, %dma_wait3A_112] : memref<10000x128xf32, #tpu.memory_space<vmem_shared>> -> memref<16x128xf32, #tpu.memory_space<vmem_shared>>
      tpu.wait_dma2 semaphore(%run_scoped3A : memref<!tpu.dma_semaphore, #tpu.memory_space<semaphore_mem>>) src(%arg14 : memref<16x128xf32, #tpu.memory_space<vmem>>) dst(%dma_wait3A_113 : memref<16x128xf32, #tpu.memory_space<vmem_shared>>)
      tpu.yield
    }) : () -> ()
    %add3A_18 = arith.constant 80 : i32
    %add3A_19 = arith.addi %mul3A_8, %add3A_18 : i32
    "tpu.region"() ({
      %run_scoped3A = tpu.sem_alloc : memref<!tpu.dma_semaphore, #tpu.memory_space<semaphore_mem>>
      %dma_start3A = arith.constant 0 : i32
      %dma_start3A_108 = tpu.memref_slice %arg17[%add3A_19, %dma_start3A] : memref<10000x128xf32, #tpu.memory_space<vmem_shared>> -> memref<16x128xf32, #tpu.memory_space<vmem_shared>>
      %dma_start3A_109 = arith.constant 0 : i32
      %dma_start3A_110 = tpu.memref_slice %arg17[%add3A_19, %dma_start3A_109] : memref<10000x128xf32, #tpu.memory_space<vmem_shared>> -> memref<16x128xf32, #tpu.memory_space<vmem_shared>>
      tpu.enqueue_dma source(%arg14 : memref<16x128xf32, #tpu.memory_space<vmem>>) target(%dma_start3A_110 : memref<16x128xf32, #tpu.memory_space<vmem_shared>>) target_semaphore(%run_scoped3A : memref<!tpu.dma_semaphore, #tpu.memory_space<semaphore_mem>>)
      %dma_wait3A = arith.constant 0 : i32
      %dma_wait3A_111 = tpu.memref_slice %arg17[%add3A_19, %dma_wait3A] : memref<10000x128xf32, #tpu.memory_space<vmem_shared>> -> memref<16x128xf32, #tpu.memory_space<vmem_shared>>
      %dma_wait3A_112 = arith.constant 0 : i32
      %dma_wait3A_113 = tpu.memref_slice %arg17[%add3A_19, %dma_wait3A_112] : memref<10000x128xf32, #tpu.memory_space<vmem_shared>> -> memref<16x128xf32, #tpu.memory_space<vmem_shared>>
      tpu.wait_dma2 semaphore(%run_scoped3A : memref<!tpu.dma_semaphore, #tpu.memory_space<semaphore_mem>>) src(%arg14 : memref<16x128xf32, #tpu.memory_space<vmem>>) dst(%dma_wait3A_113 : memref<16x128xf32, #tpu.memory_space<vmem_shared>>)
      tpu.yield
    }) : () -> ()
    %add3A_20 = arith.constant 96 : i32
    %add3A_21 = arith.addi %mul3A_8, %add3A_20 : i32
    "tpu.region"() ({
      %run_scoped3A = tpu.sem_alloc : memref<!tpu.dma_semaphore, #tpu.memory_space<semaphore_mem>>
      %dma_start3A = arith.constant 0 : i32
      %dma_start3A_108 = tpu.memref_slice %arg17[%add3A_21, %dma_start3A] : memref<10000x128xf32, #tpu.memory_space<vmem_shared>> -> memref<16x128xf32, #tpu.memory_space<vmem_shared>>
      %dma_start3A_109 = arith.constant 0 : i32
      %dma_start3A_110 = tpu.memref_slice %arg17[%add3A_21, %dma_start3A_109] : memref<10000x128xf32, #tpu.memory_space<vmem_shared>> -> memref<16x128xf32, #tpu.memory_space<vmem_shared>>
      tpu.enqueue_dma source(%arg14 : memref<16x128xf32, #tpu.memory_space<vmem>>) target(%dma_start3A_110 : memref<16x128xf32, #tpu.memory_space<vmem_shared>>) target_semaphore(%run_scoped3A : memref<!tpu.dma_semaphore, #tpu.memory_space<semaphore_mem>>)
      %dma_wait3A = arith.constant 0 : i32
      %dma_wait3A_111 = tpu.memref_slice %arg17[%add3A_21, %dma_wait3A] : memref<10000x128xf32, #tpu.memory_space<vmem_shared>> -> memref<16x128xf32, #tpu.memory_space<vmem_shared>>
      %dma_wait3A_112 = arith.constant 0 : i32
      %dma_wait3A_113 = tpu.memref_slice %arg17[%add3A_21, %dma_wait3A_112] : memref<10000x128xf32, #tpu.memory_space<vmem_shared>> -> memref<16x128xf32, #tpu.memory_space<vmem_shared>>
      tpu.wait_dma2 semaphore(%run_scoped3A : memref<!tpu.dma_semaphore, #tpu.memory_space<semaphore_mem>>) src(%arg14 : memref<16x128xf32, #tpu.memory_space<vmem>>) dst(%dma_wait3A_113 : memref<16x128xf32, #tpu.memory_space<vmem_shared>>)
      tpu.yield
    }) : () -> ()
    %add3A_22 = arith.constant 112 : i32
    %add3A_23 = arith.addi %mul3A_8, %add3A_22 : i32
    "tpu.region"() ({
      %run_scoped3A = tpu.sem_alloc : memref<!tpu.dma_semaphore, #tpu.memory_space<semaphore_mem>>
      %dma_start3A = arith.constant 0 : i32
      %dma_start3A_108 = tpu.memref_slice %arg17[%add3A_23, %dma_start3A] : memref<10000x128xf32, #tpu.memory_space<vmem_shared>> -> memref<16x128xf32, #tpu.memory_space<vmem_shared>>
      %dma_start3A_109 = arith.constant 0 : i32
      %dma_start3A_110 = tpu.memref_slice %arg17[%add3A_23, %dma_start3A_109] : memref<10000x128xf32, #tpu.memory_space<vmem_shared>> -> memref<16x128xf32, #tpu.memory_space<vmem_shared>>
      tpu.enqueue_dma source(%arg14 : memref<16x128xf32, #tpu.memory_space<vmem>>) target(%dma_start3A_110 : memref<16x128xf32, #tpu.memory_space<vmem_shared>>) target_semaphore(%run_scoped3A : memref<!tpu.dma_semaphore, #tpu.memory_space<semaphore_mem>>)
      %dma_wait3A = arith.constant 0 : i32
      %dma_wait3A_111 = tpu.memref_slice %arg17[%add3A_23, %dma_wait3A] : memref<10000x128xf32, #tpu.memory_space<vmem_shared>> -> memref<16x128xf32, #tpu.memory_space<vmem_shared>>
      %dma_wait3A_112 = arith.constant 0 : i32
      %dma_wait3A_113 = tpu.memref_slice %arg17[%add3A_23, %dma_wait3A_112] : memref<10000x128xf32, #tpu.memory_space<vmem_shared>> -> memref<16x128xf32, #tpu.memory_space<vmem_shared>>
      tpu.wait_dma2 semaphore(%run_scoped3A : memref<!tpu.dma_semaphore, #tpu.memory_space<semaphore_mem>>) src(%arg14 : memref<16x128xf32, #tpu.memory_space<vmem>>) dst(%dma_wait3A_113 : memref<16x128xf32, #tpu.memory_space<vmem_shared>>)
      tpu.yield
    }) : () -> ()
    %add3A_24 = arith.constant 128 : i32
    %add3A_25 = arith.addi %mul3A_8, %add3A_24 : i32
    "tpu.region"() ({
      %run_scoped3A = tpu.sem_alloc : memref<!tpu.dma_semaphore, #tpu.memory_space<semaphore_mem>>
      %dma_start3A = arith.constant 0 : i32
      %dma_start3A_108 = tpu.memref_slice %arg17[%add3A_25, %dma_start3A] : memref<10000x128xf32, #tpu.memory_space<vmem_shared>> -> memref<16x128xf32, #tpu.memory_space<vmem_shared>>
      %dma_start3A_109 = arith.constant 0 : i32
      %dma_start3A_110 = tpu.memref_slice %arg17[%add3A_25, %dma_start3A_109] : memref<10000x128xf32, #tpu.memory_space<vmem_shared>> -> memref<16x128xf32, #tpu.memory_space<vmem_shared>>
      tpu.enqueue_dma source(%arg14 : memref<16x128xf32, #tpu.memory_space<vmem>>) target(%dma_start3A_110 : memref<16x128xf32, #tpu.memory_space<vmem_shared>>) target_semaphore(%run_scoped3A : memref<!tpu.dma_semaphore, #tpu.memory_space<semaphore_mem>>)
      %dma_wait3A = arith.constant 0 : i32
      %dma_wait3A_111 = tpu.memref_slice %arg17[%add3A_25, %dma_wait3A] : memref<10000x128xf32, #tpu.memory_space<vmem_shared>> -> memref<16x128xf32, #tpu.memory_space<vmem_shared>>
      %dma_wait3A_112 = arith.constant 0 : i32
      %dma_wait3A_113 = tpu.memref_slice %arg17[%add3A_25, %dma_wait3A_112] : memref<10000x128xf32, #tpu.memory_space<vmem_shared>> -> memref<16x128xf32, #tpu.memory_space<vmem_shared>>
      tpu.wait_dma2 semaphore(%run_scoped3A : memref<!tpu.dma_semaphore, #tpu.memory_space<semaphore_mem>>) src(%arg14 : memref<16x128xf32, #tpu.memory_space<vmem>>) dst(%dma_wait3A_113 : memref<16x128xf32, #tpu.memory_space<vmem_shared>>)
      tpu.yield
    }) : () -> ()
    %add3A_26 = arith.constant 144 : i32
    %add3A_27 = arith.addi %mul3A_8, %add3A_26 : i32
    "tpu.region"() ({
      %run_scoped3A = tpu.sem_alloc : memref<!tpu.dma_semaphore, #tpu.memory_space<semaphore_mem>>
      %dma_start3A = arith.constant 0 : i32
      %dma_start3A_108 = tpu.memref_slice %arg17[%add3A_27, %dma_start3A] : memref<10000x128xf32, #tpu.memory_space<vmem_shared>> -> memref<16x128xf32, #tpu.memory_space<vmem_shared>>
      %dma_start3A_109 = arith.constant 0 : i32
      %dma_start3A_110 = tpu.memref_slice %arg17[%add3A_27, %dma_start3A_109] : memref<10000x128xf32, #tpu.memory_space<vmem_shared>> -> memref<16x128xf32, #tpu.memory_space<vmem_shared>>
      tpu.enqueue_dma source(%arg14 : memref<16x128xf32, #tpu.memory_space<vmem>>) target(%dma_start3A_110 : memref<16x128xf32, #tpu.memory_space<vmem_shared>>) target_semaphore(%run_scoped3A : memref<!tpu.dma_semaphore, #tpu.memory_space<semaphore_mem>>)
      %dma_wait3A = arith.constant 0 : i32
      %dma_wait3A_111 = tpu.memref_slice %arg17[%add3A_27, %dma_wait3A] : memref<10000x128xf32, #tpu.memory_space<vmem_shared>> -> memref<16x128xf32, #tpu.memory_space<vmem_shared>>
      %dma_wait3A_112 = arith.constant 0 : i32
      %dma_wait3A_113 = tpu.memref_slice %arg17[%add3A_27, %dma_wait3A_112] : memref<10000x128xf32, #tpu.memory_space<vmem_shared>> -> memref<16x128xf32, #tpu.memory_space<vmem_shared>>
      tpu.wait_dma2 semaphore(%run_scoped3A : memref<!tpu.dma_semaphore, #tpu.memory_space<semaphore_mem>>) src(%arg14 : memref<16x128xf32, #tpu.memory_space<vmem>>) dst(%dma_wait3A_113 : memref<16x128xf32, #tpu.memory_space<vmem_shared>>)
      tpu.yield
    }) : () -> ()
    %add3A_28 = arith.constant 160 : i32
    %add3A_29 = arith.addi %mul3A_8, %add3A_28 : i32
    "tpu.region"() ({
      %run_scoped3A = tpu.sem_alloc : memref<!tpu.dma_semaphore, #tpu.memory_space<semaphore_mem>>
      %dma_start3A = arith.constant 0 : i32
      %dma_start3A_108 = tpu.memref_slice %arg17[%add3A_29, %dma_start3A] : memref<10000x128xf32, #tpu.memory_space<vmem_shared>> -> memref<16x128xf32, #tpu.memory_space<vmem_shared>>
      %dma_start3A_109 = arith.constant 0 : i32
      %dma_start3A_110 = tpu.memref_slice %arg17[%add3A_29, %dma_start3A_109] : memref<10000x128xf32, #tpu.memory_space<vmem_shared>> -> memref<16x128xf32, #tpu.memory_space<vmem_shared>>
      tpu.enqueue_dma source(%arg14 : memref<16x128xf32, #tpu.memory_space<vmem>>) target(%dma_start3A_110 : memref<16x128xf32, #tpu.memory_space<vmem_shared>>) target_semaphore(%run_scoped3A : memref<!tpu.dma_semaphore, #tpu.memory_space<semaphore_mem>>)
      %dma_wait3A = arith.constant 0 : i32
      %dma_wait3A_111 = tpu.memref_slice %arg17[%add3A_29, %dma_wait3A] : memref<10000x128xf32, #tpu.memory_space<vmem_shared>> -> memref<16x128xf32, #tpu.memory_space<vmem_shared>>
      %dma_wait3A_112 = arith.constant 0 : i32
      %dma_wait3A_113 = tpu.memref_slice %arg17[%add3A_29, %dma_wait3A_112] : memref<10000x128xf32, #tpu.memory_space<vmem_shared>> -> memref<16x128xf32, #tpu.memory_space<vmem_shared>>
      tpu.wait_dma2 semaphore(%run_scoped3A : memref<!tpu.dma_semaphore, #tpu.memory_space<semaphore_mem>>) src(%arg14 : memref<16x128xf32, #tpu.memory_space<vmem>>) dst(%dma_wait3A_113 : memref<16x128xf32, #tpu.memory_space<vmem_shared>>)
      tpu.yield
    }) : () -> ()
    %add3A_30 = arith.constant 176 : i32
    %add3A_31 = arith.addi %mul3A_8, %add3A_30 : i32
    "tpu.region"() ({
      %run_scoped3A = tpu.sem_alloc : memref<!tpu.dma_semaphore, #tpu.memory_space<semaphore_mem>>
      %dma_start3A = arith.constant 0 : i32
      %dma_start3A_108 = tpu.memref_slice %arg17[%add3A_31, %dma_start3A] : memref<10000x128xf32, #tpu.memory_space<vmem_shared>> -> memref<16x128xf32, #tpu.memory_space<vmem_shared>>
      %dma_start3A_109 = arith.constant 0 : i32
      %dma_start3A_110 = tpu.memref_slice %arg17[%add3A_31, %dma_start3A_109] : memref<10000x128xf32, #tpu.memory_space<vmem_shared>> -> memref<16x128xf32, #tpu.memory_space<vmem_shared>>
      tpu.enqueue_dma source(%arg14 : memref<16x128xf32, #tpu.memory_space<vmem>>) target(%dma_start3A_110 : memref<16x128xf32, #tpu.memory_space<vmem_shared>>) target_semaphore(%run_scoped3A : memref<!tpu.dma_semaphore, #tpu.memory_space<semaphore_mem>>)
      %dma_wait3A = arith.constant 0 : i32
      %dma_wait3A_111 = tpu.memref_slice %arg17[%add3A_31, %dma_wait3A] : memref<10000x128xf32, #tpu.memory_space<vmem_shared>> -> memref<16x128xf32, #tpu.memory_space<vmem_shared>>
      %dma_wait3A_112 = arith.constant 0 : i32
      %dma_wait3A_113 = tpu.memref_slice %arg17[%add3A_31, %dma_wait3A_112] : memref<10000x128xf32, #tpu.memory_space<vmem_shared>> -> memref<16x128xf32, #tpu.memory_space<vmem_shared>>
      tpu.wait_dma2 semaphore(%run_scoped3A : memref<!tpu.dma_semaphore, #tpu.memory_space<semaphore_mem>>) src(%arg14 : memref<16x128xf32, #tpu.memory_space<vmem>>) dst(%dma_wait3A_113 : memref<16x128xf32, #tpu.memory_space<vmem_shared>>)
      tpu.yield
    }) : () -> ()
    %add3A_32 = arith.constant 192 : i32
    %add3A_33 = arith.addi %mul3A_8, %add3A_32 : i32
    "tpu.region"() ({
      %run_scoped3A = tpu.sem_alloc : memref<!tpu.dma_semaphore, #tpu.memory_space<semaphore_mem>>
      %dma_start3A = arith.constant 0 : i32
      %dma_start3A_108 = tpu.memref_slice %arg17[%add3A_33, %dma_start3A] : memref<10000x128xf32, #tpu.memory_space<vmem_shared>> -> memref<16x128xf32, #tpu.memory_space<vmem_shared>>
      %dma_start3A_109 = arith.constant 0 : i32
      %dma_start3A_110 = tpu.memref_slice %arg17[%add3A_33, %dma_start3A_109] : memref<10000x128xf32, #tpu.memory_space<vmem_shared>> -> memref<16x128xf32, #tpu.memory_space<vmem_shared>>
      tpu.enqueue_dma source(%arg14 : memref<16x128xf32, #tpu.memory_space<vmem>>) target(%dma_start3A_110 : memref<16x128xf32, #tpu.memory_space<vmem_shared>>) target_semaphore(%run_scoped3A : memref<!tpu.dma_semaphore, #tpu.memory_space<semaphore_mem>>)
      %dma_wait3A = arith.constant 0 : i32
      %dma_wait3A_111 = tpu.memref_slice %arg17[%add3A_33, %dma_wait3A] : memref<10000x128xf32, #tpu.memory_space<vmem_shared>> -> memref<16x128xf32, #tpu.memory_space<vmem_shared>>
      %dma_wait3A_112 = arith.constant 0 : i32
      %dma_wait3A_113 = tpu.memref_slice %arg17[%add3A_33, %dma_wait3A_112] : memref<10000x128xf32, #tpu.memory_space<vmem_shared>> -> memref<16x128xf32, #tpu.memory_space<vmem_shared>>
      tpu.wait_dma2 semaphore(%run_scoped3A : memref<!tpu.dma_semaphore, #tpu.memory_space<semaphore_mem>>) src(%arg14 : memref<16x128xf32, #tpu.memory_space<vmem>>) dst(%dma_wait3A_113 : memref<16x128xf32, #tpu.memory_space<vmem_shared>>)
      tpu.yield
    }) : () -> ()
    %add3A_34 = arith.constant 208 : i32
    %add3A_35 = arith.addi %mul3A_8, %add3A_34 : i32
    "tpu.region"() ({
      %run_scoped3A = tpu.sem_alloc : memref<!tpu.dma_semaphore, #tpu.memory_space<semaphore_mem>>
      %dma_start3A = arith.constant 0 : i32
      %dma_start3A_108 = tpu.memref_slice %arg17[%add3A_35, %dma_start3A] : memref<10000x128xf32, #tpu.memory_space<vmem_shared>> -> memref<16x128xf32, #tpu.memory_space<vmem_shared>>
      %dma_start3A_109 = arith.constant 0 : i32
      %dma_start3A_110 = tpu.memref_slice %arg17[%add3A_35, %dma_start3A_109] : memref<10000x128xf32, #tpu.memory_space<vmem_shared>> -> memref<16x128xf32, #tpu.memory_space<vmem_shared>>
      tpu.enqueue_dma source(%arg14 : memref<16x128xf32, #tpu.memory_space<vmem>>) target(%dma_start3A_110 : memref<16x128xf32, #tpu.memory_space<vmem_shared>>) target_semaphore(%run_scoped3A : memref<!tpu.dma_semaphore, #tpu.memory_space<semaphore_mem>>)
      %dma_wait3A = arith.constant 0 : i32
      %dma_wait3A_111 = tpu.memref_slice %arg17[%add3A_35, %dma_wait3A] : memref<10000x128xf32, #tpu.memory_space<vmem_shared>> -> memref<16x128xf32, #tpu.memory_space<vmem_shared>>
      %dma_wait3A_112 = arith.constant 0 : i32
      %dma_wait3A_113 = tpu.memref_slice %arg17[%add3A_35, %dma_wait3A_112] : memref<10000x128xf32, #tpu.memory_space<vmem_shared>> -> memref<16x128xf32, #tpu.memory_space<vmem_shared>>
      tpu.wait_dma2 semaphore(%run_scoped3A : memref<!tpu.dma_semaphore, #tpu.memory_space<semaphore_mem>>) src(%arg14 : memref<16x128xf32, #tpu.memory_space<vmem>>) dst(%dma_wait3A_113 : memref<16x128xf32, #tpu.memory_space<vmem_shared>>)
      tpu.yield
    }) : () -> ()
    %add3A_36 = arith.constant 224 : i32
    %add3A_37 = arith.addi %mul3A_8, %add3A_36 : i32
    "tpu.region"() ({
      %run_scoped3A = tpu.sem_alloc : memref<!tpu.dma_semaphore, #tpu.memory_space<semaphore_mem>>
      %dma_start3A = arith.constant 0 : i32
      %dma_start3A_108 = tpu.memref_slice %arg17[%add3A_37, %dma_start3A] : memref<10000x128xf32, #tpu.memory_space<vmem_shared>> -> memref<16x128xf32, #tpu.memory_space<vmem_shared>>
      %dma_start3A_109 = arith.constant 0 : i32
      %dma_start3A_110 = tpu.memref_slice %arg17[%add3A_37, %dma_start3A_109] : memref<10000x128xf32, #tpu.memory_space<vmem_shared>> -> memref<16x128xf32, #tpu.memory_space<vmem_shared>>
      tpu.enqueue_dma source(%arg14 : memref<16x128xf32, #tpu.memory_space<vmem>>) target(%dma_start3A_110 : memref<16x128xf32, #tpu.memory_space<vmem_shared>>) target_semaphore(%run_scoped3A : memref<!tpu.dma_semaphore, #tpu.memory_space<semaphore_mem>>)
      %dma_wait3A = arith.constant 0 : i32
      %dma_wait3A_111 = tpu.memref_slice %arg17[%add3A_37, %dma_wait3A] : memref<10000x128xf32, #tpu.memory_space<vmem_shared>> -> memref<16x128xf32, #tpu.memory_space<vmem_shared>>
      %dma_wait3A_112 = arith.constant 0 : i32
      %dma_wait3A_113 = tpu.memref_slice %arg17[%add3A_37, %dma_wait3A_112] : memref<10000x128xf32, #tpu.memory_space<vmem_shared>> -> memref<16x128xf32, #tpu.memory_space<vmem_shared>>
      tpu.wait_dma2 semaphore(%run_scoped3A : memref<!tpu.dma_semaphore, #tpu.memory_space<semaphore_mem>>) src(%arg14 : memref<16x128xf32, #tpu.memory_space<vmem>>) dst(%dma_wait3A_113 : memref<16x128xf32, #tpu.memory_space<vmem_shared>>)
      tpu.yield
    }) : () -> ()
    %add3A_38 = arith.constant 240 : i32
    %add3A_39 = arith.addi %mul3A_8, %add3A_38 : i32
    "tpu.region"() ({
      %run_scoped3A = tpu.sem_alloc : memref<!tpu.dma_semaphore, #tpu.memory_space<semaphore_mem>>
      %dma_start3A = arith.constant 0 : i32
      %dma_start3A_108 = tpu.memref_slice %arg17[%add3A_39, %dma_start3A] : memref<10000x128xf32, #tpu.memory_space<vmem_shared>> -> memref<16x128xf32, #tpu.memory_space<vmem_shared>>
      %dma_start3A_109 = arith.constant 0 : i32
      %dma_start3A_110 = tpu.memref_slice %arg17[%add3A_39, %dma_start3A_109] : memref<10000x128xf32, #tpu.memory_space<vmem_shared>> -> memref<16x128xf32, #tpu.memory_space<vmem_shared>>
      tpu.enqueue_dma source(%arg14 : memref<16x128xf32, #tpu.memory_space<vmem>>) target(%dma_start3A_110 : memref<16x128xf32, #tpu.memory_space<vmem_shared>>) target_semaphore(%run_scoped3A : memref<!tpu.dma_semaphore, #tpu.memory_space<semaphore_mem>>)
      %dma_wait3A = arith.constant 0 : i32
      %dma_wait3A_111 = tpu.memref_slice %arg17[%add3A_39, %dma_wait3A] : memref<10000x128xf32, #tpu.memory_space<vmem_shared>> -> memref<16x128xf32, #tpu.memory_space<vmem_shared>>
      %dma_wait3A_112 = arith.constant 0 : i32
      %dma_wait3A_113 = tpu.memref_slice %arg17[%add3A_39, %dma_wait3A_112] : memref<10000x128xf32, #tpu.memory_space<vmem_shared>> -> memref<16x128xf32, #tpu.memory_space<vmem_shared>>
      tpu.wait_dma2 semaphore(%run_scoped3A : memref<!tpu.dma_semaphore, #tpu.memory_space<semaphore_mem>>) src(%arg14 : memref<16x128xf32, #tpu.memory_space<vmem>>) dst(%dma_wait3A_113 : memref<16x128xf32, #tpu.memory_space<vmem_shared>>)
      tpu.yield
    }) : () -> ()
    %add3A_40 = arith.constant 256 : i32
    %add3A_41 = arith.addi %mul3A_8, %add3A_40 : i32
    "tpu.region"() ({
      %run_scoped3A = tpu.sem_alloc : memref<!tpu.dma_semaphore, #tpu.memory_space<semaphore_mem>>
      %dma_start3A = arith.constant 0 : i32
      %dma_start3A_108 = tpu.memref_slice %arg17[%add3A_41, %dma_start3A] : memref<10000x128xf32, #tpu.memory_space<vmem_shared>> -> memref<16x128xf32, #tpu.memory_space<vmem_shared>>
      %dma_start3A_109 = arith.constant 0 : i32
      %dma_start3A_110 = tpu.memref_slice %arg17[%add3A_41, %dma_start3A_109] : memref<10000x128xf32, #tpu.memory_space<vmem_shared>> -> memref<16x128xf32, #tpu.memory_space<vmem_shared>>
      tpu.enqueue_dma source(%arg14 : memref<16x128xf32, #tpu.memory_space<vmem>>) target(%dma_start3A_110 : memref<16x128xf32, #tpu.memory_space<vmem_shared>>) target_semaphore(%run_scoped3A : memref<!tpu.dma_semaphore, #tpu.memory_space<semaphore_mem>>)
      %dma_wait3A = arith.constant 0 : i32
      %dma_wait3A_111 = tpu.memref_slice %arg17[%add3A_41, %dma_wait3A] : memref<10000x128xf32, #tpu.memory_space<vmem_shared>> -> memref<16x128xf32, #tpu.memory_space<vmem_shared>>
      %dma_wait3A_112 = arith.constant 0 : i32
      %dma_wait3A_113 = tpu.memref_slice %arg17[%add3A_41, %dma_wait3A_112] : memref<10000x128xf32, #tpu.memory_space<vmem_shared>> -> memref<16x128xf32, #tpu.memory_space<vmem_shared>>
      tpu.wait_dma2 semaphore(%run_scoped3A : memref<!tpu.dma_semaphore, #tpu.memory_space<semaphore_mem>>) src(%arg14 : memref<16x128xf32, #tpu.memory_space<vmem>>) dst(%dma_wait3A_113 : memref<16x128xf32, #tpu.memory_space<vmem_shared>>)
      tpu.yield
    }) : () -> ()
    %add3A_42 = arith.constant 272 : i32
    %add3A_43 = arith.addi %mul3A_8, %add3A_42 : i32
    "tpu.region"() ({
      %run_scoped3A = tpu.sem_alloc : memref<!tpu.dma_semaphore, #tpu.memory_space<semaphore_mem>>
      %dma_start3A = arith.constant 0 : i32
      %dma_start3A_108 = tpu.memref_slice %arg17[%add3A_43, %dma_start3A] : memref<10000x128xf32, #tpu.memory_space<vmem_shared>> -> memref<16x128xf32, #tpu.memory_space<vmem_shared>>
      %dma_start3A_109 = arith.constant 0 : i32
      %dma_start3A_110 = tpu.memref_slice %arg17[%add3A_43, %dma_start3A_109] : memref<10000x128xf32, #tpu.memory_space<vmem_shared>> -> memref<16x128xf32, #tpu.memory_space<vmem_shared>>
      tpu.enqueue_dma source(%arg14 : memref<16x128xf32, #tpu.memory_space<vmem>>) target(%dma_start3A_110 : memref<16x128xf32, #tpu.memory_space<vmem_shared>>) target_semaphore(%run_scoped3A : memref<!tpu.dma_semaphore, #tpu.memory_space<semaphore_mem>>)
      %dma_wait3A = arith.constant 0 : i32
      %dma_wait3A_111 = tpu.memref_slice %arg17[%add3A_43, %dma_wait3A] : memref<10000x128xf32, #tpu.memory_space<vmem_shared>> -> memref<16x128xf32, #tpu.memory_space<vmem_shared>>
      %dma_wait3A_112 = arith.constant 0 : i32
      %dma_wait3A_113 = tpu.memref_slice %arg17[%add3A_43, %dma_wait3A_112] : memref<10000x128xf32, #tpu.memory_space<vmem_shared>> -> memref<16x128xf32, #tpu.memory_space<vmem_shared>>
      tpu.wait_dma2 semaphore(%run_scoped3A : memref<!tpu.dma_semaphore, #tpu.memory_space<semaphore_mem>>) src(%arg14 : memref<16x128xf32, #tpu.memory_space<vmem>>) dst(%dma_wait3A_113 : memref<16x128xf32, #tpu.memory_space<vmem_shared>>)
      tpu.yield
    }) : () -> ()
    %add3A_44 = arith.constant 288 : i32
    %add3A_45 = arith.addi %mul3A_8, %add3A_44 : i32
    "tpu.region"() ({
      %run_scoped3A = tpu.sem_alloc : memref<!tpu.dma_semaphore, #tpu.memory_space<semaphore_mem>>
      %dma_start3A = arith.constant 0 : i32
      %dma_start3A_108 = tpu.memref_slice %arg17[%add3A_45, %dma_start3A] : memref<10000x128xf32, #tpu.memory_space<vmem_shared>> -> memref<16x128xf32, #tpu.memory_space<vmem_shared>>
      %dma_start3A_109 = arith.constant 0 : i32
      %dma_start3A_110 = tpu.memref_slice %arg17[%add3A_45, %dma_start3A_109] : memref<10000x128xf32, #tpu.memory_space<vmem_shared>> -> memref<16x128xf32, #tpu.memory_space<vmem_shared>>
      tpu.enqueue_dma source(%arg14 : memref<16x128xf32, #tpu.memory_space<vmem>>) target(%dma_start3A_110 : memref<16x128xf32, #tpu.memory_space<vmem_shared>>) target_semaphore(%run_scoped3A : memref<!tpu.dma_semaphore, #tpu.memory_space<semaphore_mem>>)
      %dma_wait3A = arith.constant 0 : i32
      %dma_wait3A_111 = tpu.memref_slice %arg17[%add3A_45, %dma_wait3A] : memref<10000x128xf32, #tpu.memory_space<vmem_shared>> -> memref<16x128xf32, #tpu.memory_space<vmem_shared>>
      %dma_wait3A_112 = arith.constant 0 : i32
      %dma_wait3A_113 = tpu.memref_slice %arg17[%add3A_45, %dma_wait3A_112] : memref<10000x128xf32, #tpu.memory_space<vmem_shared>> -> memref<16x128xf32, #tpu.memory_space<vmem_shared>>
      tpu.wait_dma2 semaphore(%run_scoped3A : memref<!tpu.dma_semaphore, #tpu.memory_space<semaphore_mem>>) src(%arg14 : memref<16x128xf32, #tpu.memory_space<vmem>>) dst(%dma_wait3A_113 : memref<16x128xf32, #tpu.memory_space<vmem_shared>>)
      tpu.yield
    }) : () -> ()
    %add3A_46 = arith.constant 304 : i32
    %add3A_47 = arith.addi %mul3A_8, %add3A_46 : i32
    "tpu.region"() ({
      %run_scoped3A = tpu.sem_alloc : memref<!tpu.dma_semaphore, #tpu.memory_space<semaphore_mem>>
      %dma_start3A = arith.constant 0 : i32
      %dma_start3A_108 = tpu.memref_slice %arg17[%add3A_47, %dma_start3A] : memref<10000x128xf32, #tpu.memory_space<vmem_shared>> -> memref<16x128xf32, #tpu.memory_space<vmem_shared>>
      %dma_start3A_109 = arith.constant 0 : i32
      %dma_start3A_110 = tpu.memref_slice %arg17[%add3A_47, %dma_start3A_109] : memref<10000x128xf32, #tpu.memory_space<vmem_shared>> -> memref<16x128xf32, #tpu.memory_space<vmem_shared>>
      tpu.enqueue_dma source(%arg14 : memref<16x128xf32, #tpu.memory_space<vmem>>) target(%dma_start3A_110 : memref<16x128xf32, #tpu.memory_space<vmem_shared>>) target_semaphore(%run_scoped3A : memref<!tpu.dma_semaphore, #tpu.memory_space<semaphore_mem>>)
      %dma_wait3A = arith.constant 0 : i32
      %dma_wait3A_111 = tpu.memref_slice %arg17[%add3A_47, %dma_wait3A] : memref<10000x128xf32, #tpu.memory_space<vmem_shared>> -> memref<16x128xf32, #tpu.memory_space<vmem_shared>>
      %dma_wait3A_112 = arith.constant 0 : i32
      %dma_wait3A_113 = tpu.memref_slice %arg17[%add3A_47, %dma_wait3A_112] : memref<10000x128xf32, #tpu.memory_space<vmem_shared>> -> memref<16x128xf32, #tpu.memory_space<vmem_shared>>
      tpu.wait_dma2 semaphore(%run_scoped3A : memref<!tpu.dma_semaphore, #tpu.memory_space<semaphore_mem>>) src(%arg14 : memref<16x128xf32, #tpu.memory_space<vmem>>) dst(%dma_wait3A_113 : memref<16x128xf32, #tpu.memory_space<vmem_shared>>)
      tpu.yield
    }) : () -> ()
    %add3A_48 = arith.constant 320 : i32
    %add3A_49 = arith.addi %mul3A_8, %add3A_48 : i32
    "tpu.region"() ({
      %run_scoped3A = tpu.sem_alloc : memref<!tpu.dma_semaphore, #tpu.memory_space<semaphore_mem>>
      %dma_start3A = arith.constant 0 : i32
      %dma_start3A_108 = tpu.memref_slice %arg17[%add3A_49, %dma_start3A] : memref<10000x128xf32, #tpu.memory_space<vmem_shared>> -> memref<16x128xf32, #tpu.memory_space<vmem_shared>>
      %dma_start3A_109 = arith.constant 0 : i32
      %dma_start3A_110 = tpu.memref_slice %arg17[%add3A_49, %dma_start3A_109] : memref<10000x128xf32, #tpu.memory_space<vmem_shared>> -> memref<16x128xf32, #tpu.memory_space<vmem_shared>>
      tpu.enqueue_dma source(%arg14 : memref<16x128xf32, #tpu.memory_space<vmem>>) target(%dma_start3A_110 : memref<16x128xf32, #tpu.memory_space<vmem_shared>>) target_semaphore(%run_scoped3A : memref<!tpu.dma_semaphore, #tpu.memory_space<semaphore_mem>>)
      %dma_wait3A = arith.constant 0 : i32
      %dma_wait3A_111 = tpu.memref_slice %arg17[%add3A_49, %dma_wait3A] : memref<10000x128xf32, #tpu.memory_space<vmem_shared>> -> memref<16x128xf32, #tpu.memory_space<vmem_shared>>
      %dma_wait3A_112 = arith.constant 0 : i32
      %dma_wait3A_113 = tpu.memref_slice %arg17[%add3A_49, %dma_wait3A_112] : memref<10000x128xf32, #tpu.memory_space<vmem_shared>> -> memref<16x128xf32, #tpu.memory_space<vmem_shared>>
      tpu.wait_dma2 semaphore(%run_scoped3A : memref<!tpu.dma_semaphore, #tpu.memory_space<semaphore_mem>>) src(%arg14 : memref<16x128xf32, #tpu.memory_space<vmem>>) dst(%dma_wait3A_113 : memref<16x128xf32, #tpu.memory_space<vmem_shared>>)
      tpu.yield
    }) : () -> ()
    %add3A_50 = arith.constant 336 : i32
    %add3A_51 = arith.addi %mul3A_8, %add3A_50 : i32
    "tpu.region"() ({
      %run_scoped3A = tpu.sem_alloc : memref<!tpu.dma_semaphore, #tpu.memory_space<semaphore_mem>>
      %dma_start3A = arith.constant 0 : i32
      %dma_start3A_108 = tpu.memref_slice %arg17[%add3A_51, %dma_start3A] : memref<10000x128xf32, #tpu.memory_space<vmem_shared>> -> memref<16x128xf32, #tpu.memory_space<vmem_shared>>
      %dma_start3A_109 = arith.constant 0 : i32
      %dma_start3A_110 = tpu.memref_slice %arg17[%add3A_51, %dma_start3A_109] : memref<10000x128xf32, #tpu.memory_space<vmem_shared>> -> memref<16x128xf32, #tpu.memory_space<vmem_shared>>
      tpu.enqueue_dma source(%arg14 : memref<16x128xf32, #tpu.memory_space<vmem>>) target(%dma_start3A_110 : memref<16x128xf32, #tpu.memory_space<vmem_shared>>) target_semaphore(%run_scoped3A : memref<!tpu.dma_semaphore, #tpu.memory_space<semaphore_mem>>)
      %dma_wait3A = arith.constant 0 : i32
      %dma_wait3A_111 = tpu.memref_slice %arg17[%add3A_51, %dma_wait3A] : memref<10000x128xf32, #tpu.memory_space<vmem_shared>> -> memref<16x128xf32, #tpu.memory_space<vmem_shared>>
      %dma_wait3A_112 = arith.constant 0 : i32
      %dma_wait3A_113 = tpu.memref_slice %arg17[%add3A_51, %dma_wait3A_112] : memref<10000x128xf32, #tpu.memory_space<vmem_shared>> -> memref<16x128xf32, #tpu.memory_space<vmem_shared>>
      tpu.wait_dma2 semaphore(%run_scoped3A : memref<!tpu.dma_semaphore, #tpu.memory_space<semaphore_mem>>) src(%arg14 : memref<16x128xf32, #tpu.memory_space<vmem>>) dst(%dma_wait3A_113 : memref<16x128xf32, #tpu.memory_space<vmem_shared>>)
      tpu.yield
    }) : () -> ()
    %add3A_52 = arith.constant 352 : i32
    %add3A_53 = arith.addi %mul3A_8, %add3A_52 : i32
    "tpu.region"() ({
      %run_scoped3A = tpu.sem_alloc : memref<!tpu.dma_semaphore, #tpu.memory_space<semaphore_mem>>
      %dma_start3A = arith.constant 0 : i32
      %dma_start3A_108 = tpu.memref_slice %arg17[%add3A_53, %dma_start3A] : memref<10000x128xf32, #tpu.memory_space<vmem_shared>> -> memref<16x128xf32, #tpu.memory_space<vmem_shared>>
      %dma_start3A_109 = arith.constant 0 : i32
      %dma_start3A_110 = tpu.memref_slice %arg17[%add3A_53, %dma_start3A_109] : memref<10000x128xf32, #tpu.memory_space<vmem_shared>> -> memref<16x128xf32, #tpu.memory_space<vmem_shared>>
      tpu.enqueue_dma source(%arg14 : memref<16x128xf32, #tpu.memory_space<vmem>>) target(%dma_start3A_110 : memref<16x128xf32, #tpu.memory_space<vmem_shared>>) target_semaphore(%run_scoped3A : memref<!tpu.dma_semaphore, #tpu.memory_space<semaphore_mem>>)
      %dma_wait3A = arith.constant 0 : i32
      %dma_wait3A_111 = tpu.memref_slice %arg17[%add3A_53, %dma_wait3A] : memref<10000x128xf32, #tpu.memory_space<vmem_shared>> -> memref<16x128xf32, #tpu.memory_space<vmem_shared>>
      %dma_wait3A_112 = arith.constant 0 : i32
      %dma_wait3A_113 = tpu.memref_slice %arg17[%add3A_53, %dma_wait3A_112] : memref<10000x128xf32, #tpu.memory_space<vmem_shared>> -> memref<16x128xf32, #tpu.memory_space<vmem_shared>>
      tpu.wait_dma2 semaphore(%run_scoped3A : memref<!tpu.dma_semaphore, #tpu.memory_space<semaphore_mem>>) src(%arg14 : memref<16x128xf32, #tpu.memory_space<vmem>>) dst(%dma_wait3A_113 : memref<16x128xf32, #tpu.memory_space<vmem_shared>>)
      tpu.yield
    }) : () -> ()
    %add3A_54 = arith.constant 368 : i32
    %add3A_55 = arith.addi %mul3A_8, %add3A_54 : i32
    "tpu.region"() ({
      %run_scoped3A = tpu.sem_alloc : memref<!tpu.dma_semaphore, #tpu.memory_space<semaphore_mem>>
      %dma_start3A = arith.constant 0 : i32
      %dma_start3A_108 = tpu.memref_slice %arg17[%add3A_55, %dma_start3A] : memref<10000x128xf32, #tpu.memory_space<vmem_shared>> -> memref<16x128xf32, #tpu.memory_space<vmem_shared>>
      %dma_start3A_109 = arith.constant 0 : i32
      %dma_start3A_110 = tpu.memref_slice %arg17[%add3A_55, %dma_start3A_109] : memref<10000x128xf32, #tpu.memory_space<vmem_shared>> -> memref<16x128xf32, #tpu.memory_space<vmem_shared>>
      tpu.enqueue_dma source(%arg14 : memref<16x128xf32, #tpu.memory_space<vmem>>) target(%dma_start3A_110 : memref<16x128xf32, #tpu.memory_space<vmem_shared>>) target_semaphore(%run_scoped3A : memref<!tpu.dma_semaphore, #tpu.memory_space<semaphore_mem>>)
      %dma_wait3A = arith.constant 0 : i32
      %dma_wait3A_111 = tpu.memref_slice %arg17[%add3A_55, %dma_wait3A] : memref<10000x128xf32, #tpu.memory_space<vmem_shared>> -> memref<16x128xf32, #tpu.memory_space<vmem_shared>>
      %dma_wait3A_112 = arith.constant 0 : i32
      %dma_wait3A_113 = tpu.memref_slice %arg17[%add3A_55, %dma_wait3A_112] : memref<10000x128xf32, #tpu.memory_space<vmem_shared>> -> memref<16x128xf32, #tpu.memory_space<vmem_shared>>
      tpu.wait_dma2 semaphore(%run_scoped3A : memref<!tpu.dma_semaphore, #tpu.memory_space<semaphore_mem>>) src(%arg14 : memref<16x128xf32, #tpu.memory_space<vmem>>) dst(%dma_wait3A_113 : memref<16x128xf32, #tpu.memory_space<vmem_shared>>)
      tpu.yield
    }) : () -> ()
    %add3A_56 = arith.constant 384 : i32
    %add3A_57 = arith.addi %mul3A_8, %add3A_56 : i32
    "tpu.region"() ({
      %run_scoped3A = tpu.sem_alloc : memref<!tpu.dma_semaphore, #tpu.memory_space<semaphore_mem>>
      %dma_start3A = arith.constant 0 : i32
      %dma_start3A_108 = tpu.memref_slice %arg17[%add3A_57, %dma_start3A] : memref<10000x128xf32, #tpu.memory_space<vmem_shared>> -> memref<16x128xf32, #tpu.memory_space<vmem_shared>>
      %dma_start3A_109 = arith.constant 0 : i32
      %dma_start3A_110 = tpu.memref_slice %arg17[%add3A_57, %dma_start3A_109] : memref<10000x128xf32, #tpu.memory_space<vmem_shared>> -> memref<16x128xf32, #tpu.memory_space<vmem_shared>>
      tpu.enqueue_dma source(%arg14 : memref<16x128xf32, #tpu.memory_space<vmem>>) target(%dma_start3A_110 : memref<16x128xf32, #tpu.memory_space<vmem_shared>>) target_semaphore(%run_scoped3A : memref<!tpu.dma_semaphore, #tpu.memory_space<semaphore_mem>>)
      %dma_wait3A = arith.constant 0 : i32
      %dma_wait3A_111 = tpu.memref_slice %arg17[%add3A_57, %dma_wait3A] : memref<10000x128xf32, #tpu.memory_space<vmem_shared>> -> memref<16x128xf32, #tpu.memory_space<vmem_shared>>
      %dma_wait3A_112 = arith.constant 0 : i32
      %dma_wait3A_113 = tpu.memref_slice %arg17[%add3A_57, %dma_wait3A_112] : memref<10000x128xf32, #tpu.memory_space<vmem_shared>> -> memref<16x128xf32, #tpu.memory_space<vmem_shared>>
      tpu.wait_dma2 semaphore(%run_scoped3A : memref<!tpu.dma_semaphore, #tpu.memory_space<semaphore_mem>>) src(%arg14 : memref<16x128xf32, #tpu.memory_space<vmem>>) dst(%dma_wait3A_113 : memref<16x128xf32, #tpu.memory_space<vmem_shared>>)
      tpu.yield
    }) : () -> ()
    %add3A_58 = arith.constant 400 : i32
    %add3A_59 = arith.addi %mul3A_8, %add3A_58 : i32
    "tpu.region"() ({
      %run_scoped3A = tpu.sem_alloc : memref<!tpu.dma_semaphore, #tpu.memory_space<semaphore_mem>>
      %dma_start3A = arith.constant 0 : i32
      %dma_start3A_108 = tpu.memref_slice %arg17[%add3A_59, %dma_start3A] : memref<10000x128xf32, #tpu.memory_space<vmem_shared>> -> memref<16x128xf32, #tpu.memory_space<vmem_shared>>
      %dma_start3A_109 = arith.constant 0 : i32
      %dma_start3A_110 = tpu.memref_slice %arg17[%add3A_59, %dma_start3A_109] : memref<10000x128xf32, #tpu.memory_space<vmem_shared>> -> memref<16x128xf32, #tpu.memory_space<vmem_shared>>
      tpu.enqueue_dma source(%arg14 : memref<16x128xf32, #tpu.memory_space<vmem>>) target(%dma_start3A_110 : memref<16x128xf32, #tpu.memory_space<vmem_shared>>) target_semaphore(%run_scoped3A : memref<!tpu.dma_semaphore, #tpu.memory_space<semaphore_mem>>)
      %dma_wait3A = arith.constant 0 : i32
      %dma_wait3A_111 = tpu.memref_slice %arg17[%add3A_59, %dma_wait3A] : memref<10000x128xf32, #tpu.memory_space<vmem_shared>> -> memref<16x128xf32, #tpu.memory_space<vmem_shared>>
      %dma_wait3A_112 = arith.constant 0 : i32
      %dma_wait3A_113 = tpu.memref_slice %arg17[%add3A_59, %dma_wait3A_112] : memref<10000x128xf32, #tpu.memory_space<vmem_shared>> -> memref<16x128xf32, #tpu.memory_space<vmem_shared>>
      tpu.wait_dma2 semaphore(%run_scoped3A : memref<!tpu.dma_semaphore, #tpu.memory_space<semaphore_mem>>) src(%arg14 : memref<16x128xf32, #tpu.memory_space<vmem>>) dst(%dma_wait3A_113 : memref<16x128xf32, #tpu.memory_space<vmem_shared>>)
      tpu.yield
    }) : () -> ()
    %add3A_60 = arith.constant 416 : i32
    %add3A_61 = arith.addi %mul3A_8, %add3A_60 : i32
    "tpu.region"() ({
      %run_scoped3A = tpu.sem_alloc : memref<!tpu.dma_semaphore, #tpu.memory_space<semaphore_mem>>
      %dma_start3A = arith.constant 0 : i32
      %dma_start3A_108 = tpu.memref_slice %arg17[%add3A_61, %dma_start3A] : memref<10000x128xf32, #tpu.memory_space<vmem_shared>> -> memref<16x128xf32, #tpu.memory_space<vmem_shared>>
      %dma_start3A_109 = arith.constant 0 : i32
      %dma_start3A_110 = tpu.memref_slice %arg17[%add3A_61, %dma_start3A_109] : memref<10000x128xf32, #tpu.memory_space<vmem_shared>> -> memref<16x128xf32, #tpu.memory_space<vmem_shared>>
      tpu.enqueue_dma source(%arg14 : memref<16x128xf32, #tpu.memory_space<vmem>>) target(%dma_start3A_110 : memref<16x128xf32, #tpu.memory_space<vmem_shared>>) target_semaphore(%run_scoped3A : memref<!tpu.dma_semaphore, #tpu.memory_space<semaphore_mem>>)
      %dma_wait3A = arith.constant 0 : i32
      %dma_wait3A_111 = tpu.memref_slice %arg17[%add3A_61, %dma_wait3A] : memref<10000x128xf32, #tpu.memory_space<vmem_shared>> -> memref<16x128xf32, #tpu.memory_space<vmem_shared>>
      %dma_wait3A_112 = arith.constant 0 : i32
      %dma_wait3A_113 = tpu.memref_slice %arg17[%add3A_61, %dma_wait3A_112] : memref<10000x128xf32, #tpu.memory_space<vmem_shared>> -> memref<16x128xf32, #tpu.memory_space<vmem_shared>>
      tpu.wait_dma2 semaphore(%run_scoped3A : memref<!tpu.dma_semaphore, #tpu.memory_space<semaphore_mem>>) src(%arg14 : memref<16x128xf32, #tpu.memory_space<vmem>>) dst(%dma_wait3A_113 : memref<16x128xf32, #tpu.memory_space<vmem_shared>>)
      tpu.yield
    }) : () -> ()
    %add3A_62 = arith.constant 432 : i32
    %add3A_63 = arith.addi %mul3A_8, %add3A_62 : i32
    "tpu.region"() ({
      %run_scoped3A = tpu.sem_alloc : memref<!tpu.dma_semaphore, #tpu.memory_space<semaphore_mem>>
      %dma_start3A = arith.constant 0 : i32
      %dma_start3A_108 = tpu.memref_slice %arg17[%add3A_63, %dma_start3A] : memref<10000x128xf32, #tpu.memory_space<vmem_shared>> -> memref<16x128xf32, #tpu.memory_space<vmem_shared>>
      %dma_start3A_109 = arith.constant 0 : i32
      %dma_start3A_110 = tpu.memref_slice %arg17[%add3A_63, %dma_start3A_109] : memref<10000x128xf32, #tpu.memory_space<vmem_shared>> -> memref<16x128xf32, #tpu.memory_space<vmem_shared>>
      tpu.enqueue_dma source(%arg14 : memref<16x128xf32, #tpu.memory_space<vmem>>) target(%dma_start3A_110 : memref<16x128xf32, #tpu.memory_space<vmem_shared>>) target_semaphore(%run_scoped3A : memref<!tpu.dma_semaphore, #tpu.memory_space<semaphore_mem>>)
      %dma_wait3A = arith.constant 0 : i32
      %dma_wait3A_111 = tpu.memref_slice %arg17[%add3A_63, %dma_wait3A] : memref<10000x128xf32, #tpu.memory_space<vmem_shared>> -> memref<16x128xf32, #tpu.memory_space<vmem_shared>>
      %dma_wait3A_112 = arith.constant 0 : i32
      %dma_wait3A_113 = tpu.memref_slice %arg17[%add3A_63, %dma_wait3A_112] : memref<10000x128xf32, #tpu.memory_space<vmem_shared>> -> memref<16x128xf32, #tpu.memory_space<vmem_shared>>
      tpu.wait_dma2 semaphore(%run_scoped3A : memref<!tpu.dma_semaphore, #tpu.memory_space<semaphore_mem>>) src(%arg14 : memref<16x128xf32, #tpu.memory_space<vmem>>) dst(%dma_wait3A_113 : memref<16x128xf32, #tpu.memory_space<vmem_shared>>)
      tpu.yield
    }) : () -> ()
    %add3A_64 = arith.constant 448 : i32
    %add3A_65 = arith.addi %mul3A_8, %add3A_64 : i32
    "tpu.region"() ({
      %run_scoped3A = tpu.sem_alloc : memref<!tpu.dma_semaphore, #tpu.memory_space<semaphore_mem>>
      %dma_start3A = arith.constant 0 : i32
      %dma_start3A_108 = tpu.memref_slice %arg17[%add3A_65, %dma_start3A] : memref<10000x128xf32, #tpu.memory_space<vmem_shared>> -> memref<16x128xf32, #tpu.memory_space<vmem_shared>>
      %dma_start3A_109 = arith.constant 0 : i32
      %dma_start3A_110 = tpu.memref_slice %arg17[%add3A_65, %dma_start3A_109] : memref<10000x128xf32, #tpu.memory_space<vmem_shared>> -> memref<16x128xf32, #tpu.memory_space<vmem_shared>>
      tpu.enqueue_dma source(%arg14 : memref<16x128xf32, #tpu.memory_space<vmem>>) target(%dma_start3A_110 : memref<16x128xf32, #tpu.memory_space<vmem_shared>>) target_semaphore(%run_scoped3A : memref<!tpu.dma_semaphore, #tpu.memory_space<semaphore_mem>>)
      %dma_wait3A = arith.constant 0 : i32
      %dma_wait3A_111 = tpu.memref_slice %arg17[%add3A_65, %dma_wait3A] : memref<10000x128xf32, #tpu.memory_space<vmem_shared>> -> memref<16x128xf32, #tpu.memory_space<vmem_shared>>
      %dma_wait3A_112 = arith.constant 0 : i32
      %dma_wait3A_113 = tpu.memref_slice %arg17[%add3A_65, %dma_wait3A_112] : memref<10000x128xf32, #tpu.memory_space<vmem_shared>> -> memref<16x128xf32, #tpu.memory_space<vmem_shared>>
      tpu.wait_dma2 semaphore(%run_scoped3A : memref<!tpu.dma_semaphore, #tpu.memory_space<semaphore_mem>>) src(%arg14 : memref<16x128xf32, #tpu.memory_space<vmem>>) dst(%dma_wait3A_113 : memref<16x128xf32, #tpu.memory_space<vmem_shared>>)
      tpu.yield
    }) : () -> ()
    %add3A_66 = arith.constant 464 : i32
    %add3A_67 = arith.addi %mul3A_8, %add3A_66 : i32
    "tpu.region"() ({
      %run_scoped3A = tpu.sem_alloc : memref<!tpu.dma_semaphore, #tpu.memory_space<semaphore_mem>>
      %dma_start3A = arith.constant 0 : i32
      %dma_start3A_108 = tpu.memref_slice %arg17[%add3A_67, %dma_start3A] : memref<10000x128xf32, #tpu.memory_space<vmem_shared>> -> memref<16x128xf32, #tpu.memory_space<vmem_shared>>
      %dma_start3A_109 = arith.constant 0 : i32
      %dma_start3A_110 = tpu.memref_slice %arg17[%add3A_67, %dma_start3A_109] : memref<10000x128xf32, #tpu.memory_space<vmem_shared>> -> memref<16x128xf32, #tpu.memory_space<vmem_shared>>
      tpu.enqueue_dma source(%arg14 : memref<16x128xf32, #tpu.memory_space<vmem>>) target(%dma_start3A_110 : memref<16x128xf32, #tpu.memory_space<vmem_shared>>) target_semaphore(%run_scoped3A : memref<!tpu.dma_semaphore, #tpu.memory_space<semaphore_mem>>)
      %dma_wait3A = arith.constant 0 : i32
      %dma_wait3A_111 = tpu.memref_slice %arg17[%add3A_67, %dma_wait3A] : memref<10000x128xf32, #tpu.memory_space<vmem_shared>> -> memref<16x128xf32, #tpu.memory_space<vmem_shared>>
      %dma_wait3A_112 = arith.constant 0 : i32
      %dma_wait3A_113 = tpu.memref_slice %arg17[%add3A_67, %dma_wait3A_112] : memref<10000x128xf32, #tpu.memory_space<vmem_shared>> -> memref<16x128xf32, #tpu.memory_space<vmem_shared>>
      tpu.wait_dma2 semaphore(%run_scoped3A : memref<!tpu.dma_semaphore, #tpu.memory_space<semaphore_mem>>) src(%arg14 : memref<16x128xf32, #tpu.memory_space<vmem>>) dst(%dma_wait3A_113 : memref<16x128xf32, #tpu.memory_space<vmem_shared>>)
      tpu.yield
    }) : () -> ()
    %add3A_68 = arith.constant 480 : i32
    %add3A_69 = arith.addi %mul3A_8, %add3A_68 : i32
    "tpu.region"() ({
      %run_scoped3A = tpu.sem_alloc : memref<!tpu.dma_semaphore, #tpu.memory_space<semaphore_mem>>
      %dma_start3A = arith.constant 0 : i32
      %dma_start3A_108 = tpu.memref_slice %arg17[%add3A_69, %dma_start3A] : memref<10000x128xf32, #tpu.memory_space<vmem_shared>> -> memref<16x128xf32, #tpu.memory_space<vmem_shared>>
      %dma_start3A_109 = arith.constant 0 : i32
      %dma_start3A_110 = tpu.memref_slice %arg17[%add3A_69, %dma_start3A_109] : memref<10000x128xf32, #tpu.memory_space<vmem_shared>> -> memref<16x128xf32, #tpu.memory_space<vmem_shared>>
      tpu.enqueue_dma source(%arg14 : memref<16x128xf32, #tpu.memory_space<vmem>>) target(%dma_start3A_110 : memref<16x128xf32, #tpu.memory_space<vmem_shared>>) target_semaphore(%run_scoped3A : memref<!tpu.dma_semaphore, #tpu.memory_space<semaphore_mem>>)
      %dma_wait3A = arith.constant 0 : i32
      %dma_wait3A_111 = tpu.memref_slice %arg17[%add3A_69, %dma_wait3A] : memref<10000x128xf32, #tpu.memory_space<vmem_shared>> -> memref<16x128xf32, #tpu.memory_space<vmem_shared>>
      %dma_wait3A_112 = arith.constant 0 : i32
      %dma_wait3A_113 = tpu.memref_slice %arg17[%add3A_69, %dma_wait3A_112] : memref<10000x128xf32, #tpu.memory_space<vmem_shared>> -> memref<16x128xf32, #tpu.memory_space<vmem_shared>>
      tpu.wait_dma2 semaphore(%run_scoped3A : memref<!tpu.dma_semaphore, #tpu.memory_space<semaphore_mem>>) src(%arg14 : memref<16x128xf32, #tpu.memory_space<vmem>>) dst(%dma_wait3A_113 : memref<16x128xf32, #tpu.memory_space<vmem_shared>>)
      tpu.yield
    }) : () -> ()
    %add3A_70 = arith.constant 496 : i32
    %add3A_71 = arith.addi %mul3A_8, %add3A_70 : i32
    "tpu.region"() ({
      %run_scoped3A = tpu.sem_alloc : memref<!tpu.dma_semaphore, #tpu.memory_space<semaphore_mem>>
      %dma_start3A = arith.constant 0 : i32
      %dma_start3A_108 = tpu.memref_slice %arg17[%add3A_71, %dma_start3A] : memref<10000x128xf32, #tpu.memory_space<vmem_shared>> -> memref<16x128xf32, #tpu.memory_space<vmem_shared>>
      %dma_start3A_109 = arith.constant 0 : i32
      %dma_start3A_110 = tpu.memref_slice %arg17[%add3A_71, %dma_start3A_109] : memref<10000x128xf32, #tpu.memory_space<vmem_shared>> -> memref<16x128xf32, #tpu.memory_space<vmem_shared>>
      tpu.enqueue_dma source(%arg14 : memref<16x128xf32, #tpu.memory_space<vmem>>) target(%dma_start3A_110 : memref<16x128xf32, #tpu.memory_space<vmem_shared>>) target_semaphore(%run_scoped3A : memref<!tpu.dma_semaphore, #tpu.memory_space<semaphore_mem>>)
      %dma_wait3A = arith.constant 0 : i32
      %dma_wait3A_111 = tpu.memref_slice %arg17[%add3A_71, %dma_wait3A] : memref<10000x128xf32, #tpu.memory_space<vmem_shared>> -> memref<16x128xf32, #tpu.memory_space<vmem_shared>>
      %dma_wait3A_112 = arith.constant 0 : i32
      %dma_wait3A_113 = tpu.memref_slice %arg17[%add3A_71, %dma_wait3A_112] : memref<10000x128xf32, #tpu.memory_space<vmem_shared>> -> memref<16x128xf32, #tpu.memory_space<vmem_shared>>
      tpu.wait_dma2 semaphore(%run_scoped3A : memref<!tpu.dma_semaphore, #tpu.memory_space<semaphore_mem>>) src(%arg14 : memref<16x128xf32, #tpu.memory_space<vmem>>) dst(%dma_wait3A_113 : memref<16x128xf32, #tpu.memory_space<vmem_shared>>)
      tpu.yield
    }) : () -> ()
    %add3A_72 = arith.constant 512 : i32
    %add3A_73 = arith.addi %mul3A_8, %add3A_72 : i32
    "tpu.region"() ({
      %run_scoped3A = tpu.sem_alloc : memref<!tpu.dma_semaphore, #tpu.memory_space<semaphore_mem>>
      %dma_start3A = arith.constant 0 : i32
      %dma_start3A_108 = tpu.memref_slice %arg17[%add3A_73, %dma_start3A] : memref<10000x128xf32, #tpu.memory_space<vmem_shared>> -> memref<16x128xf32, #tpu.memory_space<vmem_shared>>
      %dma_start3A_109 = arith.constant 0 : i32
      %dma_start3A_110 = tpu.memref_slice %arg17[%add3A_73, %dma_start3A_109] : memref<10000x128xf32, #tpu.memory_space<vmem_shared>> -> memref<16x128xf32, #tpu.memory_space<vmem_shared>>
      tpu.enqueue_dma source(%arg14 : memref<16x128xf32, #tpu.memory_space<vmem>>) target(%dma_start3A_110 : memref<16x128xf32, #tpu.memory_space<vmem_shared>>) target_semaphore(%run_scoped3A : memref<!tpu.dma_semaphore, #tpu.memory_space<semaphore_mem>>)
      %dma_wait3A = arith.constant 0 : i32
      %dma_wait3A_111 = tpu.memref_slice %arg17[%add3A_73, %dma_wait3A] : memref<10000x128xf32, #tpu.memory_space<vmem_shared>> -> memref<16x128xf32, #tpu.memory_space<vmem_shared>>
      %dma_wait3A_112 = arith.constant 0 : i32
      %dma_wait3A_113 = tpu.memref_slice %arg17[%add3A_73, %dma_wait3A_112] : memref<10000x128xf32, #tpu.memory_space<vmem_shared>> -> memref<16x128xf32, #tpu.memory_space<vmem_shared>>
      tpu.wait_dma2 semaphore(%run_scoped3A : memref<!tpu.dma_semaphore, #tpu.memory_space<semaphore_mem>>) src(%arg14 : memref<16x128xf32, #tpu.memory_space<vmem>>) dst(%dma_wait3A_113 : memref<16x128xf32, #tpu.memory_space<vmem_shared>>)
      tpu.yield
    }) : () -> ()
    %add3A_74 = arith.constant 528 : i32
    %add3A_75 = arith.addi %mul3A_8, %add3A_74 : i32
    "tpu.region"() ({
      %run_scoped3A = tpu.sem_alloc : memref<!tpu.dma_semaphore, #tpu.memory_space<semaphore_mem>>
      %dma_start3A = arith.constant 0 : i32
      %dma_start3A_108 = tpu.memref_slice %arg17[%add3A_75, %dma_start3A] : memref<10000x128xf32, #tpu.memory_space<vmem_shared>> -> memref<16x128xf32, #tpu.memory_space<vmem_shared>>
      %dma_start3A_109 = arith.constant 0 : i32
      %dma_start3A_110 = tpu.memref_slice %arg17[%add3A_75, %dma_start3A_109] : memref<10000x128xf32, #tpu.memory_space<vmem_shared>> -> memref<16x128xf32, #tpu.memory_space<vmem_shared>>
      tpu.enqueue_dma source(%arg14 : memref<16x128xf32, #tpu.memory_space<vmem>>) target(%dma_start3A_110 : memref<16x128xf32, #tpu.memory_space<vmem_shared>>) target_semaphore(%run_scoped3A : memref<!tpu.dma_semaphore, #tpu.memory_space<semaphore_mem>>)
      %dma_wait3A = arith.constant 0 : i32
      %dma_wait3A_111 = tpu.memref_slice %arg17[%add3A_75, %dma_wait3A] : memref<10000x128xf32, #tpu.memory_space<vmem_shared>> -> memref<16x128xf32, #tpu.memory_space<vmem_shared>>
      %dma_wait3A_112 = arith.constant 0 : i32
      %dma_wait3A_113 = tpu.memref_slice %arg17[%add3A_75, %dma_wait3A_112] : memref<10000x128xf32, #tpu.memory_space<vmem_shared>> -> memref<16x128xf32, #tpu.memory_space<vmem_shared>>
      tpu.wait_dma2 semaphore(%run_scoped3A : memref<!tpu.dma_semaphore, #tpu.memory_space<semaphore_mem>>) src(%arg14 : memref<16x128xf32, #tpu.memory_space<vmem>>) dst(%dma_wait3A_113 : memref<16x128xf32, #tpu.memory_space<vmem_shared>>)
      tpu.yield
    }) : () -> ()
    %add3A_76 = arith.constant 544 : i32
    %add3A_77 = arith.addi %mul3A_8, %add3A_76 : i32
    "tpu.region"() ({
      %run_scoped3A = tpu.sem_alloc : memref<!tpu.dma_semaphore, #tpu.memory_space<semaphore_mem>>
      %dma_start3A = arith.constant 0 : i32
      %dma_start3A_108 = tpu.memref_slice %arg17[%add3A_77, %dma_start3A] : memref<10000x128xf32, #tpu.memory_space<vmem_shared>> -> memref<16x128xf32, #tpu.memory_space<vmem_shared>>
      %dma_start3A_109 = arith.constant 0 : i32
      %dma_start3A_110 = tpu.memref_slice %arg17[%add3A_77, %dma_start3A_109] : memref<10000x128xf32, #tpu.memory_space<vmem_shared>> -> memref<16x128xf32, #tpu.memory_space<vmem_shared>>
      tpu.enqueue_dma source(%arg14 : memref<16x128xf32, #tpu.memory_space<vmem>>) target(%dma_start3A_110 : memref<16x128xf32, #tpu.memory_space<vmem_shared>>) target_semaphore(%run_scoped3A : memref<!tpu.dma_semaphore, #tpu.memory_space<semaphore_mem>>)
      %dma_wait3A = arith.constant 0 : i32
      %dma_wait3A_111 = tpu.memref_slice %arg17[%add3A_77, %dma_wait3A] : memref<10000x128xf32, #tpu.memory_space<vmem_shared>> -> memref<16x128xf32, #tpu.memory_space<vmem_shared>>
      %dma_wait3A_112 = arith.constant 0 : i32
      %dma_wait3A_113 = tpu.memref_slice %arg17[%add3A_77, %dma_wait3A_112] : memref<10000x128xf32, #tpu.memory_space<vmem_shared>> -> memref<16x128xf32, #tpu.memory_space<vmem_shared>>
      tpu.wait_dma2 semaphore(%run_scoped3A : memref<!tpu.dma_semaphore, #tpu.memory_space<semaphore_mem>>) src(%arg14 : memref<16x128xf32, #tpu.memory_space<vmem>>) dst(%dma_wait3A_113 : memref<16x128xf32, #tpu.memory_space<vmem_shared>>)
      tpu.yield
    }) : () -> ()
    %add3A_78 = arith.constant 560 : i32
    %add3A_79 = arith.addi %mul3A_8, %add3A_78 : i32
    "tpu.region"() ({
      %run_scoped3A = tpu.sem_alloc : memref<!tpu.dma_semaphore, #tpu.memory_space<semaphore_mem>>
      %dma_start3A = arith.constant 0 : i32
      %dma_start3A_108 = tpu.memref_slice %arg17[%add3A_79, %dma_start3A] : memref<10000x128xf32, #tpu.memory_space<vmem_shared>> -> memref<16x128xf32, #tpu.memory_space<vmem_shared>>
      %dma_start3A_109 = arith.constant 0 : i32
      %dma_start3A_110 = tpu.memref_slice %arg17[%add3A_79, %dma_start3A_109] : memref<10000x128xf32, #tpu.memory_space<vmem_shared>> -> memref<16x128xf32, #tpu.memory_space<vmem_shared>>
      tpu.enqueue_dma source(%arg14 : memref<16x128xf32, #tpu.memory_space<vmem>>) target(%dma_start3A_110 : memref<16x128xf32, #tpu.memory_space<vmem_shared>>) target_semaphore(%run_scoped3A : memref<!tpu.dma_semaphore, #tpu.memory_space<semaphore_mem>>)
      %dma_wait3A = arith.constant 0 : i32
      %dma_wait3A_111 = tpu.memref_slice %arg17[%add3A_79, %dma_wait3A] : memref<10000x128xf32, #tpu.memory_space<vmem_shared>> -> memref<16x128xf32, #tpu.memory_space<vmem_shared>>
      %dma_wait3A_112 = arith.constant 0 : i32
      %dma_wait3A_113 = tpu.memref_slice %arg17[%add3A_79, %dma_wait3A_112] : memref<10000x128xf32, #tpu.memory_space<vmem_shared>> -> memref<16x128xf32, #tpu.memory_space<vmem_shared>>
      tpu.wait_dma2 semaphore(%run_scoped3A : memref<!tpu.dma_semaphore, #tpu.memory_space<semaphore_mem>>) src(%arg14 : memref<16x128xf32, #tpu.memory_space<vmem>>) dst(%dma_wait3A_113 : memref<16x128xf32, #tpu.memory_space<vmem_shared>>)
      tpu.yield
    }) : () -> ()
    %add3A_80 = arith.constant 576 : i32
    %add3A_81 = arith.addi %mul3A_8, %add3A_80 : i32
    "tpu.region"() ({
      %run_scoped3A = tpu.sem_alloc : memref<!tpu.dma_semaphore, #tpu.memory_space<semaphore_mem>>
      %dma_start3A = arith.constant 0 : i32
      %dma_start3A_108 = tpu.memref_slice %arg17[%add3A_81, %dma_start3A] : memref<10000x128xf32, #tpu.memory_space<vmem_shared>> -> memref<16x128xf32, #tpu.memory_space<vmem_shared>>
      %dma_start3A_109 = arith.constant 0 : i32
      %dma_start3A_110 = tpu.memref_slice %arg17[%add3A_81, %dma_start3A_109] : memref<10000x128xf32, #tpu.memory_space<vmem_shared>> -> memref<16x128xf32, #tpu.memory_space<vmem_shared>>
      tpu.enqueue_dma source(%arg14 : memref<16x128xf32, #tpu.memory_space<vmem>>) target(%dma_start3A_110 : memref<16x128xf32, #tpu.memory_space<vmem_shared>>) target_semaphore(%run_scoped3A : memref<!tpu.dma_semaphore, #tpu.memory_space<semaphore_mem>>)
      %dma_wait3A = arith.constant 0 : i32
      %dma_wait3A_111 = tpu.memref_slice %arg17[%add3A_81, %dma_wait3A] : memref<10000x128xf32, #tpu.memory_space<vmem_shared>> -> memref<16x128xf32, #tpu.memory_space<vmem_shared>>
      %dma_wait3A_112 = arith.constant 0 : i32
      %dma_wait3A_113 = tpu.memref_slice %arg17[%add3A_81, %dma_wait3A_112] : memref<10000x128xf32, #tpu.memory_space<vmem_shared>> -> memref<16x128xf32, #tpu.memory_space<vmem_shared>>
      tpu.wait_dma2 semaphore(%run_scoped3A : memref<!tpu.dma_semaphore, #tpu.memory_space<semaphore_mem>>) src(%arg14 : memref<16x128xf32, #tpu.memory_space<vmem>>) dst(%dma_wait3A_113 : memref<16x128xf32, #tpu.memory_space<vmem_shared>>)
      tpu.yield
    }) : () -> ()
    %add3A_82 = arith.constant 592 : i32
    %add3A_83 = arith.addi %mul3A_8, %add3A_82 : i32
    "tpu.region"() ({
      %run_scoped3A = tpu.sem_alloc : memref<!tpu.dma_semaphore, #tpu.memory_space<semaphore_mem>>
      %dma_start3A = arith.constant 0 : i32
      %dma_start3A_108 = tpu.memref_slice %arg17[%add3A_83, %dma_start3A] : memref<10000x128xf32, #tpu.memory_space<vmem_shared>> -> memref<16x128xf32, #tpu.memory_space<vmem_shared>>
      %dma_start3A_109 = arith.constant 0 : i32
      %dma_start3A_110 = tpu.memref_slice %arg17[%add3A_83, %dma_start3A_109] : memref<10000x128xf32, #tpu.memory_space<vmem_shared>> -> memref<16x128xf32, #tpu.memory_space<vmem_shared>>
      tpu.enqueue_dma source(%arg14 : memref<16x128xf32, #tpu.memory_space<vmem>>) target(%dma_start3A_110 : memref<16x128xf32, #tpu.memory_space<vmem_shared>>) target_semaphore(%run_scoped3A : memref<!tpu.dma_semaphore, #tpu.memory_space<semaphore_mem>>)
      %dma_wait3A = arith.constant 0 : i32
      %dma_wait3A_111 = tpu.memref_slice %arg17[%add3A_83, %dma_wait3A] : memref<10000x128xf32, #tpu.memory_space<vmem_shared>> -> memref<16x128xf32, #tpu.memory_space<vmem_shared>>
      %dma_wait3A_112 = arith.constant 0 : i32
      %dma_wait3A_113 = tpu.memref_slice %arg17[%add3A_83, %dma_wait3A_112] : memref<10000x128xf32, #tpu.memory_space<vmem_shared>> -> memref<16x128xf32, #tpu.memory_space<vmem_shared>>
      tpu.wait_dma2 semaphore(%run_scoped3A : memref<!tpu.dma_semaphore, #tpu.memory_space<semaphore_mem>>) src(%arg14 : memref<16x128xf32, #tpu.memory_space<vmem>>) dst(%dma_wait3A_113 : memref<16x128xf32, #tpu.memory_space<vmem_shared>>)
      tpu.yield
    }) : () -> ()
    %add3A_84 = arith.constant 608 : i32
    %add3A_85 = arith.addi %mul3A_8, %add3A_84 : i32
    "tpu.region"() ({
      %run_scoped3A = tpu.sem_alloc : memref<!tpu.dma_semaphore, #tpu.memory_space<semaphore_mem>>
      %dma_start3A = arith.constant 0 : i32
      %dma_start3A_108 = tpu.memref_slice %arg17[%add3A_85, %dma_start3A] : memref<10000x128xf32, #tpu.memory_space<vmem_shared>> -> memref<16x128xf32, #tpu.memory_space<vmem_shared>>
      %dma_start3A_109 = arith.constant 0 : i32
      %dma_start3A_110 = tpu.memref_slice %arg17[%add3A_85, %dma_start3A_109] : memref<10000x128xf32, #tpu.memory_space<vmem_shared>> -> memref<16x128xf32, #tpu.memory_space<vmem_shared>>
      tpu.enqueue_dma source(%arg14 : memref<16x128xf32, #tpu.memory_space<vmem>>) target(%dma_start3A_110 : memref<16x128xf32, #tpu.memory_space<vmem_shared>>) target_semaphore(%run_scoped3A : memref<!tpu.dma_semaphore, #tpu.memory_space<semaphore_mem>>)
      %dma_wait3A = arith.constant 0 : i32
      %dma_wait3A_111 = tpu.memref_slice %arg17[%add3A_85, %dma_wait3A] : memref<10000x128xf32, #tpu.memory_space<vmem_shared>> -> memref<16x128xf32, #tpu.memory_space<vmem_shared>>
      %dma_wait3A_112 = arith.constant 0 : i32
      %dma_wait3A_113 = tpu.memref_slice %arg17[%add3A_85, %dma_wait3A_112] : memref<10000x128xf32, #tpu.memory_space<vmem_shared>> -> memref<16x128xf32, #tpu.memory_space<vmem_shared>>
      tpu.wait_dma2 semaphore(%run_scoped3A : memref<!tpu.dma_semaphore, #tpu.memory_space<semaphore_mem>>) src(%arg14 : memref<16x128xf32, #tpu.memory_space<vmem>>) dst(%dma_wait3A_113 : memref<16x128xf32, #tpu.memory_space<vmem_shared>>)
      tpu.yield
    }) : () -> ()
    %eq3A_86 = arith.constant 15 : i32
    %eq3A_87 = arith.cmpi eq, %arg1, %eq3A_86 : i32
    %convert_element_type3A_88 = arith.extui %eq3A_87 : i1 to i32
    %cond3A_89 = arith.constant 0 : i32
    %cond3A_90 = arith.cmpi ne, %convert_element_type3A_88, %cond3A_89 : i32
    scf.if %cond3A_90 {
      "tpu.region"() ({
        %run_scoped3A = tpu.sem_alloc : memref<!tpu.dma_semaphore, #tpu.memory_space<semaphore_mem>>
        %dma_start3A = arith.constant 0 : i32
        %dma_start3A_108 = arith.constant 0 : i32
        %dma_start3A_109 = tpu.memref_slice %arg14[%dma_start3A, %dma_start3A_108] : memref<16x128xf32, #tpu.memory_space<vmem>> -> memref<16x128xf32, #tpu.memory_space<vmem>>
        %dma_start3A_110 = arith.constant 9984 : i32
        %dma_start3A_111 = arith.constant 0 : i32
        %dma_start3A_112 = tpu.memref_slice %arg17[%dma_start3A_110, %dma_start3A_111] : memref<10000x128xf32, #tpu.memory_space<vmem_shared>> -> memref<16x128xf32, #tpu.memory_space<vmem_shared>>
        %dma_start3A_113 = arith.constant 9984 : i32
        %dma_start3A_114 = arith.constant 0 : i32
        %dma_start3A_115 = tpu.memref_slice %arg17[%dma_start3A_113, %dma_start3A_114] : memref<10000x128xf32, #tpu.memory_space<vmem_shared>> -> memref<16x128xf32, #tpu.memory_space<vmem_shared>>
        %dma_start3A_116 = arith.constant 0 : i32
        %dma_start3A_117 = arith.constant 0 : i32
        %dma_start3A_118 = tpu.memref_slice %arg14[%dma_start3A_116, %dma_start3A_117] : memref<16x128xf32, #tpu.memory_space<vmem>> -> memref<16x128xf32, #tpu.memory_space<vmem>>
        tpu.enqueue_dma source(%dma_start3A_118 : memref<16x128xf32, #tpu.memory_space<vmem>>) target(%dma_start3A_115 : memref<16x128xf32, #tpu.memory_space<vmem_shared>>) target_semaphore(%run_scoped3A : memref<!tpu.dma_semaphore, #tpu.memory_space<semaphore_mem>>)
        %dma_wait3A = arith.constant 0 : i32
        %dma_wait3A_119 = arith.constant 0 : i32
        %dma_wait3A_120 = tpu.memref_slice %arg14[%dma_wait3A, %dma_wait3A_119] : memref<16x128xf32, #tpu.memory_space<vmem>> -> memref<16x128xf32, #tpu.memory_space<vmem>>
        %dma_wait3A_121 = arith.constant 9984 : i32
        %dma_wait3A_122 = arith.constant 0 : i32
        %dma_wait3A_123 = tpu.memref_slice %arg17[%dma_wait3A_121, %dma_wait3A_122] : memref<10000x128xf32, #tpu.memory_space<vmem_shared>> -> memref<16x128xf32, #tpu.memory_space<vmem_shared>>
        %dma_wait3A_124 = arith.constant 9984 : i32
        %dma_wait3A_125 = arith.constant 0 : i32
        %dma_wait3A_126 = tpu.memref_slice %arg17[%dma_wait3A_124, %dma_wait3A_125] : memref<10000x128xf32, #tpu.memory_space<vmem_shared>> -> memref<16x128xf32, #tpu.memory_space<vmem_shared>>
        %dma_wait3A_127 = arith.constant 0 : i32
        %dma_wait3A_128 = arith.constant 0 : i32
        %dma_wait3A_129 = tpu.memref_slice %arg14[%dma_wait3A_127, %dma_wait3A_128] : memref<16x128xf32, #tpu.memory_space<vmem>> -> memref<16x128xf32, #tpu.memory_space<vmem>>
        tpu.wait_dma2 semaphore(%run_scoped3A : memref<!tpu.dma_semaphore, #tpu.memory_space<semaphore_mem>>) src(%dma_wait3A_129 : memref<16x128xf32, #tpu.memory_space<vmem>>) dst(%dma_wait3A_126 : memref<16x128xf32, #tpu.memory_space<vmem_shared>>)
        tpu.yield
      }) : () -> ()
    } else {
    }
    %barrier3A = arith.constant 0 : index
    tpu.barrier barrier_id(%barrier3A)
    %get3A = arith.constant 0 : index
    %get3A_91 = tpu.vector_load %arg8[%get3A] {strides = array<i32>} : memref<16xf32, #tpu.memory_space<vmem>>, vector<16xf32>,
    %mul3A_92 = arith.constant 64 : i32
    %mul3A_93 = arith.muli %arg0, %mul3A_92 : i32
    %mul3A_94 = arith.constant 20000 : i32
    %mul3A_95 = arith.muli %arg1, %mul3A_94 : i32
    %scan3A_96 = arith.constant 0 : i32
    %scan3A_97 = arith.constant 0 : i32
    %scan3A_98 = arith.constant 1250 : i32
    %scan3A_99 = arith.addi %scan3A_97, %scan3A_98 : i32
    %scan3A_100 = arith.constant 1 : i32
    scf.for %scan3A_108 = %scan3A_97 to %scan3A_99 step %scan3A_100  : i32 {
      %mul3A_109 = arith.constant 16 : i32
      %mul3A_110 = arith.muli %scan3A_108, %mul3A_109 : i32
      %add3A_111 = arith.addi %mul3A_95, %mul3A_110 : i32
      "tpu.region"() ({
        %run_scoped3A = tpu.sem_alloc : memref<!tpu.dma_semaphore, #tpu.memory_space<semaphore_mem>>
        %dma_start3A_134 = tpu.memref_slice %arg5[%add3A_111] : memref<320000xi32, #tpu.memory_space<hbm>> -> memref<16xi32, #tpu.memory_space<hbm>>
        %dma_start3A_135 = tpu.memref_slice %arg5[%add3A_111] : memref<320000xi32, #tpu.memory_space<hbm>> -> memref<16xi32, #tpu.memory_space<hbm>>
        tpu.enqueue_dma source(%dma_start3A_135 : memref<16xi32, #tpu.memory_space<hbm>>) target(%arg9 : memref<16xi32, #tpu.memory_space<vmem>>) target_semaphore(%run_scoped3A : memref<!tpu.dma_semaphore, #tpu.memory_space<semaphore_mem>>)
        %dma_wait3A_136 = tpu.memref_slice %arg5[%add3A_111] : memref<320000xi32, #tpu.memory_space<hbm>> -> memref<16xi32, #tpu.memory_space<hbm>>
        %dma_wait3A_137 = tpu.memref_slice %arg5[%add3A_111] : memref<320000xi32, #tpu.memory_space<hbm>> -> memref<16xi32, #tpu.memory_space<hbm>>
        tpu.wait_dma2 semaphore(%run_scoped3A : memref<!tpu.dma_semaphore, #tpu.memory_space<semaphore_mem>>) src(%dma_wait3A_137 : memref<16xi32, #tpu.memory_space<hbm>>) dst(%arg9 : memref<16xi32, #tpu.memory_space<vmem>>)
        tpu.yield
      }) : () -> ()
      "tpu.region"() ({
        %run_scoped3A = tpu.sem_alloc : memref<!tpu.dma_semaphore, #tpu.memory_space<semaphore_mem>>
        %dma_start3A_134 = tpu.memref_slice %arg6[%add3A_111] : memref<320000xi32, #tpu.memory_space<hbm>> -> memref<16xi32, #tpu.memory_space<hbm>>
        %dma_start3A_135 = tpu.memref_slice %arg6[%add3A_111] : memref<320000xi32, #tpu.memory_space<hbm>> -> memref<16xi32, #tpu.memory_space<hbm>>
        tpu.enqueue_dma source(%dma_start3A_135 : memref<16xi32, #tpu.memory_space<hbm>>) target(%arg10 : memref<16xi32, #tpu.memory_space<vmem>>) target_semaphore(%run_scoped3A : memref<!tpu.dma_semaphore, #tpu.memory_space<semaphore_mem>>)
        %dma_wait3A_136 = tpu.memref_slice %arg6[%add3A_111] : memref<320000xi32, #tpu.memory_space<hbm>> -> memref<16xi32, #tpu.memory_space<hbm>>
        %dma_wait3A_137 = tpu.memref_slice %arg6[%add3A_111] : memref<320000xi32, #tpu.memory_space<hbm>> -> memref<16xi32, #tpu.memory_space<hbm>>
        tpu.wait_dma2 semaphore(%run_scoped3A : memref<!tpu.dma_semaphore, #tpu.memory_space<semaphore_mem>>) src(%dma_wait3A_137 : memref<16xi32, #tpu.memory_space<hbm>>) dst(%arg10 : memref<16xi32, #tpu.memory_space<vmem>>)
        tpu.yield
      }) : () -> ()
      %dma_start3A = arith.constant 0 : i32
      %dma_start3A_112 = arith.constant 0 : i32
      %dma_start3A_113 = tpu.memref_slice %arg2[%dma_start3A, %dma_start3A_112] : memref<10000x128xf32, #tpu.memory_space<hbm>> -> memref<10000x128xf32, #tpu.memory_space<hbm>>
      tpu.enqueue_indirect_dma source(%dma_start3A_113 : memref<10000x128xf32, #tpu.memory_space<hbm>>) target(%arg13 : memref<16x128xf32, #tpu.memory_space<vmem>>) offsets(%arg9 : memref<16xi32, #tpu.memory_space<vmem>>) semaphore(%arg18 : memref<!tpu.dma_semaphore, #tpu.memory_space<semaphore_mem>>)
      %dma_wait3A = arith.constant 0 : i32
      %dma_wait3A_114 = arith.constant 0 : i32
      %dma_wait3A_115 = tpu.memref_slice %arg2[%dma_wait3A, %dma_wait3A_114] : memref<10000x128xf32, #tpu.memory_space<hbm>> -> memref<10000x128xf32, #tpu.memory_space<hbm>>
      tpu.wait_indirect_dma semaphore(%arg18 : memref<!tpu.dma_semaphore, #tpu.memory_space<semaphore_mem>>) src(%dma_wait3A_115 : memref<10000x128xf32, #tpu.memory_space<hbm>>) dst(%arg13 : memref<16x128xf32, #tpu.memory_space<vmem>>)
      %dma_start3A_116 = arith.constant 0 : i32
      %dma_start3A_117 = arith.constant 0 : i32
      %dma_start3A_118 = tpu.memref_slice %arg16[%dma_start3A_116, %dma_start3A_117] : memref<10000x16xf32, #tpu.memory_space<vmem_shared>> -> memref<10000x16xf32, #tpu.memory_space<vmem_shared>>
      tpu.enqueue_indirect_dma source(%dma_start3A_118 : memref<10000x16xf32, #tpu.memory_space<vmem_shared>>) target(%arg11 : memref<16x16xf32, #tpu.memory_space<vmem>>) offsets(%arg9 : memref<16xi32, #tpu.memory_space<vmem>>) semaphore(%arg19 : memref<!tpu.dma_semaphore, #tpu.memory_space<semaphore_mem>>)
      %dma_wait3A_119 = arith.constant 0 : i32
      %dma_wait3A_120 = arith.constant 0 : i32
      %dma_wait3A_121 = tpu.memref_slice %arg16[%dma_wait3A_119, %dma_wait3A_120] : memref<10000x16xf32, #tpu.memory_space<vmem_shared>> -> memref<10000x16xf32, #tpu.memory_space<vmem_shared>>
      tpu.wait_indirect_dma semaphore(%arg19 : memref<!tpu.dma_semaphore, #tpu.memory_space<semaphore_mem>>) src(%dma_wait3A_121 : memref<10000x16xf32, #tpu.memory_space<vmem_shared>>) dst(%arg11 : memref<16x16xf32, #tpu.memory_space<vmem>>)
      %dma_start3A_122 = arith.constant 0 : i32
      %dma_start3A_123 = arith.constant 0 : i32
      %dma_start3A_124 = tpu.memref_slice %arg16[%dma_start3A_122, %dma_start3A_123] : memref<10000x16xf32, #tpu.memory_space<vmem_shared>> -> memref<10000x16xf32, #tpu.memory_space<vmem_shared>>
      tpu.enqueue_indirect_dma source(%dma_start3A_124 : memref<10000x16xf32, #tpu.memory_space<vmem_shared>>) target(%arg12 : memref<16x16xf32, #tpu.memory_space<vmem>>) offsets(%arg10 : memref<16xi32, #tpu.memory_space<vmem>>) semaphore(%arg20 : memref<!tpu.dma_semaphore, #tpu.memory_space<semaphore_mem>>)
      %dma_wait3A_125 = arith.constant 0 : i32
      %dma_wait3A_126 = arith.constant 0 : i32
      %dma_wait3A_127 = tpu.memref_slice %arg16[%dma_wait3A_125, %dma_wait3A_126] : memref<10000x16xf32, #tpu.memory_space<vmem_shared>> -> memref<10000x16xf32, #tpu.memory_space<vmem_shared>>
      tpu.wait_indirect_dma semaphore(%arg20 : memref<!tpu.dma_semaphore, #tpu.memory_space<semaphore_mem>>) src(%dma_wait3A_127 : memref<10000x16xf32, #tpu.memory_space<vmem_shared>>) dst(%arg12 : memref<16x16xf32, #tpu.memory_space<vmem>>)
      %scan3A_128 = arith.constant 0 : i32
      %scan3A_129 = arith.constant 0 : i32
      %scan3A_130 = arith.constant 16 : i32
      %scan3A_131 = arith.addi %scan3A_129, %scan3A_130 : i32
      %scan3A_132 = arith.constant 1 : i32
      scf.for %scan3A_134 = %scan3A_129 to %scan3A_131 step %scan3A_132  : i32 {
        %get3A_135 = arith.index_cast %scan3A_134 : i32 to index
        %get3A_136 = arith.constant 0 : index
        %get3A_137 = tpu.vector_load %arg11[%get3A_135, %get3A_136] {strides = array<i32>} : memref<16x16xf32, #tpu.memory_space<vmem>>, vector<16xf32>,
        %get3A_138 = arith.index_cast %scan3A_134 : i32 to index
        %get3A_139 = arith.constant 0 : index
        %get3A_140 = tpu.vector_load %arg12[%get3A_138, %get3A_139] {strides = array<i32>} : memref<16x16xf32, #tpu.memory_space<vmem>>, vector<16xf32>,
        %add3A_141 = arith.constant 4 : i32
        %add3A_142 = vector.broadcast %add3A_141 : i32 to vector<16xi32>
        %add3A_143 = arith.addi %iota3A, %add3A_142 : vector<16xi32>
        %min3A = arith.constant 15 : i32
        %min3A_144 = vector.broadcast %min3A : i32 to vector<16xi32>
        %min3A_145 = arith.minsi %add3A_143, %min3A_144 : vector<16xi32>
        %broadcast_in_dim3A_146 = vector.shape_cast %min3A_145 : vector<16xi32> to vector<16x1xi32>
        %gather3A = vector.shape_cast %broadcast_in_dim3A_146 : vector<16x1xi32> to vector<16xi32>
        %gather3A_147 = tpu.dynamic_gather %get3A_140[%gather3A] in [0] : vector<16xf32>, vector<16xi32> -> vector<16xf32>
        %add3A_148 = arith.addf %get3A_137, %gather3A_147 : vector<16xf32>
        %mul3A_149 = arith.constant 2.000000e-01 : f32
        %mul3A_150 = vector.broadcast %mul3A_149 : f32 to vector<16xf32>
        %mul3A_151 = arith.mulf %mul3A_150, %add3A_148 : vector<16xf32>
        %max3A = arith.maximumf %add3A_148, %mul3A_151 : vector<16xf32>
        %sub3A = arith.subf %max3A, %get3A_91 : vector<16xf32>
        %exp3A = math.exp %sub3A : vector<16xf32>
        %lt3A = arith.constant 4 : i32
        %lt3A_152 = vector.broadcast %lt3A : i32 to vector<16xi32>
        %lt3A_153 = arith.cmpi slt, %iota3A, %lt3A_152 : vector<16xi32>
        %jit3A = arith.constant 0.000000e+00 : f32
        %broadcast_in_dim3A_154 = vector.broadcast %jit3A : f32 to vector<16xf32>
        %select_n3A = arith.select %lt3A_153, %exp3A, %broadcast_in_dim3A_154 : vector<16xi1>, vector<16xf32>
        %swap3A = arith.index_cast %scan3A_134 : i32 to index
        %swap3A_155 = arith.constant 64 : index
        %swap3A_156 = tpu.vector_load %arg14[%swap3A, %swap3A_155] {strides = array<i32>} : memref<16x128xf32, #tpu.memory_space<vmem>>, vector<16xf32>,
        tpu.vector_store %arg14[%swap3A, %swap3A_155], %select_n3A {strides = array<i32>} : memref<16x128xf32, #tpu.memory_space<vmem>>, vector<16xf32>,
        %broadcast_in_dim3A_157 = arith.constant 0 : i32
        %broadcast_in_dim3A_158 = vector.broadcast %broadcast_in_dim3A_157 : i32 to vector<16xi32>
        %broadcast_in_dim3A_159 = vector.shape_cast %broadcast_in_dim3A_158 : vector<16xi32> to vector<16x1xi32>
        %gather3A_160 = vector.shape_cast %broadcast_in_dim3A_159 : vector<16x1xi32> to vector<16xi32>
        %gather3A_161 = tpu.dynamic_gather %select_n3A[%gather3A_160] in [0] : vector<16xf32>, vector<16xi32> -> vector<16xf32>
        %add3A_162 = arith.constant 0 : i32
        %add3A_163 = arith.addi %mul3A_93, %add3A_162 : i32
        %get3A_164 = arith.index_cast %scan3A_134 : i32 to index
        %get3A_165 = arith.index_cast %add3A_163 : i32 to index
        %get3A_166 = tpu.vector_load %arg13[%get3A_164, %get3A_165] {strides = array<i32>} : memref<16x128xf32, #tpu.memory_space<vmem>>, vector<16xf32>,
        %mul3A_167 = arith.mulf %get3A_166, %gather3A_161 : vector<16xf32>
        %swap3A_168 = arith.index_cast %scan3A_134 : i32 to index
        %swap3A_169 = arith.constant 0 : index
        %swap3A_170 = tpu.vector_load %arg14[%swap3A_168, %swap3A_169] {strides = array<i32>} : memref<16x128xf32, #tpu.memory_space<vmem>>, vector<16xf32>,
        tpu.vector_store %arg14[%swap3A_168, %swap3A_169], %mul3A_167 {strides = array<i32>} : memref<16x128xf32, #tpu.memory_space<vmem>>, vector<16xf32>,
        %broadcast_in_dim3A_171 = arith.constant 1 : i32
        %broadcast_in_dim3A_172 = vector.broadcast %broadcast_in_dim3A_171 : i32 to vector<16xi32>
        %broadcast_in_dim3A_173 = vector.shape_cast %broadcast_in_dim3A_172 : vector<16xi32> to vector<16x1xi32>
        %gather3A_174 = vector.shape_cast %broadcast_in_dim3A_173 : vector<16x1xi32> to vector<16xi32>
        %gather3A_175 = tpu.dynamic_gather %select_n3A[%gather3A_174] in [0] : vector<16xf32>, vector<16xi32> -> vector<16xf32>
        %add3A_176 = arith.constant 16 : i32
        %add3A_177 = arith.addi %mul3A_93, %add3A_176 : i32
        %get3A_178 = arith.index_cast %scan3A_134 : i32 to index
        %get3A_179 = arith.index_cast %add3A_177 : i32 to index
        %get3A_180 = tpu.vector_load %arg13[%get3A_178, %get3A_179] {strides = array<i32>} : memref<16x128xf32, #tpu.memory_space<vmem>>, vector<16xf32>,
        %mul3A_181 = arith.mulf %get3A_180, %gather3A_175 : vector<16xf32>
        %swap3A_182 = arith.index_cast %scan3A_134 : i32 to index
        %swap3A_183 = arith.constant 16 : index
        %swap3A_184 = tpu.vector_load %arg14[%swap3A_182, %swap3A_183] {strides = array<i32>} : memref<16x128xf32, #tpu.memory_space<vmem>>, vector<16xf32>,
        tpu.vector_store %arg14[%swap3A_182, %swap3A_183], %mul3A_181 {strides = array<i32>} : memref<16x128xf32, #tpu.memory_space<vmem>>, vector<16xf32>,
        %broadcast_in_dim3A_185 = arith.constant 2 : i32
        %broadcast_in_dim3A_186 = vector.broadcast %broadcast_in_dim3A_185 : i32 to vector<16xi32>
        %broadcast_in_dim3A_187 = vector.shape_cast %broadcast_in_dim3A_186 : vector<16xi32> to vector<16x1xi32>
        %gather3A_188 = vector.shape_cast %broadcast_in_dim3A_187 : vector<16x1xi32> to vector<16xi32>
        %gather3A_189 = tpu.dynamic_gather %select_n3A[%gather3A_188] in [0] : vector<16xf32>, vector<16xi32> -> vector<16xf32>
        %add3A_190 = arith.constant 32 : i32
        %add3A_191 = arith.addi %mul3A_93, %add3A_190 : i32
        %get3A_192 = arith.index_cast %scan3A_134 : i32 to index
        %get3A_193 = arith.index_cast %add3A_191 : i32 to index
        %get3A_194 = tpu.vector_load %arg13[%get3A_192, %get3A_193] {strides = array<i32>} : memref<16x128xf32, #tpu.memory_space<vmem>>, vector<16xf32>,
        %mul3A_195 = arith.mulf %get3A_194, %gather3A_189 : vector<16xf32>
        %swap3A_196 = arith.index_cast %scan3A_134 : i32 to index
        %swap3A_197 = arith.constant 32 : index
        %swap3A_198 = tpu.vector_load %arg14[%swap3A_196, %swap3A_197] {strides = array<i32>} : memref<16x128xf32, #tpu.memory_space<vmem>>, vector<16xf32>,
        tpu.vector_store %arg14[%swap3A_196, %swap3A_197], %mul3A_195 {strides = array<i32>} : memref<16x128xf32, #tpu.memory_space<vmem>>, vector<16xf32>,
        %broadcast_in_dim3A_199 = arith.constant 3 : i32
        %broadcast_in_dim3A_200 = vector.broadcast %broadcast_in_dim3A_199 : i32 to vector<16xi32>
        %broadcast_in_dim3A_201 = vector.shape_cast %broadcast_in_dim3A_200 : vector<16xi32> to vector<16x1xi32>
        %gather3A_202 = vector.shape_cast %broadcast_in_dim3A_201 : vector<16x1xi32> to vector<16xi32>
        %gather3A_203 = tpu.dynamic_gather %select_n3A[%gather3A_202] in [0] : vector<16xf32>, vector<16xi32> -> vector<16xf32>
        %add3A_204 = arith.constant 48 : i32
        %add3A_205 = arith.addi %mul3A_93, %add3A_204 : i32
        %get3A_206 = arith.index_cast %scan3A_134 : i32 to index
        %get3A_207 = arith.index_cast %add3A_205 : i32 to index
        %get3A_208 = tpu.vector_load %arg13[%get3A_206, %get3A_207] {strides = array<i32>} : memref<16x128xf32, #tpu.memory_space<vmem>>, vector<16xf32>,
        %mul3A_209 = arith.mulf %get3A_208, %gather3A_203 : vector<16xf32>
        %swap3A_210 = arith.index_cast %scan3A_134 : i32 to index
        %swap3A_211 = arith.constant 48 : index
        %swap3A_212 = tpu.vector_load %arg14[%swap3A_210, %swap3A_211] {strides = array<i32>} : memref<16x128xf32, #tpu.memory_space<vmem>>, vector<16xf32>,
        tpu.vector_store %arg14[%swap3A_210, %swap3A_211], %mul3A_209 {strides = array<i32>} : memref<16x128xf32, #tpu.memory_space<vmem>>, vector<16xf32>,
      }
      %scan3A_133 = arith.constant 16 : i32
      "tpu.region"() ({
        %run_scoped3A = tpu.sem_alloc : memref<!tpu.dma_semaphore, #tpu.memory_space<semaphore_mem>>
        %dma_start3A_134 = arith.constant 0 : i32
        %dma_start3A_135 = arith.constant 0 : i32
        %dma_start3A_136 = tpu.memref_slice %arg17[%dma_start3A_134, %dma_start3A_135] : memref<10000x128xf32, #tpu.memory_space<vmem_shared>> -> memref<10000x128xf32, #tpu.memory_space<vmem_shared>>
        tpu.enqueue_indirect_dma source(%arg14 : memref<16x128xf32, #tpu.memory_space<vmem>>) target(%dma_start3A_136 : memref<10000x128xf32, #tpu.memory_space<vmem_shared>>) offsets(%arg10 : memref<16xi32, #tpu.memory_space<vmem>>) semaphore(%run_scoped3A : memref<!tpu.dma_semaphore, #tpu.memory_space<semaphore_mem>>) {add = true}
        %dma_wait3A_137 = arith.constant 0 : i32
        %dma_wait3A_138 = arith.constant 0 : i32
        %dma_wait3A_139 = tpu.memref_slice %arg17[%dma_wait3A_137, %dma_wait3A_138] : memref<10000x128xf32, #tpu.memory_space<vmem_shared>> -> memref<10000x128xf32, #tpu.memory_space<vmem_shared>>
        tpu.wait_indirect_dma semaphore(%run_scoped3A : memref<!tpu.dma_semaphore, #tpu.memory_space<semaphore_mem>>) src(%arg14 : memref<16x128xf32, #tpu.memory_space<vmem>>) dst(%dma_wait3A_139 : memref<10000x128xf32, #tpu.memory_space<vmem_shared>>)
        tpu.yield
      }) : () -> ()
    }
    %scan3A_101 = arith.constant 1250 : i32
    %barrier3A_102 = arith.constant 0 : index
    tpu.barrier barrier_id(%barrier3A_102)
    "tpu.region"() ({
      %run_scoped3A = tpu.sem_alloc : memref<!tpu.dma_semaphore, #tpu.memory_space<semaphore_mem>>
      %dma_start3A = arith.constant 0 : i32
      %dma_start3A_108 = arith.constant 0 : i32
      %dma_start3A_109 = tpu.memref_slice %arg7[%arg0, %dma_start3A, %dma_start3A_108] : memref<2x10000x128xf32, #tpu.memory_space<hbm>> -> memref<1x10000x128xf32, #tpu.memory_space<hbm>>
      %dma_start3A_110 = tpu.memref_squeeze %dma_start3A_109 : memref<1x10000x128xf32, #tpu.memory_space<hbm>> -> memref<10000x128xf32, #tpu.memory_space<hbm>>
      %dma_start3A_111 = arith.constant 0 : i32
      %dma_start3A_112 = tpu.memref_slice %dma_start3A_110[%mul3A_8, %dma_start3A_111] : memref<10000x128xf32, #tpu.memory_space<hbm>> -> memref<624x128xf32, #tpu.memory_space<hbm>>
      %dma_start3A_113 = arith.constant 0 : i32
      %dma_start3A_114 = tpu.memref_slice %arg17[%mul3A_8, %dma_start3A_113] : memref<10000x128xf32, #tpu.memory_space<vmem_shared>> -> memref<624x128xf32, #tpu.memory_space<vmem_shared>>
      tpu.enqueue_dma source(%dma_start3A_114 : memref<624x128xf32, #tpu.memory_space<vmem_shared>>) target(%dma_start3A_112 : memref<624x128xf32, #tpu.memory_space<hbm>>) target_semaphore(%run_scoped3A : memref<!tpu.dma_semaphore, #tpu.memory_space<semaphore_mem>>)
      %dma_wait3A = arith.constant 0 : i32
      %dma_wait3A_115 = arith.constant 0 : i32
      %dma_wait3A_116 = tpu.memref_slice %arg7[%arg0, %dma_wait3A, %dma_wait3A_115] : memref<2x10000x128xf32, #tpu.memory_space<hbm>> -> memref<1x10000x128xf32, #tpu.memory_space<hbm>>
      %dma_wait3A_117 = tpu.memref_squeeze %dma_wait3A_116 : memref<1x10000x128xf32, #tpu.memory_space<hbm>> -> memref<10000x128xf32, #tpu.memory_space<hbm>>
      %dma_wait3A_118 = arith.constant 0 : i32
      %dma_wait3A_119 = tpu.memref_slice %dma_wait3A_117[%mul3A_8, %dma_wait3A_118] : memref<10000x128xf32, #tpu.memory_space<hbm>> -> memref<624x128xf32, #tpu.memory_space<hbm>>
      %dma_wait3A_120 = arith.constant 0 : i32
      %dma_wait3A_121 = tpu.memref_slice %arg17[%mul3A_8, %dma_wait3A_120] : memref<10000x128xf32, #tpu.memory_space<vmem_shared>> -> memref<624x128xf32, #tpu.memory_space<vmem_shared>>
      tpu.wait_dma2 semaphore(%run_scoped3A : memref<!tpu.dma_semaphore, #tpu.memory_space<semaphore_mem>>) src(%dma_wait3A_121 : memref<624x128xf32, #tpu.memory_space<vmem_shared>>) dst(%dma_wait3A_119 : memref<624x128xf32, #tpu.memory_space<hbm>>)
      tpu.yield
    }) : () -> ()
    %eq3A_103 = arith.constant 15 : i32
    %eq3A_104 = arith.cmpi eq, %arg1, %eq3A_103 : i32
    %convert_element_type3A_105 = arith.extui %eq3A_104 : i1 to i32
    %cond3A_106 = arith.constant 0 : i32
    %cond3A_107 = arith.cmpi ne, %convert_element_type3A_105, %cond3A_106 : i32
    scf.if %cond3A_107 {
      "tpu.region"() ({
        %run_scoped3A = tpu.sem_alloc : memref<!tpu.dma_semaphore, #tpu.memory_space<semaphore_mem>>
        %dma_start3A = arith.constant 0 : i32
        %dma_start3A_108 = arith.constant 0 : i32
        %dma_start3A_109 = tpu.memref_slice %arg7[%arg0, %dma_start3A, %dma_start3A_108] : memref<2x10000x128xf32, #tpu.memory_space<hbm>> -> memref<1x10000x128xf32, #tpu.memory_space<hbm>>
        %dma_start3A_110 = tpu.memref_squeeze %dma_start3A_109 : memref<1x10000x128xf32, #tpu.memory_space<hbm>> -> memref<10000x128xf32, #tpu.memory_space<hbm>>
        %dma_start3A_111 = arith.constant 9984 : i32
        %dma_start3A_112 = arith.constant 0 : i32
        %dma_start3A_113 = tpu.memref_slice %dma_start3A_110[%dma_start3A_111, %dma_start3A_112] : memref<10000x128xf32, #tpu.memory_space<hbm>> -> memref<16x128xf32, #tpu.memory_space<hbm>>
        %dma_start3A_114 = arith.constant 9984 : i32
        %dma_start3A_115 = arith.constant 0 : i32
        %dma_start3A_116 = tpu.memref_slice %arg17[%dma_start3A_114, %dma_start3A_115] : memref<10000x128xf32, #tpu.memory_space<vmem_shared>> -> memref<16x128xf32, #tpu.memory_space<vmem_shared>>
        tpu.enqueue_dma source(%dma_start3A_116 : memref<16x128xf32, #tpu.memory_space<vmem_shared>>) target(%dma_start3A_113 : memref<16x128xf32, #tpu.memory_space<hbm>>) target_semaphore(%run_scoped3A : memref<!tpu.dma_semaphore, #tpu.memory_space<semaphore_mem>>)
        %dma_wait3A = arith.constant 0 : i32
        %dma_wait3A_117 = arith.constant 0 : i32
        %dma_wait3A_118 = tpu.memref_slice %arg7[%arg0, %dma_wait3A, %dma_wait3A_117] : memref<2x10000x128xf32, #tpu.memory_space<hbm>> -> memref<1x10000x128xf32, #tpu.memory_space<hbm>>
        %dma_wait3A_119 = tpu.memref_squeeze %dma_wait3A_118 : memref<1x10000x128xf32, #tpu.memory_space<hbm>> -> memref<10000x128xf32, #tpu.memory_space<hbm>>
        %dma_wait3A_120 = arith.constant 9984 : i32
        %dma_wait3A_121 = arith.constant 0 : i32
        %dma_wait3A_122 = tpu.memref_slice %dma_wait3A_119[%dma_wait3A_120, %dma_wait3A_121] : memref<10000x128xf32, #tpu.memory_space<hbm>> -> memref<16x128xf32, #tpu.memory_space<hbm>>
        %dma_wait3A_123 = arith.constant 9984 : i32
        %dma_wait3A_124 = arith.constant 0 : i32
        %dma_wait3A_125 = tpu.memref_slice %arg17[%dma_wait3A_123, %dma_wait3A_124] : memref<10000x128xf32, #tpu.memory_space<vmem_shared>> -> memref<16x128xf32, #tpu.memory_space<vmem_shared>>
        tpu.wait_dma2 semaphore(%run_scoped3A : memref<!tpu.dma_semaphore, #tpu.memory_space<semaphore_mem>>) src(%dma_wait3A_125 : memref<16x128xf32, #tpu.memory_space<vmem_shared>>) dst(%dma_wait3A_122 : memref<16x128xf32, #tpu.memory_space<hbm>>)
        tpu.yield
      }) : () -> ()
    } else {
    }
    return
  }
}

#map = affine_map<(d0, d1) -> (0, 0)>
#map1 = affine_map<(d0, d1) -> (0)>
#map2 = affine_map<(d0, d1) -> (0, 0, 0)>
module attributes {stable_mosaic.version = 14 : i64} {
  func.func @_sc2_body(%arg0: i32, %arg1: i32, %arg2: memref<10000x128xf32, #tpu.memory_space<hbm>>, %arg3: memref<10000x16xf32, #tpu.memory_space<hbm>>, %arg4: memref<16xf32, #tpu.memory_space<hbm>>, %arg5: memref<320000xi32, #tpu.memory_space<hbm>>, %arg6: memref<320000xi32, #tpu.memory_space<hbm>>, %arg7: memref<2x10000x128xf32, #tpu.memory_space<hbm>>, %arg8: memref<16xf32, #tpu.memory_space<vmem>>, %arg9: memref<16xi32, #tpu.memory_space<vmem>>, %arg10: memref<16xi32, #tpu.memory_space<vmem>>, %arg11: memref<16x16xf32, #tpu.memory_space<vmem>>, %arg12: memref<16x16xf32, #tpu.memory_space<vmem>>, %arg13: memref<16x128xf32, #tpu.memory_space<vmem>>, %arg14: memref<16x128xf32, #tpu.memory_space<vmem>>, %arg15: memref<16xf32, #tpu.memory_space<vmem>>, %arg16: memref<10000x16xf32, #tpu.memory_space<vmem_shared>>, %arg17: memref<10000x128xf32, #tpu.memory_space<vmem_shared>>, %arg18: memref<!tpu.dma_semaphore, #tpu.memory_space<semaphore_mem>>, %arg19: memref<!tpu.dma_semaphore, #tpu.memory_space<semaphore_mem>>, %arg20: memref<!tpu.dma_semaphore, #tpu.memory_space<semaphore_mem>>) attributes {dimension_semantics = [#tpu.dimension_semantics<core_parallel>, #tpu.dimension_semantics<subcore_parallel>], iteration_bounds = array<i64: 2, 16>, scalar_prefetch = 0 : i64, scratch_operands = 13 : i64, tpu.core_type = #tpu.core_type<sc_vector_subcore>, window_params = [{transform_indices = #map}, {transform_indices = #map}, {transform_indices = #map1}, {transform_indices = #map1}, {transform_indices = #map1}, {transform_indices = #map2}]} {
    %eq3A = arith.constant 0 : i32
    %eq3A_0 = arith.cmpi eq, %arg1, %eq3A : i32
    %convert_element_type3A = arith.extui %eq3A_0 : i1 to i32
    %cond3A = arith.constant 0 : i32
    %cond3A_1 = arith.cmpi ne, %convert_element_type3A, %cond3A : i32
    scf.if %cond3A_1 {
      "tpu.region"() ({
        %run_scoped3A = tpu.sem_alloc : memref<!tpu.dma_semaphore, #tpu.memory_space<semaphore_mem>>
        tpu.enqueue_dma source(%arg3 : memref<10000x16xf32, #tpu.memory_space<hbm>>) target(%arg16 : memref<10000x16xf32, #tpu.memory_space<vmem_shared>>) target_semaphore(%run_scoped3A : memref<!tpu.dma_semaphore, #tpu.memory_space<semaphore_mem>>)
        tpu.wait_dma2 semaphore(%run_scoped3A : memref<!tpu.dma_semaphore, #tpu.memory_space<semaphore_mem>>) src(%arg3 : memref<10000x16xf32, #tpu.memory_space<hbm>>) dst(%arg16 : memref<10000x16xf32, #tpu.memory_space<vmem_shared>>)
        tpu.yield
      }) : () -> ()
    } else {
    }
    "tpu.region"() ({
      %run_scoped3A = tpu.sem_alloc : memref<!tpu.dma_semaphore, #tpu.memory_space<semaphore_mem>>
      tpu.enqueue_dma source(%arg4 : memref<16xf32, #tpu.memory_space<hbm>>) target(%arg8 : memref<16xf32, #tpu.memory_space<vmem>>) target_semaphore(%run_scoped3A : memref<!tpu.dma_semaphore, #tpu.memory_space<semaphore_mem>>)
      tpu.wait_dma2 semaphore(%run_scoped3A : memref<!tpu.dma_semaphore, #tpu.memory_space<semaphore_mem>>) src(%arg4 : memref<16xf32, #tpu.memory_space<hbm>>) dst(%arg8 : memref<16xf32, #tpu.memory_space<vmem>>)
      tpu.yield
    }) : () -> ()
    %broadcast_in_dim3A = arith.constant 0.000000e+00 : f32
    %broadcast_in_dim3A_2 = vector.broadcast %broadcast_in_dim3A : f32 to vector<16xf32>
    %iota3A = tpu.iota {dimensions = array<i32: 0>} : vector<16xi32>
    %scan3A = arith.constant 0 : i32
    %scan3A_3 = arith.constant 0 : i32
    %scan3A_4 = arith.constant 16 : i32
    %scan3A_5 = arith.addi %scan3A_3, %scan3A_4 : i32
    %scan3A_6 = arith.constant 1 : i32
    scf.for %scan3A_108 = %scan3A_3 to %scan3A_5 step %scan3A_6  : i32 {
      %swap3A = arith.index_cast %scan3A_108 : i32 to index
      %swap3A_109 = arith.constant 0 : index
      %swap3A_110 = tpu.vector_load %arg14[%swap3A, %swap3A_109] {strides = array<i32>} : memref<16x128xf32, #tpu.memory_space<vmem>>, vector<16xf32>,
      tpu.vector_store %arg14[%swap3A, %swap3A_109], %broadcast_in_dim3A_2 {strides = array<i32>} : memref<16x128xf32, #tpu.memory_space<vmem>>, vector<16xf32>,
      %swap3A_111 = arith.index_cast %scan3A_108 : i32 to index
      %swap3A_112 = arith.constant 16 : index
      %swap3A_113 = tpu.vector_load %arg14[%swap3A_111, %swap3A_112] {strides = array<i32>} : memref<16x128xf32, #tpu.memory_space<vmem>>, vector<16xf32>,
      tpu.vector_store %arg14[%swap3A_111, %swap3A_112], %broadcast_in_dim3A_2 {strides = array<i32>} : memref<16x128xf32, #tpu.memory_space<vmem>>, vector<16xf32>,
      %swap3A_114 = arith.index_cast %scan3A_108 : i32 to index
      %swap3A_115 = arith.constant 32 : index
      %swap3A_116 = tpu.vector_load %arg14[%swap3A_114, %swap3A_115] {strides = array<i32>} : memref<16x128xf32, #tpu.memory_space<vmem>>, vector<16xf32>,
      tpu.vector_store %arg14[%swap3A_114, %swap3A_115], %broadcast_in_dim3A_2 {strides = array<i32>} : memref<16x128xf32, #tpu.memory_space<vmem>>, vector<16xf32>,
      %swap3A_117 = arith.index_cast %scan3A_108 : i32 to index
      %swap3A_118 = arith.constant 48 : index
      %swap3A_119 = tpu.vector_load %arg14[%swap3A_117, %swap3A_118] {strides = array<i32>} : memref<16x128xf32, #tpu.memory_space<vmem>>, vector<16xf32>,
      tpu.vector_store %arg14[%swap3A_117, %swap3A_118], %broadcast_in_dim3A_2 {strides = array<i32>} : memref<16x128xf32, #tpu.memory_space<vmem>>, vector<16xf32>,
      %swap3A_120 = arith.index_cast %scan3A_108 : i32 to index
      %swap3A_121 = arith.constant 64 : index
      %swap3A_122 = tpu.vector_load %arg14[%swap3A_120, %swap3A_121] {strides = array<i32>} : memref<16x128xf32, #tpu.memory_space<vmem>>, vector<16xf32>,
      tpu.vector_store %arg14[%swap3A_120, %swap3A_121], %broadcast_in_dim3A_2 {strides = array<i32>} : memref<16x128xf32, #tpu.memory_space<vmem>>, vector<16xf32>,
      %swap3A_123 = arith.index_cast %scan3A_108 : i32 to index
      %swap3A_124 = arith.constant 80 : index
      %swap3A_125 = tpu.vector_load %arg14[%swap3A_123, %swap3A_124] {strides = array<i32>} : memref<16x128xf32, #tpu.memory_space<vmem>>, vector<16xf32>,
      tpu.vector_store %arg14[%swap3A_123, %swap3A_124], %broadcast_in_dim3A_2 {strides = array<i32>} : memref<16x128xf32, #tpu.memory_space<vmem>>, vector<16xf32>,
      %swap3A_126 = arith.index_cast %scan3A_108 : i32 to index
      %swap3A_127 = arith.constant 96 : index
      %swap3A_128 = tpu.vector_load %arg14[%swap3A_126, %swap3A_127] {strides = array<i32>} : memref<16x128xf32, #tpu.memory_space<vmem>>, vector<16xf32>,
      tpu.vector_store %arg14[%swap3A_126, %swap3A_127], %broadcast_in_dim3A_2 {strides = array<i32>} : memref<16x128xf32, #tpu.memory_space<vmem>>, vector<16xf32>,
      %swap3A_129 = arith.index_cast %scan3A_108 : i32 to index
      %swap3A_130 = arith.constant 112 : index
      %swap3A_131 = tpu.vector_load %arg14[%swap3A_129, %swap3A_130] {strides = array<i32>} : memref<16x128xf32, #tpu.memory_space<vmem>>, vector<16xf32>,
      tpu.vector_store %arg14[%swap3A_129, %swap3A_130], %broadcast_in_dim3A_2 {strides = array<i32>} : memref<16x128xf32, #tpu.memory_space<vmem>>, vector<16xf32>,
    }
    %scan3A_7 = arith.constant 16 : i32
    %mul3A = arith.constant 624 : i32
    %mul3A_8 = arith.muli %arg1, %mul3A : i32
    %add3A = arith.constant 0 : i32
    %add3A_9 = arith.addi %mul3A_8, %add3A : i32
    "tpu.region"() ({
      %run_scoped3A = tpu.sem_alloc : memref<!tpu.dma_semaphore, #tpu.memory_space<semaphore_mem>>
      %dma_start3A = arith.constant 0 : i32
      %dma_start3A_108 = tpu.memref_slice %arg17[%add3A_9, %dma_start3A] : memref<10000x128xf32, #tpu.memory_space<vmem_shared>> -> memref<16x128xf32, #tpu.memory_space<vmem_shared>>
      %dma_start3A_109 = arith.constant 0 : i32
      %dma_start3A_110 = tpu.memref_slice %arg17[%add3A_9, %dma_start3A_109] : memref<10000x128xf32, #tpu.memory_space<vmem_shared>> -> memref<16x128xf32, #tpu.memory_space<vmem_shared>>
      tpu.enqueue_dma source(%arg14 : memref<16x128xf32, #tpu.memory_space<vmem>>) target(%dma_start3A_110 : memref<16x128xf32, #tpu.memory_space<vmem_shared>>) target_semaphore(%run_scoped3A : memref<!tpu.dma_semaphore, #tpu.memory_space<semaphore_mem>>)
      %dma_wait3A = arith.constant 0 : i32
      %dma_wait3A_111 = tpu.memref_slice %arg17[%add3A_9, %dma_wait3A] : memref<10000x128xf32, #tpu.memory_space<vmem_shared>> -> memref<16x128xf32, #tpu.memory_space<vmem_shared>>
      %dma_wait3A_112 = arith.constant 0 : i32
      %dma_wait3A_113 = tpu.memref_slice %arg17[%add3A_9, %dma_wait3A_112] : memref<10000x128xf32, #tpu.memory_space<vmem_shared>> -> memref<16x128xf32, #tpu.memory_space<vmem_shared>>
      tpu.wait_dma2 semaphore(%run_scoped3A : memref<!tpu.dma_semaphore, #tpu.memory_space<semaphore_mem>>) src(%arg14 : memref<16x128xf32, #tpu.memory_space<vmem>>) dst(%dma_wait3A_113 : memref<16x128xf32, #tpu.memory_space<vmem_shared>>)
      tpu.yield
    }) : () -> ()
    %add3A_10 = arith.constant 16 : i32
    %add3A_11 = arith.addi %mul3A_8, %add3A_10 : i32
    "tpu.region"() ({
      %run_scoped3A = tpu.sem_alloc : memref<!tpu.dma_semaphore, #tpu.memory_space<semaphore_mem>>
      %dma_start3A = arith.constant 0 : i32
      %dma_start3A_108 = tpu.memref_slice %arg17[%add3A_11, %dma_start3A] : memref<10000x128xf32, #tpu.memory_space<vmem_shared>> -> memref<16x128xf32, #tpu.memory_space<vmem_shared>>
      %dma_start3A_109 = arith.constant 0 : i32
      %dma_start3A_110 = tpu.memref_slice %arg17[%add3A_11, %dma_start3A_109] : memref<10000x128xf32, #tpu.memory_space<vmem_shared>> -> memref<16x128xf32, #tpu.memory_space<vmem_shared>>
      tpu.enqueue_dma source(%arg14 : memref<16x128xf32, #tpu.memory_space<vmem>>) target(%dma_start3A_110 : memref<16x128xf32, #tpu.memory_space<vmem_shared>>) target_semaphore(%run_scoped3A : memref<!tpu.dma_semaphore, #tpu.memory_space<semaphore_mem>>)
      %dma_wait3A = arith.constant 0 : i32
      %dma_wait3A_111 = tpu.memref_slice %arg17[%add3A_11, %dma_wait3A] : memref<10000x128xf32, #tpu.memory_space<vmem_shared>> -> memref<16x128xf32, #tpu.memory_space<vmem_shared>>
      %dma_wait3A_112 = arith.constant 0 : i32
      %dma_wait3A_113 = tpu.memref_slice %arg17[%add3A_11, %dma_wait3A_112] : memref<10000x128xf32, #tpu.memory_space<vmem_shared>> -> memref<16x128xf32, #tpu.memory_space<vmem_shared>>
      tpu.wait_dma2 semaphore(%run_scoped3A : memref<!tpu.dma_semaphore, #tpu.memory_space<semaphore_mem>>) src(%arg14 : memref<16x128xf32, #tpu.memory_space<vmem>>) dst(%dma_wait3A_113 : memref<16x128xf32, #tpu.memory_space<vmem_shared>>)
      tpu.yield
    }) : () -> ()
    %add3A_12 = arith.constant 32 : i32
    %add3A_13 = arith.addi %mul3A_8, %add3A_12 : i32
    "tpu.region"() ({
      %run_scoped3A = tpu.sem_alloc : memref<!tpu.dma_semaphore, #tpu.memory_space<semaphore_mem>>
      %dma_start3A = arith.constant 0 : i32
      %dma_start3A_108 = tpu.memref_slice %arg17[%add3A_13, %dma_start3A] : memref<10000x128xf32, #tpu.memory_space<vmem_shared>> -> memref<16x128xf32, #tpu.memory_space<vmem_shared>>
      %dma_start3A_109 = arith.constant 0 : i32
      %dma_start3A_110 = tpu.memref_slice %arg17[%add3A_13, %dma_start3A_109] : memref<10000x128xf32, #tpu.memory_space<vmem_shared>> -> memref<16x128xf32, #tpu.memory_space<vmem_shared>>
      tpu.enqueue_dma source(%arg14 : memref<16x128xf32, #tpu.memory_space<vmem>>) target(%dma_start3A_110 : memref<16x128xf32, #tpu.memory_space<vmem_shared>>) target_semaphore(%run_scoped3A : memref<!tpu.dma_semaphore, #tpu.memory_space<semaphore_mem>>)
      %dma_wait3A = arith.constant 0 : i32
      %dma_wait3A_111 = tpu.memref_slice %arg17[%add3A_13, %dma_wait3A] : memref<10000x128xf32, #tpu.memory_space<vmem_shared>> -> memref<16x128xf32, #tpu.memory_space<vmem_shared>>
      %dma_wait3A_112 = arith.constant 0 : i32
      %dma_wait3A_113 = tpu.memref_slice %arg17[%add3A_13, %dma_wait3A_112] : memref<10000x128xf32, #tpu.memory_space<vmem_shared>> -> memref<16x128xf32, #tpu.memory_space<vmem_shared>>
      tpu.wait_dma2 semaphore(%run_scoped3A : memref<!tpu.dma_semaphore, #tpu.memory_space<semaphore_mem>>) src(%arg14 : memref<16x128xf32, #tpu.memory_space<vmem>>) dst(%dma_wait3A_113 : memref<16x128xf32, #tpu.memory_space<vmem_shared>>)
      tpu.yield
    }) : () -> ()
    %add3A_14 = arith.constant 48 : i32
    %add3A_15 = arith.addi %mul3A_8, %add3A_14 : i32
    "tpu.region"() ({
      %run_scoped3A = tpu.sem_alloc : memref<!tpu.dma_semaphore, #tpu.memory_space<semaphore_mem>>
      %dma_start3A = arith.constant 0 : i32
      %dma_start3A_108 = tpu.memref_slice %arg17[%add3A_15, %dma_start3A] : memref<10000x128xf32, #tpu.memory_space<vmem_shared>> -> memref<16x128xf32, #tpu.memory_space<vmem_shared>>
      %dma_start3A_109 = arith.constant 0 : i32
      %dma_start3A_110 = tpu.memref_slice %arg17[%add3A_15, %dma_start3A_109] : memref<10000x128xf32, #tpu.memory_space<vmem_shared>> -> memref<16x128xf32, #tpu.memory_space<vmem_shared>>
      tpu.enqueue_dma source(%arg14 : memref<16x128xf32, #tpu.memory_space<vmem>>) target(%dma_start3A_110 : memref<16x128xf32, #tpu.memory_space<vmem_shared>>) target_semaphore(%run_scoped3A : memref<!tpu.dma_semaphore, #tpu.memory_space<semaphore_mem>>)
      %dma_wait3A = arith.constant 0 : i32
      %dma_wait3A_111 = tpu.memref_slice %arg17[%add3A_15, %dma_wait3A] : memref<10000x128xf32, #tpu.memory_space<vmem_shared>> -> memref<16x128xf32, #tpu.memory_space<vmem_shared>>
      %dma_wait3A_112 = arith.constant 0 : i32
      %dma_wait3A_113 = tpu.memref_slice %arg17[%add3A_15, %dma_wait3A_112] : memref<10000x128xf32, #tpu.memory_space<vmem_shared>> -> memref<16x128xf32, #tpu.memory_space<vmem_shared>>
      tpu.wait_dma2 semaphore(%run_scoped3A : memref<!tpu.dma_semaphore, #tpu.memory_space<semaphore_mem>>) src(%arg14 : memref<16x128xf32, #tpu.memory_space<vmem>>) dst(%dma_wait3A_113 : memref<16x128xf32, #tpu.memory_space<vmem_shared>>)
      tpu.yield
    }) : () -> ()
    %add3A_16 = arith.constant 64 : i32
    %add3A_17 = arith.addi %mul3A_8, %add3A_16 : i32
    "tpu.region"() ({
      %run_scoped3A = tpu.sem_alloc : memref<!tpu.dma_semaphore, #tpu.memory_space<semaphore_mem>>
      %dma_start3A = arith.constant 0 : i32
      %dma_start3A_108 = tpu.memref_slice %arg17[%add3A_17, %dma_start3A] : memref<10000x128xf32, #tpu.memory_space<vmem_shared>> -> memref<16x128xf32, #tpu.memory_space<vmem_shared>>
      %dma_start3A_109 = arith.constant 0 : i32
      %dma_start3A_110 = tpu.memref_slice %arg17[%add3A_17, %dma_start3A_109] : memref<10000x128xf32, #tpu.memory_space<vmem_shared>> -> memref<16x128xf32, #tpu.memory_space<vmem_shared>>
      tpu.enqueue_dma source(%arg14 : memref<16x128xf32, #tpu.memory_space<vmem>>) target(%dma_start3A_110 : memref<16x128xf32, #tpu.memory_space<vmem_shared>>) target_semaphore(%run_scoped3A : memref<!tpu.dma_semaphore, #tpu.memory_space<semaphore_mem>>)
      %dma_wait3A = arith.constant 0 : i32
      %dma_wait3A_111 = tpu.memref_slice %arg17[%add3A_17, %dma_wait3A] : memref<10000x128xf32, #tpu.memory_space<vmem_shared>> -> memref<16x128xf32, #tpu.memory_space<vmem_shared>>
      %dma_wait3A_112 = arith.constant 0 : i32
      %dma_wait3A_113 = tpu.memref_slice %arg17[%add3A_17, %dma_wait3A_112] : memref<10000x128xf32, #tpu.memory_space<vmem_shared>> -> memref<16x128xf32, #tpu.memory_space<vmem_shared>>
      tpu.wait_dma2 semaphore(%run_scoped3A : memref<!tpu.dma_semaphore, #tpu.memory_space<semaphore_mem>>) src(%arg14 : memref<16x128xf32, #tpu.memory_space<vmem>>) dst(%dma_wait3A_113 : memref<16x128xf32, #tpu.memory_space<vmem_shared>>)
      tpu.yield
    }) : () -> ()
    %add3A_18 = arith.constant 80 : i32
    %add3A_19 = arith.addi %mul3A_8, %add3A_18 : i32
    "tpu.region"() ({
      %run_scoped3A = tpu.sem_alloc : memref<!tpu.dma_semaphore, #tpu.memory_space<semaphore_mem>>
      %dma_start3A = arith.constant 0 : i32
      %dma_start3A_108 = tpu.memref_slice %arg17[%add3A_19, %dma_start3A] : memref<10000x128xf32, #tpu.memory_space<vmem_shared>> -> memref<16x128xf32, #tpu.memory_space<vmem_shared>>
      %dma_start3A_109 = arith.constant 0 : i32
      %dma_start3A_110 = tpu.memref_slice %arg17[%add3A_19, %dma_start3A_109] : memref<10000x128xf32, #tpu.memory_space<vmem_shared>> -> memref<16x128xf32, #tpu.memory_space<vmem_shared>>
      tpu.enqueue_dma source(%arg14 : memref<16x128xf32, #tpu.memory_space<vmem>>) target(%dma_start3A_110 : memref<16x128xf32, #tpu.memory_space<vmem_shared>>) target_semaphore(%run_scoped3A : memref<!tpu.dma_semaphore, #tpu.memory_space<semaphore_mem>>)
      %dma_wait3A = arith.constant 0 : i32
      %dma_wait3A_111 = tpu.memref_slice %arg17[%add3A_19, %dma_wait3A] : memref<10000x128xf32, #tpu.memory_space<vmem_shared>> -> memref<16x128xf32, #tpu.memory_space<vmem_shared>>
      %dma_wait3A_112 = arith.constant 0 : i32
      %dma_wait3A_113 = tpu.memref_slice %arg17[%add3A_19, %dma_wait3A_112] : memref<10000x128xf32, #tpu.memory_space<vmem_shared>> -> memref<16x128xf32, #tpu.memory_space<vmem_shared>>
      tpu.wait_dma2 semaphore(%run_scoped3A : memref<!tpu.dma_semaphore, #tpu.memory_space<semaphore_mem>>) src(%arg14 : memref<16x128xf32, #tpu.memory_space<vmem>>) dst(%dma_wait3A_113 : memref<16x128xf32, #tpu.memory_space<vmem_shared>>)
      tpu.yield
    }) : () -> ()
    %add3A_20 = arith.constant 96 : i32
    %add3A_21 = arith.addi %mul3A_8, %add3A_20 : i32
    "tpu.region"() ({
      %run_scoped3A = tpu.sem_alloc : memref<!tpu.dma_semaphore, #tpu.memory_space<semaphore_mem>>
      %dma_start3A = arith.constant 0 : i32
      %dma_start3A_108 = tpu.memref_slice %arg17[%add3A_21, %dma_start3A] : memref<10000x128xf32, #tpu.memory_space<vmem_shared>> -> memref<16x128xf32, #tpu.memory_space<vmem_shared>>
      %dma_start3A_109 = arith.constant 0 : i32
      %dma_start3A_110 = tpu.memref_slice %arg17[%add3A_21, %dma_start3A_109] : memref<10000x128xf32, #tpu.memory_space<vmem_shared>> -> memref<16x128xf32, #tpu.memory_space<vmem_shared>>
      tpu.enqueue_dma source(%arg14 : memref<16x128xf32, #tpu.memory_space<vmem>>) target(%dma_start3A_110 : memref<16x128xf32, #tpu.memory_space<vmem_shared>>) target_semaphore(%run_scoped3A : memref<!tpu.dma_semaphore, #tpu.memory_space<semaphore_mem>>)
      %dma_wait3A = arith.constant 0 : i32
      %dma_wait3A_111 = tpu.memref_slice %arg17[%add3A_21, %dma_wait3A] : memref<10000x128xf32, #tpu.memory_space<vmem_shared>> -> memref<16x128xf32, #tpu.memory_space<vmem_shared>>
      %dma_wait3A_112 = arith.constant 0 : i32
      %dma_wait3A_113 = tpu.memref_slice %arg17[%add3A_21, %dma_wait3A_112] : memref<10000x128xf32, #tpu.memory_space<vmem_shared>> -> memref<16x128xf32, #tpu.memory_space<vmem_shared>>
      tpu.wait_dma2 semaphore(%run_scoped3A : memref<!tpu.dma_semaphore, #tpu.memory_space<semaphore_mem>>) src(%arg14 : memref<16x128xf32, #tpu.memory_space<vmem>>) dst(%dma_wait3A_113 : memref<16x128xf32, #tpu.memory_space<vmem_shared>>)
      tpu.yield
    }) : () -> ()
    %add3A_22 = arith.constant 112 : i32
    %add3A_23 = arith.addi %mul3A_8, %add3A_22 : i32
    "tpu.region"() ({
      %run_scoped3A = tpu.sem_alloc : memref<!tpu.dma_semaphore, #tpu.memory_space<semaphore_mem>>
      %dma_start3A = arith.constant 0 : i32
      %dma_start3A_108 = tpu.memref_slice %arg17[%add3A_23, %dma_start3A] : memref<10000x128xf32, #tpu.memory_space<vmem_shared>> -> memref<16x128xf32, #tpu.memory_space<vmem_shared>>
      %dma_start3A_109 = arith.constant 0 : i32
      %dma_start3A_110 = tpu.memref_slice %arg17[%add3A_23, %dma_start3A_109] : memref<10000x128xf32, #tpu.memory_space<vmem_shared>> -> memref<16x128xf32, #tpu.memory_space<vmem_shared>>
      tpu.enqueue_dma source(%arg14 : memref<16x128xf32, #tpu.memory_space<vmem>>) target(%dma_start3A_110 : memref<16x128xf32, #tpu.memory_space<vmem_shared>>) target_semaphore(%run_scoped3A : memref<!tpu.dma_semaphore, #tpu.memory_space<semaphore_mem>>)
      %dma_wait3A = arith.constant 0 : i32
      %dma_wait3A_111 = tpu.memref_slice %arg17[%add3A_23, %dma_wait3A] : memref<10000x128xf32, #tpu.memory_space<vmem_shared>> -> memref<16x128xf32, #tpu.memory_space<vmem_shared>>
      %dma_wait3A_112 = arith.constant 0 : i32
      %dma_wait3A_113 = tpu.memref_slice %arg17[%add3A_23, %dma_wait3A_112] : memref<10000x128xf32, #tpu.memory_space<vmem_shared>> -> memref<16x128xf32, #tpu.memory_space<vmem_shared>>
      tpu.wait_dma2 semaphore(%run_scoped3A : memref<!tpu.dma_semaphore, #tpu.memory_space<semaphore_mem>>) src(%arg14 : memref<16x128xf32, #tpu.memory_space<vmem>>) dst(%dma_wait3A_113 : memref<16x128xf32, #tpu.memory_space<vmem_shared>>)
      tpu.yield
    }) : () -> ()
    %add3A_24 = arith.constant 128 : i32
    %add3A_25 = arith.addi %mul3A_8, %add3A_24 : i32
    "tpu.region"() ({
      %run_scoped3A = tpu.sem_alloc : memref<!tpu.dma_semaphore, #tpu.memory_space<semaphore_mem>>
      %dma_start3A = arith.constant 0 : i32
      %dma_start3A_108 = tpu.memref_slice %arg17[%add3A_25, %dma_start3A] : memref<10000x128xf32, #tpu.memory_space<vmem_shared>> -> memref<16x128xf32, #tpu.memory_space<vmem_shared>>
      %dma_start3A_109 = arith.constant 0 : i32
      %dma_start3A_110 = tpu.memref_slice %arg17[%add3A_25, %dma_start3A_109] : memref<10000x128xf32, #tpu.memory_space<vmem_shared>> -> memref<16x128xf32, #tpu.memory_space<vmem_shared>>
      tpu.enqueue_dma source(%arg14 : memref<16x128xf32, #tpu.memory_space<vmem>>) target(%dma_start3A_110 : memref<16x128xf32, #tpu.memory_space<vmem_shared>>) target_semaphore(%run_scoped3A : memref<!tpu.dma_semaphore, #tpu.memory_space<semaphore_mem>>)
      %dma_wait3A = arith.constant 0 : i32
      %dma_wait3A_111 = tpu.memref_slice %arg17[%add3A_25, %dma_wait3A] : memref<10000x128xf32, #tpu.memory_space<vmem_shared>> -> memref<16x128xf32, #tpu.memory_space<vmem_shared>>
      %dma_wait3A_112 = arith.constant 0 : i32
      %dma_wait3A_113 = tpu.memref_slice %arg17[%add3A_25, %dma_wait3A_112] : memref<10000x128xf32, #tpu.memory_space<vmem_shared>> -> memref<16x128xf32, #tpu.memory_space<vmem_shared>>
      tpu.wait_dma2 semaphore(%run_scoped3A : memref<!tpu.dma_semaphore, #tpu.memory_space<semaphore_mem>>) src(%arg14 : memref<16x128xf32, #tpu.memory_space<vmem>>) dst(%dma_wait3A_113 : memref<16x128xf32, #tpu.memory_space<vmem_shared>>)
      tpu.yield
    }) : () -> ()
    %add3A_26 = arith.constant 144 : i32
    %add3A_27 = arith.addi %mul3A_8, %add3A_26 : i32
    "tpu.region"() ({
      %run_scoped3A = tpu.sem_alloc : memref<!tpu.dma_semaphore, #tpu.memory_space<semaphore_mem>>
      %dma_start3A = arith.constant 0 : i32
      %dma_start3A_108 = tpu.memref_slice %arg17[%add3A_27, %dma_start3A] : memref<10000x128xf32, #tpu.memory_space<vmem_shared>> -> memref<16x128xf32, #tpu.memory_space<vmem_shared>>
      %dma_start3A_109 = arith.constant 0 : i32
      %dma_start3A_110 = tpu.memref_slice %arg17[%add3A_27, %dma_start3A_109] : memref<10000x128xf32, #tpu.memory_space<vmem_shared>> -> memref<16x128xf32, #tpu.memory_space<vmem_shared>>
      tpu.enqueue_dma source(%arg14 : memref<16x128xf32, #tpu.memory_space<vmem>>) target(%dma_start3A_110 : memref<16x128xf32, #tpu.memory_space<vmem_shared>>) target_semaphore(%run_scoped3A : memref<!tpu.dma_semaphore, #tpu.memory_space<semaphore_mem>>)
      %dma_wait3A = arith.constant 0 : i32
      %dma_wait3A_111 = tpu.memref_slice %arg17[%add3A_27, %dma_wait3A] : memref<10000x128xf32, #tpu.memory_space<vmem_shared>> -> memref<16x128xf32, #tpu.memory_space<vmem_shared>>
      %dma_wait3A_112 = arith.constant 0 : i32
      %dma_wait3A_113 = tpu.memref_slice %arg17[%add3A_27, %dma_wait3A_112] : memref<10000x128xf32, #tpu.memory_space<vmem_shared>> -> memref<16x128xf32, #tpu.memory_space<vmem_shared>>
      tpu.wait_dma2 semaphore(%run_scoped3A : memref<!tpu.dma_semaphore, #tpu.memory_space<semaphore_mem>>) src(%arg14 : memref<16x128xf32, #tpu.memory_space<vmem>>) dst(%dma_wait3A_113 : memref<16x128xf32, #tpu.memory_space<vmem_shared>>)
      tpu.yield
    }) : () -> ()
    %add3A_28 = arith.constant 160 : i32
    %add3A_29 = arith.addi %mul3A_8, %add3A_28 : i32
    "tpu.region"() ({
      %run_scoped3A = tpu.sem_alloc : memref<!tpu.dma_semaphore, #tpu.memory_space<semaphore_mem>>
      %dma_start3A = arith.constant 0 : i32
      %dma_start3A_108 = tpu.memref_slice %arg17[%add3A_29, %dma_start3A] : memref<10000x128xf32, #tpu.memory_space<vmem_shared>> -> memref<16x128xf32, #tpu.memory_space<vmem_shared>>
      %dma_start3A_109 = arith.constant 0 : i32
      %dma_start3A_110 = tpu.memref_slice %arg17[%add3A_29, %dma_start3A_109] : memref<10000x128xf32, #tpu.memory_space<vmem_shared>> -> memref<16x128xf32, #tpu.memory_space<vmem_shared>>
      tpu.enqueue_dma source(%arg14 : memref<16x128xf32, #tpu.memory_space<vmem>>) target(%dma_start3A_110 : memref<16x128xf32, #tpu.memory_space<vmem_shared>>) target_semaphore(%run_scoped3A : memref<!tpu.dma_semaphore, #tpu.memory_space<semaphore_mem>>)
      %dma_wait3A = arith.constant 0 : i32
      %dma_wait3A_111 = tpu.memref_slice %arg17[%add3A_29, %dma_wait3A] : memref<10000x128xf32, #tpu.memory_space<vmem_shared>> -> memref<16x128xf32, #tpu.memory_space<vmem_shared>>
      %dma_wait3A_112 = arith.constant 0 : i32
      %dma_wait3A_113 = tpu.memref_slice %arg17[%add3A_29, %dma_wait3A_112] : memref<10000x128xf32, #tpu.memory_space<vmem_shared>> -> memref<16x128xf32, #tpu.memory_space<vmem_shared>>
      tpu.wait_dma2 semaphore(%run_scoped3A : memref<!tpu.dma_semaphore, #tpu.memory_space<semaphore_mem>>) src(%arg14 : memref<16x128xf32, #tpu.memory_space<vmem>>) dst(%dma_wait3A_113 : memref<16x128xf32, #tpu.memory_space<vmem_shared>>)
      tpu.yield
    }) : () -> ()
    %add3A_30 = arith.constant 176 : i32
    %add3A_31 = arith.addi %mul3A_8, %add3A_30 : i32
    "tpu.region"() ({
      %run_scoped3A = tpu.sem_alloc : memref<!tpu.dma_semaphore, #tpu.memory_space<semaphore_mem>>
      %dma_start3A = arith.constant 0 : i32
      %dma_start3A_108 = tpu.memref_slice %arg17[%add3A_31, %dma_start3A] : memref<10000x128xf32, #tpu.memory_space<vmem_shared>> -> memref<16x128xf32, #tpu.memory_space<vmem_shared>>
      %dma_start3A_109 = arith.constant 0 : i32
      %dma_start3A_110 = tpu.memref_slice %arg17[%add3A_31, %dma_start3A_109] : memref<10000x128xf32, #tpu.memory_space<vmem_shared>> -> memref<16x128xf32, #tpu.memory_space<vmem_shared>>
      tpu.enqueue_dma source(%arg14 : memref<16x128xf32, #tpu.memory_space<vmem>>) target(%dma_start3A_110 : memref<16x128xf32, #tpu.memory_space<vmem_shared>>) target_semaphore(%run_scoped3A : memref<!tpu.dma_semaphore, #tpu.memory_space<semaphore_mem>>)
      %dma_wait3A = arith.constant 0 : i32
      %dma_wait3A_111 = tpu.memref_slice %arg17[%add3A_31, %dma_wait3A] : memref<10000x128xf32, #tpu.memory_space<vmem_shared>> -> memref<16x128xf32, #tpu.memory_space<vmem_shared>>
      %dma_wait3A_112 = arith.constant 0 : i32
      %dma_wait3A_113 = tpu.memref_slice %arg17[%add3A_31, %dma_wait3A_112] : memref<10000x128xf32, #tpu.memory_space<vmem_shared>> -> memref<16x128xf32, #tpu.memory_space<vmem_shared>>
      tpu.wait_dma2 semaphore(%run_scoped3A : memref<!tpu.dma_semaphore, #tpu.memory_space<semaphore_mem>>) src(%arg14 : memref<16x128xf32, #tpu.memory_space<vmem>>) dst(%dma_wait3A_113 : memref<16x128xf32, #tpu.memory_space<vmem_shared>>)
      tpu.yield
    }) : () -> ()
    %add3A_32 = arith.constant 192 : i32
    %add3A_33 = arith.addi %mul3A_8, %add3A_32 : i32
    "tpu.region"() ({
      %run_scoped3A = tpu.sem_alloc : memref<!tpu.dma_semaphore, #tpu.memory_space<semaphore_mem>>
      %dma_start3A = arith.constant 0 : i32
      %dma_start3A_108 = tpu.memref_slice %arg17[%add3A_33, %dma_start3A] : memref<10000x128xf32, #tpu.memory_space<vmem_shared>> -> memref<16x128xf32, #tpu.memory_space<vmem_shared>>
      %dma_start3A_109 = arith.constant 0 : i32
      %dma_start3A_110 = tpu.memref_slice %arg17[%add3A_33, %dma_start3A_109] : memref<10000x128xf32, #tpu.memory_space<vmem_shared>> -> memref<16x128xf32, #tpu.memory_space<vmem_shared>>
      tpu.enqueue_dma source(%arg14 : memref<16x128xf32, #tpu.memory_space<vmem>>) target(%dma_start3A_110 : memref<16x128xf32, #tpu.memory_space<vmem_shared>>) target_semaphore(%run_scoped3A : memref<!tpu.dma_semaphore, #tpu.memory_space<semaphore_mem>>)
      %dma_wait3A = arith.constant 0 : i32
      %dma_wait3A_111 = tpu.memref_slice %arg17[%add3A_33, %dma_wait3A] : memref<10000x128xf32, #tpu.memory_space<vmem_shared>> -> memref<16x128xf32, #tpu.memory_space<vmem_shared>>
      %dma_wait3A_112 = arith.constant 0 : i32
      %dma_wait3A_113 = tpu.memref_slice %arg17[%add3A_33, %dma_wait3A_112] : memref<10000x128xf32, #tpu.memory_space<vmem_shared>> -> memref<16x128xf32, #tpu.memory_space<vmem_shared>>
      tpu.wait_dma2 semaphore(%run_scoped3A : memref<!tpu.dma_semaphore, #tpu.memory_space<semaphore_mem>>) src(%arg14 : memref<16x128xf32, #tpu.memory_space<vmem>>) dst(%dma_wait3A_113 : memref<16x128xf32, #tpu.memory_space<vmem_shared>>)
      tpu.yield
    }) : () -> ()
    %add3A_34 = arith.constant 208 : i32
    %add3A_35 = arith.addi %mul3A_8, %add3A_34 : i32
    "tpu.region"() ({
      %run_scoped3A = tpu.sem_alloc : memref<!tpu.dma_semaphore, #tpu.memory_space<semaphore_mem>>
      %dma_start3A = arith.constant 0 : i32
      %dma_start3A_108 = tpu.memref_slice %arg17[%add3A_35, %dma_start3A] : memref<10000x128xf32, #tpu.memory_space<vmem_shared>> -> memref<16x128xf32, #tpu.memory_space<vmem_shared>>
      %dma_start3A_109 = arith.constant 0 : i32
      %dma_start3A_110 = tpu.memref_slice %arg17[%add3A_35, %dma_start3A_109] : memref<10000x128xf32, #tpu.memory_space<vmem_shared>> -> memref<16x128xf32, #tpu.memory_space<vmem_shared>>
      tpu.enqueue_dma source(%arg14 : memref<16x128xf32, #tpu.memory_space<vmem>>) target(%dma_start3A_110 : memref<16x128xf32, #tpu.memory_space<vmem_shared>>) target_semaphore(%run_scoped3A : memref<!tpu.dma_semaphore, #tpu.memory_space<semaphore_mem>>)
      %dma_wait3A = arith.constant 0 : i32
      %dma_wait3A_111 = tpu.memref_slice %arg17[%add3A_35, %dma_wait3A] : memref<10000x128xf32, #tpu.memory_space<vmem_shared>> -> memref<16x128xf32, #tpu.memory_space<vmem_shared>>
      %dma_wait3A_112 = arith.constant 0 : i32
      %dma_wait3A_113 = tpu.memref_slice %arg17[%add3A_35, %dma_wait3A_112] : memref<10000x128xf32, #tpu.memory_space<vmem_shared>> -> memref<16x128xf32, #tpu.memory_space<vmem_shared>>
      tpu.wait_dma2 semaphore(%run_scoped3A : memref<!tpu.dma_semaphore, #tpu.memory_space<semaphore_mem>>) src(%arg14 : memref<16x128xf32, #tpu.memory_space<vmem>>) dst(%dma_wait3A_113 : memref<16x128xf32, #tpu.memory_space<vmem_shared>>)
      tpu.yield
    }) : () -> ()
    %add3A_36 = arith.constant 224 : i32
    %add3A_37 = arith.addi %mul3A_8, %add3A_36 : i32
    "tpu.region"() ({
      %run_scoped3A = tpu.sem_alloc : memref<!tpu.dma_semaphore, #tpu.memory_space<semaphore_mem>>
      %dma_start3A = arith.constant 0 : i32
      %dma_start3A_108 = tpu.memref_slice %arg17[%add3A_37, %dma_start3A] : memref<10000x128xf32, #tpu.memory_space<vmem_shared>> -> memref<16x128xf32, #tpu.memory_space<vmem_shared>>
      %dma_start3A_109 = arith.constant 0 : i32
      %dma_start3A_110 = tpu.memref_slice %arg17[%add3A_37, %dma_start3A_109] : memref<10000x128xf32, #tpu.memory_space<vmem_shared>> -> memref<16x128xf32, #tpu.memory_space<vmem_shared>>
      tpu.enqueue_dma source(%arg14 : memref<16x128xf32, #tpu.memory_space<vmem>>) target(%dma_start3A_110 : memref<16x128xf32, #tpu.memory_space<vmem_shared>>) target_semaphore(%run_scoped3A : memref<!tpu.dma_semaphore, #tpu.memory_space<semaphore_mem>>)
      %dma_wait3A = arith.constant 0 : i32
      %dma_wait3A_111 = tpu.memref_slice %arg17[%add3A_37, %dma_wait3A] : memref<10000x128xf32, #tpu.memory_space<vmem_shared>> -> memref<16x128xf32, #tpu.memory_space<vmem_shared>>
      %dma_wait3A_112 = arith.constant 0 : i32
      %dma_wait3A_113 = tpu.memref_slice %arg17[%add3A_37, %dma_wait3A_112] : memref<10000x128xf32, #tpu.memory_space<vmem_shared>> -> memref<16x128xf32, #tpu.memory_space<vmem_shared>>
      tpu.wait_dma2 semaphore(%run_scoped3A : memref<!tpu.dma_semaphore, #tpu.memory_space<semaphore_mem>>) src(%arg14 : memref<16x128xf32, #tpu.memory_space<vmem>>) dst(%dma_wait3A_113 : memref<16x128xf32, #tpu.memory_space<vmem_shared>>)
      tpu.yield
    }) : () -> ()
    %add3A_38 = arith.constant 240 : i32
    %add3A_39 = arith.addi %mul3A_8, %add3A_38 : i32
    "tpu.region"() ({
      %run_scoped3A = tpu.sem_alloc : memref<!tpu.dma_semaphore, #tpu.memory_space<semaphore_mem>>
      %dma_start3A = arith.constant 0 : i32
      %dma_start3A_108 = tpu.memref_slice %arg17[%add3A_39, %dma_start3A] : memref<10000x128xf32, #tpu.memory_space<vmem_shared>> -> memref<16x128xf32, #tpu.memory_space<vmem_shared>>
      %dma_start3A_109 = arith.constant 0 : i32
      %dma_start3A_110 = tpu.memref_slice %arg17[%add3A_39, %dma_start3A_109] : memref<10000x128xf32, #tpu.memory_space<vmem_shared>> -> memref<16x128xf32, #tpu.memory_space<vmem_shared>>
      tpu.enqueue_dma source(%arg14 : memref<16x128xf32, #tpu.memory_space<vmem>>) target(%dma_start3A_110 : memref<16x128xf32, #tpu.memory_space<vmem_shared>>) target_semaphore(%run_scoped3A : memref<!tpu.dma_semaphore, #tpu.memory_space<semaphore_mem>>)
      %dma_wait3A = arith.constant 0 : i32
      %dma_wait3A_111 = tpu.memref_slice %arg17[%add3A_39, %dma_wait3A] : memref<10000x128xf32, #tpu.memory_space<vmem_shared>> -> memref<16x128xf32, #tpu.memory_space<vmem_shared>>
      %dma_wait3A_112 = arith.constant 0 : i32
      %dma_wait3A_113 = tpu.memref_slice %arg17[%add3A_39, %dma_wait3A_112] : memref<10000x128xf32, #tpu.memory_space<vmem_shared>> -> memref<16x128xf32, #tpu.memory_space<vmem_shared>>
      tpu.wait_dma2 semaphore(%run_scoped3A : memref<!tpu.dma_semaphore, #tpu.memory_space<semaphore_mem>>) src(%arg14 : memref<16x128xf32, #tpu.memory_space<vmem>>) dst(%dma_wait3A_113 : memref<16x128xf32, #tpu.memory_space<vmem_shared>>)
      tpu.yield
    }) : () -> ()
    %add3A_40 = arith.constant 256 : i32
    %add3A_41 = arith.addi %mul3A_8, %add3A_40 : i32
    "tpu.region"() ({
      %run_scoped3A = tpu.sem_alloc : memref<!tpu.dma_semaphore, #tpu.memory_space<semaphore_mem>>
      %dma_start3A = arith.constant 0 : i32
      %dma_start3A_108 = tpu.memref_slice %arg17[%add3A_41, %dma_start3A] : memref<10000x128xf32, #tpu.memory_space<vmem_shared>> -> memref<16x128xf32, #tpu.memory_space<vmem_shared>>
      %dma_start3A_109 = arith.constant 0 : i32
      %dma_start3A_110 = tpu.memref_slice %arg17[%add3A_41, %dma_start3A_109] : memref<10000x128xf32, #tpu.memory_space<vmem_shared>> -> memref<16x128xf32, #tpu.memory_space<vmem_shared>>
      tpu.enqueue_dma source(%arg14 : memref<16x128xf32, #tpu.memory_space<vmem>>) target(%dma_start3A_110 : memref<16x128xf32, #tpu.memory_space<vmem_shared>>) target_semaphore(%run_scoped3A : memref<!tpu.dma_semaphore, #tpu.memory_space<semaphore_mem>>)
      %dma_wait3A = arith.constant 0 : i32
      %dma_wait3A_111 = tpu.memref_slice %arg17[%add3A_41, %dma_wait3A] : memref<10000x128xf32, #tpu.memory_space<vmem_shared>> -> memref<16x128xf32, #tpu.memory_space<vmem_shared>>
      %dma_wait3A_112 = arith.constant 0 : i32
      %dma_wait3A_113 = tpu.memref_slice %arg17[%add3A_41, %dma_wait3A_112] : memref<10000x128xf32, #tpu.memory_space<vmem_shared>> -> memref<16x128xf32, #tpu.memory_space<vmem_shared>>
      tpu.wait_dma2 semaphore(%run_scoped3A : memref<!tpu.dma_semaphore, #tpu.memory_space<semaphore_mem>>) src(%arg14 : memref<16x128xf32, #tpu.memory_space<vmem>>) dst(%dma_wait3A_113 : memref<16x128xf32, #tpu.memory_space<vmem_shared>>)
      tpu.yield
    }) : () -> ()
    %add3A_42 = arith.constant 272 : i32
    %add3A_43 = arith.addi %mul3A_8, %add3A_42 : i32
    "tpu.region"() ({
      %run_scoped3A = tpu.sem_alloc : memref<!tpu.dma_semaphore, #tpu.memory_space<semaphore_mem>>
      %dma_start3A = arith.constant 0 : i32
      %dma_start3A_108 = tpu.memref_slice %arg17[%add3A_43, %dma_start3A] : memref<10000x128xf32, #tpu.memory_space<vmem_shared>> -> memref<16x128xf32, #tpu.memory_space<vmem_shared>>
      %dma_start3A_109 = arith.constant 0 : i32
      %dma_start3A_110 = tpu.memref_slice %arg17[%add3A_43, %dma_start3A_109] : memref<10000x128xf32, #tpu.memory_space<vmem_shared>> -> memref<16x128xf32, #tpu.memory_space<vmem_shared>>
      tpu.enqueue_dma source(%arg14 : memref<16x128xf32, #tpu.memory_space<vmem>>) target(%dma_start3A_110 : memref<16x128xf32, #tpu.memory_space<vmem_shared>>) target_semaphore(%run_scoped3A : memref<!tpu.dma_semaphore, #tpu.memory_space<semaphore_mem>>)
      %dma_wait3A = arith.constant 0 : i32
      %dma_wait3A_111 = tpu.memref_slice %arg17[%add3A_43, %dma_wait3A] : memref<10000x128xf32, #tpu.memory_space<vmem_shared>> -> memref<16x128xf32, #tpu.memory_space<vmem_shared>>
      %dma_wait3A_112 = arith.constant 0 : i32
      %dma_wait3A_113 = tpu.memref_slice %arg17[%add3A_43, %dma_wait3A_112] : memref<10000x128xf32, #tpu.memory_space<vmem_shared>> -> memref<16x128xf32, #tpu.memory_space<vmem_shared>>
      tpu.wait_dma2 semaphore(%run_scoped3A : memref<!tpu.dma_semaphore, #tpu.memory_space<semaphore_mem>>) src(%arg14 : memref<16x128xf32, #tpu.memory_space<vmem>>) dst(%dma_wait3A_113 : memref<16x128xf32, #tpu.memory_space<vmem_shared>>)
      tpu.yield
    }) : () -> ()
    %add3A_44 = arith.constant 288 : i32
    %add3A_45 = arith.addi %mul3A_8, %add3A_44 : i32
    "tpu.region"() ({
      %run_scoped3A = tpu.sem_alloc : memref<!tpu.dma_semaphore, #tpu.memory_space<semaphore_mem>>
      %dma_start3A = arith.constant 0 : i32
      %dma_start3A_108 = tpu.memref_slice %arg17[%add3A_45, %dma_start3A] : memref<10000x128xf32, #tpu.memory_space<vmem_shared>> -> memref<16x128xf32, #tpu.memory_space<vmem_shared>>
      %dma_start3A_109 = arith.constant 0 : i32
      %dma_start3A_110 = tpu.memref_slice %arg17[%add3A_45, %dma_start3A_109] : memref<10000x128xf32, #tpu.memory_space<vmem_shared>> -> memref<16x128xf32, #tpu.memory_space<vmem_shared>>
      tpu.enqueue_dma source(%arg14 : memref<16x128xf32, #tpu.memory_space<vmem>>) target(%dma_start3A_110 : memref<16x128xf32, #tpu.memory_space<vmem_shared>>) target_semaphore(%run_scoped3A : memref<!tpu.dma_semaphore, #tpu.memory_space<semaphore_mem>>)
      %dma_wait3A = arith.constant 0 : i32
      %dma_wait3A_111 = tpu.memref_slice %arg17[%add3A_45, %dma_wait3A] : memref<10000x128xf32, #tpu.memory_space<vmem_shared>> -> memref<16x128xf32, #tpu.memory_space<vmem_shared>>
      %dma_wait3A_112 = arith.constant 0 : i32
      %dma_wait3A_113 = tpu.memref_slice %arg17[%add3A_45, %dma_wait3A_112] : memref<10000x128xf32, #tpu.memory_space<vmem_shared>> -> memref<16x128xf32, #tpu.memory_space<vmem_shared>>
      tpu.wait_dma2 semaphore(%run_scoped3A : memref<!tpu.dma_semaphore, #tpu.memory_space<semaphore_mem>>) src(%arg14 : memref<16x128xf32, #tpu.memory_space<vmem>>) dst(%dma_wait3A_113 : memref<16x128xf32, #tpu.memory_space<vmem_shared>>)
      tpu.yield
    }) : () -> ()
    %add3A_46 = arith.constant 304 : i32
    %add3A_47 = arith.addi %mul3A_8, %add3A_46 : i32
    "tpu.region"() ({
      %run_scoped3A = tpu.sem_alloc : memref<!tpu.dma_semaphore, #tpu.memory_space<semaphore_mem>>
      %dma_start3A = arith.constant 0 : i32
      %dma_start3A_108 = tpu.memref_slice %arg17[%add3A_47, %dma_start3A] : memref<10000x128xf32, #tpu.memory_space<vmem_shared>> -> memref<16x128xf32, #tpu.memory_space<vmem_shared>>
      %dma_start3A_109 = arith.constant 0 : i32
      %dma_start3A_110 = tpu.memref_slice %arg17[%add3A_47, %dma_start3A_109] : memref<10000x128xf32, #tpu.memory_space<vmem_shared>> -> memref<16x128xf32, #tpu.memory_space<vmem_shared>>
      tpu.enqueue_dma source(%arg14 : memref<16x128xf32, #tpu.memory_space<vmem>>) target(%dma_start3A_110 : memref<16x128xf32, #tpu.memory_space<vmem_shared>>) target_semaphore(%run_scoped3A : memref<!tpu.dma_semaphore, #tpu.memory_space<semaphore_mem>>)
      %dma_wait3A = arith.constant 0 : i32
      %dma_wait3A_111 = tpu.memref_slice %arg17[%add3A_47, %dma_wait3A] : memref<10000x128xf32, #tpu.memory_space<vmem_shared>> -> memref<16x128xf32, #tpu.memory_space<vmem_shared>>
      %dma_wait3A_112 = arith.constant 0 : i32
      %dma_wait3A_113 = tpu.memref_slice %arg17[%add3A_47, %dma_wait3A_112] : memref<10000x128xf32, #tpu.memory_space<vmem_shared>> -> memref<16x128xf32, #tpu.memory_space<vmem_shared>>
      tpu.wait_dma2 semaphore(%run_scoped3A : memref<!tpu.dma_semaphore, #tpu.memory_space<semaphore_mem>>) src(%arg14 : memref<16x128xf32, #tpu.memory_space<vmem>>) dst(%dma_wait3A_113 : memref<16x128xf32, #tpu.memory_space<vmem_shared>>)
      tpu.yield
    }) : () -> ()
    %add3A_48 = arith.constant 320 : i32
    %add3A_49 = arith.addi %mul3A_8, %add3A_48 : i32
    "tpu.region"() ({
      %run_scoped3A = tpu.sem_alloc : memref<!tpu.dma_semaphore, #tpu.memory_space<semaphore_mem>>
      %dma_start3A = arith.constant 0 : i32
      %dma_start3A_108 = tpu.memref_slice %arg17[%add3A_49, %dma_start3A] : memref<10000x128xf32, #tpu.memory_space<vmem_shared>> -> memref<16x128xf32, #tpu.memory_space<vmem_shared>>
      %dma_start3A_109 = arith.constant 0 : i32
      %dma_start3A_110 = tpu.memref_slice %arg17[%add3A_49, %dma_start3A_109] : memref<10000x128xf32, #tpu.memory_space<vmem_shared>> -> memref<16x128xf32, #tpu.memory_space<vmem_shared>>
      tpu.enqueue_dma source(%arg14 : memref<16x128xf32, #tpu.memory_space<vmem>>) target(%dma_start3A_110 : memref<16x128xf32, #tpu.memory_space<vmem_shared>>) target_semaphore(%run_scoped3A : memref<!tpu.dma_semaphore, #tpu.memory_space<semaphore_mem>>)
      %dma_wait3A = arith.constant 0 : i32
      %dma_wait3A_111 = tpu.memref_slice %arg17[%add3A_49, %dma_wait3A] : memref<10000x128xf32, #tpu.memory_space<vmem_shared>> -> memref<16x128xf32, #tpu.memory_space<vmem_shared>>
      %dma_wait3A_112 = arith.constant 0 : i32
      %dma_wait3A_113 = tpu.memref_slice %arg17[%add3A_49, %dma_wait3A_112] : memref<10000x128xf32, #tpu.memory_space<vmem_shared>> -> memref<16x128xf32, #tpu.memory_space<vmem_shared>>
      tpu.wait_dma2 semaphore(%run_scoped3A : memref<!tpu.dma_semaphore, #tpu.memory_space<semaphore_mem>>) src(%arg14 : memref<16x128xf32, #tpu.memory_space<vmem>>) dst(%dma_wait3A_113 : memref<16x128xf32, #tpu.memory_space<vmem_shared>>)
      tpu.yield
    }) : () -> ()
    %add3A_50 = arith.constant 336 : i32
    %add3A_51 = arith.addi %mul3A_8, %add3A_50 : i32
    "tpu.region"() ({
      %run_scoped3A = tpu.sem_alloc : memref<!tpu.dma_semaphore, #tpu.memory_space<semaphore_mem>>
      %dma_start3A = arith.constant 0 : i32
      %dma_start3A_108 = tpu.memref_slice %arg17[%add3A_51, %dma_start3A] : memref<10000x128xf32, #tpu.memory_space<vmem_shared>> -> memref<16x128xf32, #tpu.memory_space<vmem_shared>>
      %dma_start3A_109 = arith.constant 0 : i32
      %dma_start3A_110 = tpu.memref_slice %arg17[%add3A_51, %dma_start3A_109] : memref<10000x128xf32, #tpu.memory_space<vmem_shared>> -> memref<16x128xf32, #tpu.memory_space<vmem_shared>>
      tpu.enqueue_dma source(%arg14 : memref<16x128xf32, #tpu.memory_space<vmem>>) target(%dma_start3A_110 : memref<16x128xf32, #tpu.memory_space<vmem_shared>>) target_semaphore(%run_scoped3A : memref<!tpu.dma_semaphore, #tpu.memory_space<semaphore_mem>>)
      %dma_wait3A = arith.constant 0 : i32
      %dma_wait3A_111 = tpu.memref_slice %arg17[%add3A_51, %dma_wait3A] : memref<10000x128xf32, #tpu.memory_space<vmem_shared>> -> memref<16x128xf32, #tpu.memory_space<vmem_shared>>
      %dma_wait3A_112 = arith.constant 0 : i32
      %dma_wait3A_113 = tpu.memref_slice %arg17[%add3A_51, %dma_wait3A_112] : memref<10000x128xf32, #tpu.memory_space<vmem_shared>> -> memref<16x128xf32, #tpu.memory_space<vmem_shared>>
      tpu.wait_dma2 semaphore(%run_scoped3A : memref<!tpu.dma_semaphore, #tpu.memory_space<semaphore_mem>>) src(%arg14 : memref<16x128xf32, #tpu.memory_space<vmem>>) dst(%dma_wait3A_113 : memref<16x128xf32, #tpu.memory_space<vmem_shared>>)
      tpu.yield
    }) : () -> ()
    %add3A_52 = arith.constant 352 : i32
    %add3A_53 = arith.addi %mul3A_8, %add3A_52 : i32
    "tpu.region"() ({
      %run_scoped3A = tpu.sem_alloc : memref<!tpu.dma_semaphore, #tpu.memory_space<semaphore_mem>>
      %dma_start3A = arith.constant 0 : i32
      %dma_start3A_108 = tpu.memref_slice %arg17[%add3A_53, %dma_start3A] : memref<10000x128xf32, #tpu.memory_space<vmem_shared>> -> memref<16x128xf32, #tpu.memory_space<vmem_shared>>
      %dma_start3A_109 = arith.constant 0 : i32
      %dma_start3A_110 = tpu.memref_slice %arg17[%add3A_53, %dma_start3A_109] : memref<10000x128xf32, #tpu.memory_space<vmem_shared>> -> memref<16x128xf32, #tpu.memory_space<vmem_shared>>
      tpu.enqueue_dma source(%arg14 : memref<16x128xf32, #tpu.memory_space<vmem>>) target(%dma_start3A_110 : memref<16x128xf32, #tpu.memory_space<vmem_shared>>) target_semaphore(%run_scoped3A : memref<!tpu.dma_semaphore, #tpu.memory_space<semaphore_mem>>)
      %dma_wait3A = arith.constant 0 : i32
      %dma_wait3A_111 = tpu.memref_slice %arg17[%add3A_53, %dma_wait3A] : memref<10000x128xf32, #tpu.memory_space<vmem_shared>> -> memref<16x128xf32, #tpu.memory_space<vmem_shared>>
      %dma_wait3A_112 = arith.constant 0 : i32
      %dma_wait3A_113 = tpu.memref_slice %arg17[%add3A_53, %dma_wait3A_112] : memref<10000x128xf32, #tpu.memory_space<vmem_shared>> -> memref<16x128xf32, #tpu.memory_space<vmem_shared>>
      tpu.wait_dma2 semaphore(%run_scoped3A : memref<!tpu.dma_semaphore, #tpu.memory_space<semaphore_mem>>) src(%arg14 : memref<16x128xf32, #tpu.memory_space<vmem>>) dst(%dma_wait3A_113 : memref<16x128xf32, #tpu.memory_space<vmem_shared>>)
      tpu.yield
    }) : () -> ()
    %add3A_54 = arith.constant 368 : i32
    %add3A_55 = arith.addi %mul3A_8, %add3A_54 : i32
    "tpu.region"() ({
      %run_scoped3A = tpu.sem_alloc : memref<!tpu.dma_semaphore, #tpu.memory_space<semaphore_mem>>
      %dma_start3A = arith.constant 0 : i32
      %dma_start3A_108 = tpu.memref_slice %arg17[%add3A_55, %dma_start3A] : memref<10000x128xf32, #tpu.memory_space<vmem_shared>> -> memref<16x128xf32, #tpu.memory_space<vmem_shared>>
      %dma_start3A_109 = arith.constant 0 : i32
      %dma_start3A_110 = tpu.memref_slice %arg17[%add3A_55, %dma_start3A_109] : memref<10000x128xf32, #tpu.memory_space<vmem_shared>> -> memref<16x128xf32, #tpu.memory_space<vmem_shared>>
      tpu.enqueue_dma source(%arg14 : memref<16x128xf32, #tpu.memory_space<vmem>>) target(%dma_start3A_110 : memref<16x128xf32, #tpu.memory_space<vmem_shared>>) target_semaphore(%run_scoped3A : memref<!tpu.dma_semaphore, #tpu.memory_space<semaphore_mem>>)
      %dma_wait3A = arith.constant 0 : i32
      %dma_wait3A_111 = tpu.memref_slice %arg17[%add3A_55, %dma_wait3A] : memref<10000x128xf32, #tpu.memory_space<vmem_shared>> -> memref<16x128xf32, #tpu.memory_space<vmem_shared>>
      %dma_wait3A_112 = arith.constant 0 : i32
      %dma_wait3A_113 = tpu.memref_slice %arg17[%add3A_55, %dma_wait3A_112] : memref<10000x128xf32, #tpu.memory_space<vmem_shared>> -> memref<16x128xf32, #tpu.memory_space<vmem_shared>>
      tpu.wait_dma2 semaphore(%run_scoped3A : memref<!tpu.dma_semaphore, #tpu.memory_space<semaphore_mem>>) src(%arg14 : memref<16x128xf32, #tpu.memory_space<vmem>>) dst(%dma_wait3A_113 : memref<16x128xf32, #tpu.memory_space<vmem_shared>>)
      tpu.yield
    }) : () -> ()
    %add3A_56 = arith.constant 384 : i32
    %add3A_57 = arith.addi %mul3A_8, %add3A_56 : i32
    "tpu.region"() ({
      %run_scoped3A = tpu.sem_alloc : memref<!tpu.dma_semaphore, #tpu.memory_space<semaphore_mem>>
      %dma_start3A = arith.constant 0 : i32
      %dma_start3A_108 = tpu.memref_slice %arg17[%add3A_57, %dma_start3A] : memref<10000x128xf32, #tpu.memory_space<vmem_shared>> -> memref<16x128xf32, #tpu.memory_space<vmem_shared>>
      %dma_start3A_109 = arith.constant 0 : i32
      %dma_start3A_110 = tpu.memref_slice %arg17[%add3A_57, %dma_start3A_109] : memref<10000x128xf32, #tpu.memory_space<vmem_shared>> -> memref<16x128xf32, #tpu.memory_space<vmem_shared>>
      tpu.enqueue_dma source(%arg14 : memref<16x128xf32, #tpu.memory_space<vmem>>) target(%dma_start3A_110 : memref<16x128xf32, #tpu.memory_space<vmem_shared>>) target_semaphore(%run_scoped3A : memref<!tpu.dma_semaphore, #tpu.memory_space<semaphore_mem>>)
      %dma_wait3A = arith.constant 0 : i32
      %dma_wait3A_111 = tpu.memref_slice %arg17[%add3A_57, %dma_wait3A] : memref<10000x128xf32, #tpu.memory_space<vmem_shared>> -> memref<16x128xf32, #tpu.memory_space<vmem_shared>>
      %dma_wait3A_112 = arith.constant 0 : i32
      %dma_wait3A_113 = tpu.memref_slice %arg17[%add3A_57, %dma_wait3A_112] : memref<10000x128xf32, #tpu.memory_space<vmem_shared>> -> memref<16x128xf32, #tpu.memory_space<vmem_shared>>
      tpu.wait_dma2 semaphore(%run_scoped3A : memref<!tpu.dma_semaphore, #tpu.memory_space<semaphore_mem>>) src(%arg14 : memref<16x128xf32, #tpu.memory_space<vmem>>) dst(%dma_wait3A_113 : memref<16x128xf32, #tpu.memory_space<vmem_shared>>)
      tpu.yield
    }) : () -> ()
    %add3A_58 = arith.constant 400 : i32
    %add3A_59 = arith.addi %mul3A_8, %add3A_58 : i32
    "tpu.region"() ({
      %run_scoped3A = tpu.sem_alloc : memref<!tpu.dma_semaphore, #tpu.memory_space<semaphore_mem>>
      %dma_start3A = arith.constant 0 : i32
      %dma_start3A_108 = tpu.memref_slice %arg17[%add3A_59, %dma_start3A] : memref<10000x128xf32, #tpu.memory_space<vmem_shared>> -> memref<16x128xf32, #tpu.memory_space<vmem_shared>>
      %dma_start3A_109 = arith.constant 0 : i32
      %dma_start3A_110 = tpu.memref_slice %arg17[%add3A_59, %dma_start3A_109] : memref<10000x128xf32, #tpu.memory_space<vmem_shared>> -> memref<16x128xf32, #tpu.memory_space<vmem_shared>>
      tpu.enqueue_dma source(%arg14 : memref<16x128xf32, #tpu.memory_space<vmem>>) target(%dma_start3A_110 : memref<16x128xf32, #tpu.memory_space<vmem_shared>>) target_semaphore(%run_scoped3A : memref<!tpu.dma_semaphore, #tpu.memory_space<semaphore_mem>>)
      %dma_wait3A = arith.constant 0 : i32
      %dma_wait3A_111 = tpu.memref_slice %arg17[%add3A_59, %dma_wait3A] : memref<10000x128xf32, #tpu.memory_space<vmem_shared>> -> memref<16x128xf32, #tpu.memory_space<vmem_shared>>
      %dma_wait3A_112 = arith.constant 0 : i32
      %dma_wait3A_113 = tpu.memref_slice %arg17[%add3A_59, %dma_wait3A_112] : memref<10000x128xf32, #tpu.memory_space<vmem_shared>> -> memref<16x128xf32, #tpu.memory_space<vmem_shared>>
      tpu.wait_dma2 semaphore(%run_scoped3A : memref<!tpu.dma_semaphore, #tpu.memory_space<semaphore_mem>>) src(%arg14 : memref<16x128xf32, #tpu.memory_space<vmem>>) dst(%dma_wait3A_113 : memref<16x128xf32, #tpu.memory_space<vmem_shared>>)
      tpu.yield
    }) : () -> ()
    %add3A_60 = arith.constant 416 : i32
    %add3A_61 = arith.addi %mul3A_8, %add3A_60 : i32
    "tpu.region"() ({
      %run_scoped3A = tpu.sem_alloc : memref<!tpu.dma_semaphore, #tpu.memory_space<semaphore_mem>>
      %dma_start3A = arith.constant 0 : i32
      %dma_start3A_108 = tpu.memref_slice %arg17[%add3A_61, %dma_start3A] : memref<10000x128xf32, #tpu.memory_space<vmem_shared>> -> memref<16x128xf32, #tpu.memory_space<vmem_shared>>
      %dma_start3A_109 = arith.constant 0 : i32
      %dma_start3A_110 = tpu.memref_slice %arg17[%add3A_61, %dma_start3A_109] : memref<10000x128xf32, #tpu.memory_space<vmem_shared>> -> memref<16x128xf32, #tpu.memory_space<vmem_shared>>
      tpu.enqueue_dma source(%arg14 : memref<16x128xf32, #tpu.memory_space<vmem>>) target(%dma_start3A_110 : memref<16x128xf32, #tpu.memory_space<vmem_shared>>) target_semaphore(%run_scoped3A : memref<!tpu.dma_semaphore, #tpu.memory_space<semaphore_mem>>)
      %dma_wait3A = arith.constant 0 : i32
      %dma_wait3A_111 = tpu.memref_slice %arg17[%add3A_61, %dma_wait3A] : memref<10000x128xf32, #tpu.memory_space<vmem_shared>> -> memref<16x128xf32, #tpu.memory_space<vmem_shared>>
      %dma_wait3A_112 = arith.constant 0 : i32
      %dma_wait3A_113 = tpu.memref_slice %arg17[%add3A_61, %dma_wait3A_112] : memref<10000x128xf32, #tpu.memory_space<vmem_shared>> -> memref<16x128xf32, #tpu.memory_space<vmem_shared>>
      tpu.wait_dma2 semaphore(%run_scoped3A : memref<!tpu.dma_semaphore, #tpu.memory_space<semaphore_mem>>) src(%arg14 : memref<16x128xf32, #tpu.memory_space<vmem>>) dst(%dma_wait3A_113 : memref<16x128xf32, #tpu.memory_space<vmem_shared>>)
      tpu.yield
    }) : () -> ()
    %add3A_62 = arith.constant 432 : i32
    %add3A_63 = arith.addi %mul3A_8, %add3A_62 : i32
    "tpu.region"() ({
      %run_scoped3A = tpu.sem_alloc : memref<!tpu.dma_semaphore, #tpu.memory_space<semaphore_mem>>
      %dma_start3A = arith.constant 0 : i32
      %dma_start3A_108 = tpu.memref_slice %arg17[%add3A_63, %dma_start3A] : memref<10000x128xf32, #tpu.memory_space<vmem_shared>> -> memref<16x128xf32, #tpu.memory_space<vmem_shared>>
      %dma_start3A_109 = arith.constant 0 : i32
      %dma_start3A_110 = tpu.memref_slice %arg17[%add3A_63, %dma_start3A_109] : memref<10000x128xf32, #tpu.memory_space<vmem_shared>> -> memref<16x128xf32, #tpu.memory_space<vmem_shared>>
      tpu.enqueue_dma source(%arg14 : memref<16x128xf32, #tpu.memory_space<vmem>>) target(%dma_start3A_110 : memref<16x128xf32, #tpu.memory_space<vmem_shared>>) target_semaphore(%run_scoped3A : memref<!tpu.dma_semaphore, #tpu.memory_space<semaphore_mem>>)
      %dma_wait3A = arith.constant 0 : i32
      %dma_wait3A_111 = tpu.memref_slice %arg17[%add3A_63, %dma_wait3A] : memref<10000x128xf32, #tpu.memory_space<vmem_shared>> -> memref<16x128xf32, #tpu.memory_space<vmem_shared>>
      %dma_wait3A_112 = arith.constant 0 : i32
      %dma_wait3A_113 = tpu.memref_slice %arg17[%add3A_63, %dma_wait3A_112] : memref<10000x128xf32, #tpu.memory_space<vmem_shared>> -> memref<16x128xf32, #tpu.memory_space<vmem_shared>>
      tpu.wait_dma2 semaphore(%run_scoped3A : memref<!tpu.dma_semaphore, #tpu.memory_space<semaphore_mem>>) src(%arg14 : memref<16x128xf32, #tpu.memory_space<vmem>>) dst(%dma_wait3A_113 : memref<16x128xf32, #tpu.memory_space<vmem_shared>>)
      tpu.yield
    }) : () -> ()
    %add3A_64 = arith.constant 448 : i32
    %add3A_65 = arith.addi %mul3A_8, %add3A_64 : i32
    "tpu.region"() ({
      %run_scoped3A = tpu.sem_alloc : memref<!tpu.dma_semaphore, #tpu.memory_space<semaphore_mem>>
      %dma_start3A = arith.constant 0 : i32
      %dma_start3A_108 = tpu.memref_slice %arg17[%add3A_65, %dma_start3A] : memref<10000x128xf32, #tpu.memory_space<vmem_shared>> -> memref<16x128xf32, #tpu.memory_space<vmem_shared>>
      %dma_start3A_109 = arith.constant 0 : i32
      %dma_start3A_110 = tpu.memref_slice %arg17[%add3A_65, %dma_start3A_109] : memref<10000x128xf32, #tpu.memory_space<vmem_shared>> -> memref<16x128xf32, #tpu.memory_space<vmem_shared>>
      tpu.enqueue_dma source(%arg14 : memref<16x128xf32, #tpu.memory_space<vmem>>) target(%dma_start3A_110 : memref<16x128xf32, #tpu.memory_space<vmem_shared>>) target_semaphore(%run_scoped3A : memref<!tpu.dma_semaphore, #tpu.memory_space<semaphore_mem>>)
      %dma_wait3A = arith.constant 0 : i32
      %dma_wait3A_111 = tpu.memref_slice %arg17[%add3A_65, %dma_wait3A] : memref<10000x128xf32, #tpu.memory_space<vmem_shared>> -> memref<16x128xf32, #tpu.memory_space<vmem_shared>>
      %dma_wait3A_112 = arith.constant 0 : i32
      %dma_wait3A_113 = tpu.memref_slice %arg17[%add3A_65, %dma_wait3A_112] : memref<10000x128xf32, #tpu.memory_space<vmem_shared>> -> memref<16x128xf32, #tpu.memory_space<vmem_shared>>
      tpu.wait_dma2 semaphore(%run_scoped3A : memref<!tpu.dma_semaphore, #tpu.memory_space<semaphore_mem>>) src(%arg14 : memref<16x128xf32, #tpu.memory_space<vmem>>) dst(%dma_wait3A_113 : memref<16x128xf32, #tpu.memory_space<vmem_shared>>)
      tpu.yield
    }) : () -> ()
    %add3A_66 = arith.constant 464 : i32
    %add3A_67 = arith.addi %mul3A_8, %add3A_66 : i32
    "tpu.region"() ({
      %run_scoped3A = tpu.sem_alloc : memref<!tpu.dma_semaphore, #tpu.memory_space<semaphore_mem>>
      %dma_start3A = arith.constant 0 : i32
      %dma_start3A_108 = tpu.memref_slice %arg17[%add3A_67, %dma_start3A] : memref<10000x128xf32, #tpu.memory_space<vmem_shared>> -> memref<16x128xf32, #tpu.memory_space<vmem_shared>>
      %dma_start3A_109 = arith.constant 0 : i32
      %dma_start3A_110 = tpu.memref_slice %arg17[%add3A_67, %dma_start3A_109] : memref<10000x128xf32, #tpu.memory_space<vmem_shared>> -> memref<16x128xf32, #tpu.memory_space<vmem_shared>>
      tpu.enqueue_dma source(%arg14 : memref<16x128xf32, #tpu.memory_space<vmem>>) target(%dma_start3A_110 : memref<16x128xf32, #tpu.memory_space<vmem_shared>>) target_semaphore(%run_scoped3A : memref<!tpu.dma_semaphore, #tpu.memory_space<semaphore_mem>>)
      %dma_wait3A = arith.constant 0 : i32
      %dma_wait3A_111 = tpu.memref_slice %arg17[%add3A_67, %dma_wait3A] : memref<10000x128xf32, #tpu.memory_space<vmem_shared>> -> memref<16x128xf32, #tpu.memory_space<vmem_shared>>
      %dma_wait3A_112 = arith.constant 0 : i32
      %dma_wait3A_113 = tpu.memref_slice %arg17[%add3A_67, %dma_wait3A_112] : memref<10000x128xf32, #tpu.memory_space<vmem_shared>> -> memref<16x128xf32, #tpu.memory_space<vmem_shared>>
      tpu.wait_dma2 semaphore(%run_scoped3A : memref<!tpu.dma_semaphore, #tpu.memory_space<semaphore_mem>>) src(%arg14 : memref<16x128xf32, #tpu.memory_space<vmem>>) dst(%dma_wait3A_113 : memref<16x128xf32, #tpu.memory_space<vmem_shared>>)
      tpu.yield
    }) : () -> ()
    %add3A_68 = arith.constant 480 : i32
    %add3A_69 = arith.addi %mul3A_8, %add3A_68 : i32
    "tpu.region"() ({
      %run_scoped3A = tpu.sem_alloc : memref<!tpu.dma_semaphore, #tpu.memory_space<semaphore_mem>>
      %dma_start3A = arith.constant 0 : i32
      %dma_start3A_108 = tpu.memref_slice %arg17[%add3A_69, %dma_start3A] : memref<10000x128xf32, #tpu.memory_space<vmem_shared>> -> memref<16x128xf32, #tpu.memory_space<vmem_shared>>
      %dma_start3A_109 = arith.constant 0 : i32
      %dma_start3A_110 = tpu.memref_slice %arg17[%add3A_69, %dma_start3A_109] : memref<10000x128xf32, #tpu.memory_space<vmem_shared>> -> memref<16x128xf32, #tpu.memory_space<vmem_shared>>
      tpu.enqueue_dma source(%arg14 : memref<16x128xf32, #tpu.memory_space<vmem>>) target(%dma_start3A_110 : memref<16x128xf32, #tpu.memory_space<vmem_shared>>) target_semaphore(%run_scoped3A : memref<!tpu.dma_semaphore, #tpu.memory_space<semaphore_mem>>)
      %dma_wait3A = arith.constant 0 : i32
      %dma_wait3A_111 = tpu.memref_slice %arg17[%add3A_69, %dma_wait3A] : memref<10000x128xf32, #tpu.memory_space<vmem_shared>> -> memref<16x128xf32, #tpu.memory_space<vmem_shared>>
      %dma_wait3A_112 = arith.constant 0 : i32
      %dma_wait3A_113 = tpu.memref_slice %arg17[%add3A_69, %dma_wait3A_112] : memref<10000x128xf32, #tpu.memory_space<vmem_shared>> -> memref<16x128xf32, #tpu.memory_space<vmem_shared>>
      tpu.wait_dma2 semaphore(%run_scoped3A : memref<!tpu.dma_semaphore, #tpu.memory_space<semaphore_mem>>) src(%arg14 : memref<16x128xf32, #tpu.memory_space<vmem>>) dst(%dma_wait3A_113 : memref<16x128xf32, #tpu.memory_space<vmem_shared>>)
      tpu.yield
    }) : () -> ()
    %add3A_70 = arith.constant 496 : i32
    %add3A_71 = arith.addi %mul3A_8, %add3A_70 : i32
    "tpu.region"() ({
      %run_scoped3A = tpu.sem_alloc : memref<!tpu.dma_semaphore, #tpu.memory_space<semaphore_mem>>
      %dma_start3A = arith.constant 0 : i32
      %dma_start3A_108 = tpu.memref_slice %arg17[%add3A_71, %dma_start3A] : memref<10000x128xf32, #tpu.memory_space<vmem_shared>> -> memref<16x128xf32, #tpu.memory_space<vmem_shared>>
      %dma_start3A_109 = arith.constant 0 : i32
      %dma_start3A_110 = tpu.memref_slice %arg17[%add3A_71, %dma_start3A_109] : memref<10000x128xf32, #tpu.memory_space<vmem_shared>> -> memref<16x128xf32, #tpu.memory_space<vmem_shared>>
      tpu.enqueue_dma source(%arg14 : memref<16x128xf32, #tpu.memory_space<vmem>>) target(%dma_start3A_110 : memref<16x128xf32, #tpu.memory_space<vmem_shared>>) target_semaphore(%run_scoped3A : memref<!tpu.dma_semaphore, #tpu.memory_space<semaphore_mem>>)
      %dma_wait3A = arith.constant 0 : i32
      %dma_wait3A_111 = tpu.memref_slice %arg17[%add3A_71, %dma_wait3A] : memref<10000x128xf32, #tpu.memory_space<vmem_shared>> -> memref<16x128xf32, #tpu.memory_space<vmem_shared>>
      %dma_wait3A_112 = arith.constant 0 : i32
      %dma_wait3A_113 = tpu.memref_slice %arg17[%add3A_71, %dma_wait3A_112] : memref<10000x128xf32, #tpu.memory_space<vmem_shared>> -> memref<16x128xf32, #tpu.memory_space<vmem_shared>>
      tpu.wait_dma2 semaphore(%run_scoped3A : memref<!tpu.dma_semaphore, #tpu.memory_space<semaphore_mem>>) src(%arg14 : memref<16x128xf32, #tpu.memory_space<vmem>>) dst(%dma_wait3A_113 : memref<16x128xf32, #tpu.memory_space<vmem_shared>>)
      tpu.yield
    }) : () -> ()
    %add3A_72 = arith.constant 512 : i32
    %add3A_73 = arith.addi %mul3A_8, %add3A_72 : i32
    "tpu.region"() ({
      %run_scoped3A = tpu.sem_alloc : memref<!tpu.dma_semaphore, #tpu.memory_space<semaphore_mem>>
      %dma_start3A = arith.constant 0 : i32
      %dma_start3A_108 = tpu.memref_slice %arg17[%add3A_73, %dma_start3A] : memref<10000x128xf32, #tpu.memory_space<vmem_shared>> -> memref<16x128xf32, #tpu.memory_space<vmem_shared>>
      %dma_start3A_109 = arith.constant 0 : i32
      %dma_start3A_110 = tpu.memref_slice %arg17[%add3A_73, %dma_start3A_109] : memref<10000x128xf32, #tpu.memory_space<vmem_shared>> -> memref<16x128xf32, #tpu.memory_space<vmem_shared>>
      tpu.enqueue_dma source(%arg14 : memref<16x128xf32, #tpu.memory_space<vmem>>) target(%dma_start3A_110 : memref<16x128xf32, #tpu.memory_space<vmem_shared>>) target_semaphore(%run_scoped3A : memref<!tpu.dma_semaphore, #tpu.memory_space<semaphore_mem>>)
      %dma_wait3A = arith.constant 0 : i32
      %dma_wait3A_111 = tpu.memref_slice %arg17[%add3A_73, %dma_wait3A] : memref<10000x128xf32, #tpu.memory_space<vmem_shared>> -> memref<16x128xf32, #tpu.memory_space<vmem_shared>>
      %dma_wait3A_112 = arith.constant 0 : i32
      %dma_wait3A_113 = tpu.memref_slice %arg17[%add3A_73, %dma_wait3A_112] : memref<10000x128xf32, #tpu.memory_space<vmem_shared>> -> memref<16x128xf32, #tpu.memory_space<vmem_shared>>
      tpu.wait_dma2 semaphore(%run_scoped3A : memref<!tpu.dma_semaphore, #tpu.memory_space<semaphore_mem>>) src(%arg14 : memref<16x128xf32, #tpu.memory_space<vmem>>) dst(%dma_wait3A_113 : memref<16x128xf32, #tpu.memory_space<vmem_shared>>)
      tpu.yield
    }) : () -> ()
    %add3A_74 = arith.constant 528 : i32
    %add3A_75 = arith.addi %mul3A_8, %add3A_74 : i32
    "tpu.region"() ({
      %run_scoped3A = tpu.sem_alloc : memref<!tpu.dma_semaphore, #tpu.memory_space<semaphore_mem>>
      %dma_start3A = arith.constant 0 : i32
      %dma_start3A_108 = tpu.memref_slice %arg17[%add3A_75, %dma_start3A] : memref<10000x128xf32, #tpu.memory_space<vmem_shared>> -> memref<16x128xf32, #tpu.memory_space<vmem_shared>>
      %dma_start3A_109 = arith.constant 0 : i32
      %dma_start3A_110 = tpu.memref_slice %arg17[%add3A_75, %dma_start3A_109] : memref<10000x128xf32, #tpu.memory_space<vmem_shared>> -> memref<16x128xf32, #tpu.memory_space<vmem_shared>>
      tpu.enqueue_dma source(%arg14 : memref<16x128xf32, #tpu.memory_space<vmem>>) target(%dma_start3A_110 : memref<16x128xf32, #tpu.memory_space<vmem_shared>>) target_semaphore(%run_scoped3A : memref<!tpu.dma_semaphore, #tpu.memory_space<semaphore_mem>>)
      %dma_wait3A = arith.constant 0 : i32
      %dma_wait3A_111 = tpu.memref_slice %arg17[%add3A_75, %dma_wait3A] : memref<10000x128xf32, #tpu.memory_space<vmem_shared>> -> memref<16x128xf32, #tpu.memory_space<vmem_shared>>
      %dma_wait3A_112 = arith.constant 0 : i32
      %dma_wait3A_113 = tpu.memref_slice %arg17[%add3A_75, %dma_wait3A_112] : memref<10000x128xf32, #tpu.memory_space<vmem_shared>> -> memref<16x128xf32, #tpu.memory_space<vmem_shared>>
      tpu.wait_dma2 semaphore(%run_scoped3A : memref<!tpu.dma_semaphore, #tpu.memory_space<semaphore_mem>>) src(%arg14 : memref<16x128xf32, #tpu.memory_space<vmem>>) dst(%dma_wait3A_113 : memref<16x128xf32, #tpu.memory_space<vmem_shared>>)
      tpu.yield
    }) : () -> ()
    %add3A_76 = arith.constant 544 : i32
    %add3A_77 = arith.addi %mul3A_8, %add3A_76 : i32
    "tpu.region"() ({
      %run_scoped3A = tpu.sem_alloc : memref<!tpu.dma_semaphore, #tpu.memory_space<semaphore_mem>>
      %dma_start3A = arith.constant 0 : i32
      %dma_start3A_108 = tpu.memref_slice %arg17[%add3A_77, %dma_start3A] : memref<10000x128xf32, #tpu.memory_space<vmem_shared>> -> memref<16x128xf32, #tpu.memory_space<vmem_shared>>
      %dma_start3A_109 = arith.constant 0 : i32
      %dma_start3A_110 = tpu.memref_slice %arg17[%add3A_77, %dma_start3A_109] : memref<10000x128xf32, #tpu.memory_space<vmem_shared>> -> memref<16x128xf32, #tpu.memory_space<vmem_shared>>
      tpu.enqueue_dma source(%arg14 : memref<16x128xf32, #tpu.memory_space<vmem>>) target(%dma_start3A_110 : memref<16x128xf32, #tpu.memory_space<vmem_shared>>) target_semaphore(%run_scoped3A : memref<!tpu.dma_semaphore, #tpu.memory_space<semaphore_mem>>)
      %dma_wait3A = arith.constant 0 : i32
      %dma_wait3A_111 = tpu.memref_slice %arg17[%add3A_77, %dma_wait3A] : memref<10000x128xf32, #tpu.memory_space<vmem_shared>> -> memref<16x128xf32, #tpu.memory_space<vmem_shared>>
      %dma_wait3A_112 = arith.constant 0 : i32
      %dma_wait3A_113 = tpu.memref_slice %arg17[%add3A_77, %dma_wait3A_112] : memref<10000x128xf32, #tpu.memory_space<vmem_shared>> -> memref<16x128xf32, #tpu.memory_space<vmem_shared>>
      tpu.wait_dma2 semaphore(%run_scoped3A : memref<!tpu.dma_semaphore, #tpu.memory_space<semaphore_mem>>) src(%arg14 : memref<16x128xf32, #tpu.memory_space<vmem>>) dst(%dma_wait3A_113 : memref<16x128xf32, #tpu.memory_space<vmem_shared>>)
      tpu.yield
    }) : () -> ()
    %add3A_78 = arith.constant 560 : i32
    %add3A_79 = arith.addi %mul3A_8, %add3A_78 : i32
    "tpu.region"() ({
      %run_scoped3A = tpu.sem_alloc : memref<!tpu.dma_semaphore, #tpu.memory_space<semaphore_mem>>
      %dma_start3A = arith.constant 0 : i32
      %dma_start3A_108 = tpu.memref_slice %arg17[%add3A_79, %dma_start3A] : memref<10000x128xf32, #tpu.memory_space<vmem_shared>> -> memref<16x128xf32, #tpu.memory_space<vmem_shared>>
      %dma_start3A_109 = arith.constant 0 : i32
      %dma_start3A_110 = tpu.memref_slice %arg17[%add3A_79, %dma_start3A_109] : memref<10000x128xf32, #tpu.memory_space<vmem_shared>> -> memref<16x128xf32, #tpu.memory_space<vmem_shared>>
      tpu.enqueue_dma source(%arg14 : memref<16x128xf32, #tpu.memory_space<vmem>>) target(%dma_start3A_110 : memref<16x128xf32, #tpu.memory_space<vmem_shared>>) target_semaphore(%run_scoped3A : memref<!tpu.dma_semaphore, #tpu.memory_space<semaphore_mem>>)
      %dma_wait3A = arith.constant 0 : i32
      %dma_wait3A_111 = tpu.memref_slice %arg17[%add3A_79, %dma_wait3A] : memref<10000x128xf32, #tpu.memory_space<vmem_shared>> -> memref<16x128xf32, #tpu.memory_space<vmem_shared>>
      %dma_wait3A_112 = arith.constant 0 : i32
      %dma_wait3A_113 = tpu.memref_slice %arg17[%add3A_79, %dma_wait3A_112] : memref<10000x128xf32, #tpu.memory_space<vmem_shared>> -> memref<16x128xf32, #tpu.memory_space<vmem_shared>>
      tpu.wait_dma2 semaphore(%run_scoped3A : memref<!tpu.dma_semaphore, #tpu.memory_space<semaphore_mem>>) src(%arg14 : memref<16x128xf32, #tpu.memory_space<vmem>>) dst(%dma_wait3A_113 : memref<16x128xf32, #tpu.memory_space<vmem_shared>>)
      tpu.yield
    }) : () -> ()
    %add3A_80 = arith.constant 576 : i32
    %add3A_81 = arith.addi %mul3A_8, %add3A_80 : i32
    "tpu.region"() ({
      %run_scoped3A = tpu.sem_alloc : memref<!tpu.dma_semaphore, #tpu.memory_space<semaphore_mem>>
      %dma_start3A = arith.constant 0 : i32
      %dma_start3A_108 = tpu.memref_slice %arg17[%add3A_81, %dma_start3A] : memref<10000x128xf32, #tpu.memory_space<vmem_shared>> -> memref<16x128xf32, #tpu.memory_space<vmem_shared>>
      %dma_start3A_109 = arith.constant 0 : i32
      %dma_start3A_110 = tpu.memref_slice %arg17[%add3A_81, %dma_start3A_109] : memref<10000x128xf32, #tpu.memory_space<vmem_shared>> -> memref<16x128xf32, #tpu.memory_space<vmem_shared>>
      tpu.enqueue_dma source(%arg14 : memref<16x128xf32, #tpu.memory_space<vmem>>) target(%dma_start3A_110 : memref<16x128xf32, #tpu.memory_space<vmem_shared>>) target_semaphore(%run_scoped3A : memref<!tpu.dma_semaphore, #tpu.memory_space<semaphore_mem>>)
      %dma_wait3A = arith.constant 0 : i32
      %dma_wait3A_111 = tpu.memref_slice %arg17[%add3A_81, %dma_wait3A] : memref<10000x128xf32, #tpu.memory_space<vmem_shared>> -> memref<16x128xf32, #tpu.memory_space<vmem_shared>>
      %dma_wait3A_112 = arith.constant 0 : i32
      %dma_wait3A_113 = tpu.memref_slice %arg17[%add3A_81, %dma_wait3A_112] : memref<10000x128xf32, #tpu.memory_space<vmem_shared>> -> memref<16x128xf32, #tpu.memory_space<vmem_shared>>
      tpu.wait_dma2 semaphore(%run_scoped3A : memref<!tpu.dma_semaphore, #tpu.memory_space<semaphore_mem>>) src(%arg14 : memref<16x128xf32, #tpu.memory_space<vmem>>) dst(%dma_wait3A_113 : memref<16x128xf32, #tpu.memory_space<vmem_shared>>)
      tpu.yield
    }) : () -> ()
    %add3A_82 = arith.constant 592 : i32
    %add3A_83 = arith.addi %mul3A_8, %add3A_82 : i32
    "tpu.region"() ({
      %run_scoped3A = tpu.sem_alloc : memref<!tpu.dma_semaphore, #tpu.memory_space<semaphore_mem>>
      %dma_start3A = arith.constant 0 : i32
      %dma_start3A_108 = tpu.memref_slice %arg17[%add3A_83, %dma_start3A] : memref<10000x128xf32, #tpu.memory_space<vmem_shared>> -> memref<16x128xf32, #tpu.memory_space<vmem_shared>>
      %dma_start3A_109 = arith.constant 0 : i32
      %dma_start3A_110 = tpu.memref_slice %arg17[%add3A_83, %dma_start3A_109] : memref<10000x128xf32, #tpu.memory_space<vmem_shared>> -> memref<16x128xf32, #tpu.memory_space<vmem_shared>>
      tpu.enqueue_dma source(%arg14 : memref<16x128xf32, #tpu.memory_space<vmem>>) target(%dma_start3A_110 : memref<16x128xf32, #tpu.memory_space<vmem_shared>>) target_semaphore(%run_scoped3A : memref<!tpu.dma_semaphore, #tpu.memory_space<semaphore_mem>>)
      %dma_wait3A = arith.constant 0 : i32
      %dma_wait3A_111 = tpu.memref_slice %arg17[%add3A_83, %dma_wait3A] : memref<10000x128xf32, #tpu.memory_space<vmem_shared>> -> memref<16x128xf32, #tpu.memory_space<vmem_shared>>
      %dma_wait3A_112 = arith.constant 0 : i32
      %dma_wait3A_113 = tpu.memref_slice %arg17[%add3A_83, %dma_wait3A_112] : memref<10000x128xf32, #tpu.memory_space<vmem_shared>> -> memref<16x128xf32, #tpu.memory_space<vmem_shared>>
      tpu.wait_dma2 semaphore(%run_scoped3A : memref<!tpu.dma_semaphore, #tpu.memory_space<semaphore_mem>>) src(%arg14 : memref<16x128xf32, #tpu.memory_space<vmem>>) dst(%dma_wait3A_113 : memref<16x128xf32, #tpu.memory_space<vmem_shared>>)
      tpu.yield
    }) : () -> ()
    %add3A_84 = arith.constant 608 : i32
    %add3A_85 = arith.addi %mul3A_8, %add3A_84 : i32
    "tpu.region"() ({
      %run_scoped3A = tpu.sem_alloc : memref<!tpu.dma_semaphore, #tpu.memory_space<semaphore_mem>>
      %dma_start3A = arith.constant 0 : i32
      %dma_start3A_108 = tpu.memref_slice %arg17[%add3A_85, %dma_start3A] : memref<10000x128xf32, #tpu.memory_space<vmem_shared>> -> memref<16x128xf32, #tpu.memory_space<vmem_shared>>
      %dma_start3A_109 = arith.constant 0 : i32
      %dma_start3A_110 = tpu.memref_slice %arg17[%add3A_85, %dma_start3A_109] : memref<10000x128xf32, #tpu.memory_space<vmem_shared>> -> memref<16x128xf32, #tpu.memory_space<vmem_shared>>
      tpu.enqueue_dma source(%arg14 : memref<16x128xf32, #tpu.memory_space<vmem>>) target(%dma_start3A_110 : memref<16x128xf32, #tpu.memory_space<vmem_shared>>) target_semaphore(%run_scoped3A : memref<!tpu.dma_semaphore, #tpu.memory_space<semaphore_mem>>)
      %dma_wait3A = arith.constant 0 : i32
      %dma_wait3A_111 = tpu.memref_slice %arg17[%add3A_85, %dma_wait3A] : memref<10000x128xf32, #tpu.memory_space<vmem_shared>> -> memref<16x128xf32, #tpu.memory_space<vmem_shared>>
      %dma_wait3A_112 = arith.constant 0 : i32
      %dma_wait3A_113 = tpu.memref_slice %arg17[%add3A_85, %dma_wait3A_112] : memref<10000x128xf32, #tpu.memory_space<vmem_shared>> -> memref<16x128xf32, #tpu.memory_space<vmem_shared>>
      tpu.wait_dma2 semaphore(%run_scoped3A : memref<!tpu.dma_semaphore, #tpu.memory_space<semaphore_mem>>) src(%arg14 : memref<16x128xf32, #tpu.memory_space<vmem>>) dst(%dma_wait3A_113 : memref<16x128xf32, #tpu.memory_space<vmem_shared>>)
      tpu.yield
    }) : () -> ()
    %eq3A_86 = arith.constant 15 : i32
    %eq3A_87 = arith.cmpi eq, %arg1, %eq3A_86 : i32
    %convert_element_type3A_88 = arith.extui %eq3A_87 : i1 to i32
    %cond3A_89 = arith.constant 0 : i32
    %cond3A_90 = arith.cmpi ne, %convert_element_type3A_88, %cond3A_89 : i32
    scf.if %cond3A_90 {
      "tpu.region"() ({
        %run_scoped3A = tpu.sem_alloc : memref<!tpu.dma_semaphore, #tpu.memory_space<semaphore_mem>>
        %dma_start3A = arith.constant 0 : i32
        %dma_start3A_108 = arith.constant 0 : i32
        %dma_start3A_109 = tpu.memref_slice %arg14[%dma_start3A, %dma_start3A_108] : memref<16x128xf32, #tpu.memory_space<vmem>> -> memref<16x128xf32, #tpu.memory_space<vmem>>
        %dma_start3A_110 = arith.constant 9984 : i32
        %dma_start3A_111 = arith.constant 0 : i32
        %dma_start3A_112 = tpu.memref_slice %arg17[%dma_start3A_110, %dma_start3A_111] : memref<10000x128xf32, #tpu.memory_space<vmem_shared>> -> memref<16x128xf32, #tpu.memory_space<vmem_shared>>
        %dma_start3A_113 = arith.constant 9984 : i32
        %dma_start3A_114 = arith.constant 0 : i32
        %dma_start3A_115 = tpu.memref_slice %arg17[%dma_start3A_113, %dma_start3A_114] : memref<10000x128xf32, #tpu.memory_space<vmem_shared>> -> memref<16x128xf32, #tpu.memory_space<vmem_shared>>
        %dma_start3A_116 = arith.constant 0 : i32
        %dma_start3A_117 = arith.constant 0 : i32
        %dma_start3A_118 = tpu.memref_slice %arg14[%dma_start3A_116, %dma_start3A_117] : memref<16x128xf32, #tpu.memory_space<vmem>> -> memref<16x128xf32, #tpu.memory_space<vmem>>
        tpu.enqueue_dma source(%dma_start3A_118 : memref<16x128xf32, #tpu.memory_space<vmem>>) target(%dma_start3A_115 : memref<16x128xf32, #tpu.memory_space<vmem_shared>>) target_semaphore(%run_scoped3A : memref<!tpu.dma_semaphore, #tpu.memory_space<semaphore_mem>>)
        %dma_wait3A = arith.constant 0 : i32
        %dma_wait3A_119 = arith.constant 0 : i32
        %dma_wait3A_120 = tpu.memref_slice %arg14[%dma_wait3A, %dma_wait3A_119] : memref<16x128xf32, #tpu.memory_space<vmem>> -> memref<16x128xf32, #tpu.memory_space<vmem>>
        %dma_wait3A_121 = arith.constant 9984 : i32
        %dma_wait3A_122 = arith.constant 0 : i32
        %dma_wait3A_123 = tpu.memref_slice %arg17[%dma_wait3A_121, %dma_wait3A_122] : memref<10000x128xf32, #tpu.memory_space<vmem_shared>> -> memref<16x128xf32, #tpu.memory_space<vmem_shared>>
        %dma_wait3A_124 = arith.constant 9984 : i32
        %dma_wait3A_125 = arith.constant 0 : i32
        %dma_wait3A_126 = tpu.memref_slice %arg17[%dma_wait3A_124, %dma_wait3A_125] : memref<10000x128xf32, #tpu.memory_space<vmem_shared>> -> memref<16x128xf32, #tpu.memory_space<vmem_shared>>
        %dma_wait3A_127 = arith.constant 0 : i32
        %dma_wait3A_128 = arith.constant 0 : i32
        %dma_wait3A_129 = tpu.memref_slice %arg14[%dma_wait3A_127, %dma_wait3A_128] : memref<16x128xf32, #tpu.memory_space<vmem>> -> memref<16x128xf32, #tpu.memory_space<vmem>>
        tpu.wait_dma2 semaphore(%run_scoped3A : memref<!tpu.dma_semaphore, #tpu.memory_space<semaphore_mem>>) src(%dma_wait3A_129 : memref<16x128xf32, #tpu.memory_space<vmem>>) dst(%dma_wait3A_126 : memref<16x128xf32, #tpu.memory_space<vmem_shared>>)
        tpu.yield
      }) : () -> ()
    } else {
    }
    %barrier3A = arith.constant 0 : index
    tpu.barrier barrier_id(%barrier3A)
    %get3A = arith.constant 0 : index
    %get3A_91 = tpu.vector_load %arg8[%get3A] {strides = array<i32>} : memref<16xf32, #tpu.memory_space<vmem>>, vector<16xf32>,
    %mul3A_92 = arith.constant 32 : i32
    %mul3A_93 = arith.muli %arg0, %mul3A_92 : i32
    %mul3A_94 = arith.constant 20000 : i32
    %mul3A_95 = arith.muli %arg1, %mul3A_94 : i32
    %scan3A_96 = arith.constant 0 : i32
    %scan3A_97 = arith.constant 0 : i32
    %scan3A_98 = arith.constant 1250 : i32
    %scan3A_99 = arith.addi %scan3A_97, %scan3A_98 : i32
    %scan3A_100 = arith.constant 1 : i32
    scf.for %scan3A_108 = %scan3A_97 to %scan3A_99 step %scan3A_100  : i32 {
      %mul3A_109 = arith.constant 16 : i32
      %mul3A_110 = arith.muli %scan3A_108, %mul3A_109 : i32
      %add3A_111 = arith.addi %mul3A_95, %mul3A_110 : i32
      "tpu.region"() ({
        %run_scoped3A = tpu.sem_alloc : memref<!tpu.dma_semaphore, #tpu.memory_space<semaphore_mem>>
        %dma_start3A_134 = tpu.memref_slice %arg5[%add3A_111] : memref<320000xi32, #tpu.memory_space<hbm>> -> memref<16xi32, #tpu.memory_space<hbm>>
        %dma_start3A_135 = tpu.memref_slice %arg5[%add3A_111] : memref<320000xi32, #tpu.memory_space<hbm>> -> memref<16xi32, #tpu.memory_space<hbm>>
        tpu.enqueue_dma source(%dma_start3A_135 : memref<16xi32, #tpu.memory_space<hbm>>) target(%arg9 : memref<16xi32, #tpu.memory_space<vmem>>) target_semaphore(%run_scoped3A : memref<!tpu.dma_semaphore, #tpu.memory_space<semaphore_mem>>)
        %dma_wait3A_136 = tpu.memref_slice %arg5[%add3A_111] : memref<320000xi32, #tpu.memory_space<hbm>> -> memref<16xi32, #tpu.memory_space<hbm>>
        %dma_wait3A_137 = tpu.memref_slice %arg5[%add3A_111] : memref<320000xi32, #tpu.memory_space<hbm>> -> memref<16xi32, #tpu.memory_space<hbm>>
        tpu.wait_dma2 semaphore(%run_scoped3A : memref<!tpu.dma_semaphore, #tpu.memory_space<semaphore_mem>>) src(%dma_wait3A_137 : memref<16xi32, #tpu.memory_space<hbm>>) dst(%arg9 : memref<16xi32, #tpu.memory_space<vmem>>)
        tpu.yield
      }) : () -> ()
      "tpu.region"() ({
        %run_scoped3A = tpu.sem_alloc : memref<!tpu.dma_semaphore, #tpu.memory_space<semaphore_mem>>
        %dma_start3A_134 = tpu.memref_slice %arg6[%add3A_111] : memref<320000xi32, #tpu.memory_space<hbm>> -> memref<16xi32, #tpu.memory_space<hbm>>
        %dma_start3A_135 = tpu.memref_slice %arg6[%add3A_111] : memref<320000xi32, #tpu.memory_space<hbm>> -> memref<16xi32, #tpu.memory_space<hbm>>
        tpu.enqueue_dma source(%dma_start3A_135 : memref<16xi32, #tpu.memory_space<hbm>>) target(%arg10 : memref<16xi32, #tpu.memory_space<vmem>>) target_semaphore(%run_scoped3A : memref<!tpu.dma_semaphore, #tpu.memory_space<semaphore_mem>>)
        %dma_wait3A_136 = tpu.memref_slice %arg6[%add3A_111] : memref<320000xi32, #tpu.memory_space<hbm>> -> memref<16xi32, #tpu.memory_space<hbm>>
        %dma_wait3A_137 = tpu.memref_slice %arg6[%add3A_111] : memref<320000xi32, #tpu.memory_space<hbm>> -> memref<16xi32, #tpu.memory_space<hbm>>
        tpu.wait_dma2 semaphore(%run_scoped3A : memref<!tpu.dma_semaphore, #tpu.memory_space<semaphore_mem>>) src(%dma_wait3A_137 : memref<16xi32, #tpu.memory_space<hbm>>) dst(%arg10 : memref<16xi32, #tpu.memory_space<vmem>>)
        tpu.yield
      }) : () -> ()
      %dma_start3A = arith.constant 0 : i32
      %dma_start3A_112 = arith.constant 0 : i32
      %dma_start3A_113 = tpu.memref_slice %arg2[%dma_start3A, %dma_start3A_112] : memref<10000x128xf32, #tpu.memory_space<hbm>> -> memref<10000x128xf32, #tpu.memory_space<hbm>>
      tpu.enqueue_indirect_dma source(%dma_start3A_113 : memref<10000x128xf32, #tpu.memory_space<hbm>>) target(%arg13 : memref<16x128xf32, #tpu.memory_space<vmem>>) offsets(%arg9 : memref<16xi32, #tpu.memory_space<vmem>>) semaphore(%arg18 : memref<!tpu.dma_semaphore, #tpu.memory_space<semaphore_mem>>)
      %dma_wait3A = arith.constant 0 : i32
      %dma_wait3A_114 = arith.constant 0 : i32
      %dma_wait3A_115 = tpu.memref_slice %arg2[%dma_wait3A, %dma_wait3A_114] : memref<10000x128xf32, #tpu.memory_space<hbm>> -> memref<10000x128xf32, #tpu.memory_space<hbm>>
      tpu.wait_indirect_dma semaphore(%arg18 : memref<!tpu.dma_semaphore, #tpu.memory_space<semaphore_mem>>) src(%dma_wait3A_115 : memref<10000x128xf32, #tpu.memory_space<hbm>>) dst(%arg13 : memref<16x128xf32, #tpu.memory_space<vmem>>)
      %dma_start3A_116 = arith.constant 0 : i32
      %dma_start3A_117 = arith.constant 0 : i32
      %dma_start3A_118 = tpu.memref_slice %arg16[%dma_start3A_116, %dma_start3A_117] : memref<10000x16xf32, #tpu.memory_space<vmem_shared>> -> memref<10000x16xf32, #tpu.memory_space<vmem_shared>>
      tpu.enqueue_indirect_dma source(%dma_start3A_118 : memref<10000x16xf32, #tpu.memory_space<vmem_shared>>) target(%arg11 : memref<16x16xf32, #tpu.memory_space<vmem>>) offsets(%arg9 : memref<16xi32, #tpu.memory_space<vmem>>) semaphore(%arg19 : memref<!tpu.dma_semaphore, #tpu.memory_space<semaphore_mem>>)
      %dma_wait3A_119 = arith.constant 0 : i32
      %dma_wait3A_120 = arith.constant 0 : i32
      %dma_wait3A_121 = tpu.memref_slice %arg16[%dma_wait3A_119, %dma_wait3A_120] : memref<10000x16xf32, #tpu.memory_space<vmem_shared>> -> memref<10000x16xf32, #tpu.memory_space<vmem_shared>>
      tpu.wait_indirect_dma semaphore(%arg19 : memref<!tpu.dma_semaphore, #tpu.memory_space<semaphore_mem>>) src(%dma_wait3A_121 : memref<10000x16xf32, #tpu.memory_space<vmem_shared>>) dst(%arg11 : memref<16x16xf32, #tpu.memory_space<vmem>>)
      %dma_start3A_122 = arith.constant 0 : i32
      %dma_start3A_123 = arith.constant 0 : i32
      %dma_start3A_124 = tpu.memref_slice %arg16[%dma_start3A_122, %dma_start3A_123] : memref<10000x16xf32, #tpu.memory_space<vmem_shared>> -> memref<10000x16xf32, #tpu.memory_space<vmem_shared>>
      tpu.enqueue_indirect_dma source(%dma_start3A_124 : memref<10000x16xf32, #tpu.memory_space<vmem_shared>>) target(%arg12 : memref<16x16xf32, #tpu.memory_space<vmem>>) offsets(%arg10 : memref<16xi32, #tpu.memory_space<vmem>>) semaphore(%arg20 : memref<!tpu.dma_semaphore, #tpu.memory_space<semaphore_mem>>)
      %dma_wait3A_125 = arith.constant 0 : i32
      %dma_wait3A_126 = arith.constant 0 : i32
      %dma_wait3A_127 = tpu.memref_slice %arg16[%dma_wait3A_125, %dma_wait3A_126] : memref<10000x16xf32, #tpu.memory_space<vmem_shared>> -> memref<10000x16xf32, #tpu.memory_space<vmem_shared>>
      tpu.wait_indirect_dma semaphore(%arg20 : memref<!tpu.dma_semaphore, #tpu.memory_space<semaphore_mem>>) src(%dma_wait3A_127 : memref<10000x16xf32, #tpu.memory_space<vmem_shared>>) dst(%arg12 : memref<16x16xf32, #tpu.memory_space<vmem>>)
      %scan3A_128 = arith.constant 0 : i32
      %scan3A_129 = arith.constant 0 : i32
      %scan3A_130 = arith.constant 16 : i32
      %scan3A_131 = arith.addi %scan3A_129, %scan3A_130 : i32
      %scan3A_132 = arith.constant 1 : i32
      scf.for %scan3A_134 = %scan3A_129 to %scan3A_131 step %scan3A_132  : i32 {
        %get3A_135 = arith.index_cast %scan3A_134 : i32 to index
        %get3A_136 = arith.constant 0 : index
        %get3A_137 = tpu.vector_load %arg11[%get3A_135, %get3A_136] {strides = array<i32>} : memref<16x16xf32, #tpu.memory_space<vmem>>, vector<16xf32>,
        %get3A_138 = arith.index_cast %scan3A_134 : i32 to index
        %get3A_139 = arith.constant 0 : index
        %get3A_140 = tpu.vector_load %arg12[%get3A_138, %get3A_139] {strides = array<i32>} : memref<16x16xf32, #tpu.memory_space<vmem>>, vector<16xf32>,
        %broadcast_in_dim3A_141 = arith.constant 1 : i32
        %broadcast_in_dim3A_142 = vector.broadcast %broadcast_in_dim3A_141 : i32 to vector<16xi32>
        %broadcast_in_dim3A_143 = vector.shape_cast %broadcast_in_dim3A_142 : vector<16xi32> to vector<16x1xi32>
        %gather3A = vector.shape_cast %broadcast_in_dim3A_143 : vector<16x1xi32> to vector<16xi32>
        %gather3A_144 = tpu.dynamic_gather %get3A_140[%gather3A] in [0] : vector<16xf32>, vector<16xi32> -> vector<16xf32>
        %add3A_145 = arith.addf %get3A_137, %gather3A_144 : vector<16xf32>
        %mul3A_146 = arith.constant 2.000000e-01 : f32
        %mul3A_147 = vector.broadcast %mul3A_146 : f32 to vector<16xf32>
        %mul3A_148 = arith.mulf %mul3A_147, %add3A_145 : vector<16xf32>
        %max3A = arith.maximumf %add3A_145, %mul3A_148 : vector<16xf32>
        %sub3A = arith.subf %max3A, %get3A_91 : vector<16xf32>
        %exp3A = math.exp %sub3A : vector<16xf32>
        %broadcast_in_dim3A_149 = arith.constant 0 : i32
        %broadcast_in_dim3A_150 = vector.broadcast %broadcast_in_dim3A_149 : i32 to vector<16xi32>
        %broadcast_in_dim3A_151 = vector.shape_cast %broadcast_in_dim3A_150 : vector<16xi32> to vector<16x1xi32>
        %gather3A_152 = vector.shape_cast %broadcast_in_dim3A_151 : vector<16x1xi32> to vector<16xi32>
        %gather3A_153 = tpu.dynamic_gather %exp3A[%gather3A_152] in [0] : vector<16xf32>, vector<16xi32> -> vector<16xf32>
        %lt3A = arith.constant 1 : i32
        %lt3A_154 = vector.broadcast %lt3A : i32 to vector<16xi32>
        %lt3A_155 = arith.cmpi slt, %iota3A, %lt3A_154 : vector<16xi32>
        %jit3A = arith.constant 0.000000e+00 : f32
        %broadcast_in_dim3A_156 = vector.broadcast %jit3A : f32 to vector<16xf32>
        %select_n3A = arith.select %lt3A_155, %gather3A_153, %broadcast_in_dim3A_156 : vector<16xi1>, vector<16xf32>
        %swap3A = arith.index_cast %scan3A_134 : i32 to index
        %swap3A_157 = arith.constant 32 : index
        %swap3A_158 = tpu.vector_load %arg14[%swap3A, %swap3A_157] {strides = array<i32>} : memref<16x128xf32, #tpu.memory_space<vmem>>, vector<16xf32>,
        tpu.vector_store %arg14[%swap3A, %swap3A_157], %select_n3A {strides = array<i32>} : memref<16x128xf32, #tpu.memory_space<vmem>>, vector<16xf32>,
        %add3A_159 = arith.constant 0 : i32
        %add3A_160 = arith.addi %mul3A_93, %add3A_159 : i32
        %get3A_161 = arith.index_cast %scan3A_134 : i32 to index
        %get3A_162 = arith.index_cast %add3A_160 : i32 to index
        %get3A_163 = tpu.vector_load %arg13[%get3A_161, %get3A_162] {strides = array<i32>} : memref<16x128xf32, #tpu.memory_space<vmem>>, vector<16xf32>,
        %mul3A_164 = arith.mulf %get3A_163, %gather3A_153 : vector<16xf32>
        %swap3A_165 = arith.index_cast %scan3A_134 : i32 to index
        %swap3A_166 = arith.constant 0 : index
        %swap3A_167 = tpu.vector_load %arg14[%swap3A_165, %swap3A_166] {strides = array<i32>} : memref<16x128xf32, #tpu.memory_space<vmem>>, vector<16xf32>,
        tpu.vector_store %arg14[%swap3A_165, %swap3A_166], %mul3A_164 {strides = array<i32>} : memref<16x128xf32, #tpu.memory_space<vmem>>, vector<16xf32>,
        %add3A_168 = arith.constant 16 : i32
        %add3A_169 = arith.addi %mul3A_93, %add3A_168 : i32
        %get3A_170 = arith.index_cast %scan3A_134 : i32 to index
        %get3A_171 = arith.index_cast %add3A_169 : i32 to index
        %get3A_172 = tpu.vector_load %arg13[%get3A_170, %get3A_171] {strides = array<i32>} : memref<16x128xf32, #tpu.memory_space<vmem>>, vector<16xf32>,
        %mul3A_173 = arith.mulf %get3A_172, %gather3A_153 : vector<16xf32>
        %swap3A_174 = arith.index_cast %scan3A_134 : i32 to index
        %swap3A_175 = arith.constant 16 : index
        %swap3A_176 = tpu.vector_load %arg14[%swap3A_174, %swap3A_175] {strides = array<i32>} : memref<16x128xf32, #tpu.memory_space<vmem>>, vector<16xf32>,
        tpu.vector_store %arg14[%swap3A_174, %swap3A_175], %mul3A_173 {strides = array<i32>} : memref<16x128xf32, #tpu.memory_space<vmem>>, vector<16xf32>,
      }
      %scan3A_133 = arith.constant 16 : i32
      "tpu.region"() ({
        %run_scoped3A = tpu.sem_alloc : memref<!tpu.dma_semaphore, #tpu.memory_space<semaphore_mem>>
        %dma_start3A_134 = arith.constant 0 : i32
        %dma_start3A_135 = arith.constant 0 : i32
        %dma_start3A_136 = tpu.memref_slice %arg17[%dma_start3A_134, %dma_start3A_135] : memref<10000x128xf32, #tpu.memory_space<vmem_shared>> -> memref<10000x128xf32, #tpu.memory_space<vmem_shared>>
        tpu.enqueue_indirect_dma source(%arg14 : memref<16x128xf32, #tpu.memory_space<vmem>>) target(%dma_start3A_136 : memref<10000x128xf32, #tpu.memory_space<vmem_shared>>) offsets(%arg10 : memref<16xi32, #tpu.memory_space<vmem>>) semaphore(%run_scoped3A : memref<!tpu.dma_semaphore, #tpu.memory_space<semaphore_mem>>) {add = true}
        %dma_wait3A_137 = arith.constant 0 : i32
        %dma_wait3A_138 = arith.constant 0 : i32
        %dma_wait3A_139 = tpu.memref_slice %arg17[%dma_wait3A_137, %dma_wait3A_138] : memref<10000x128xf32, #tpu.memory_space<vmem_shared>> -> memref<10000x128xf32, #tpu.memory_space<vmem_shared>>
        tpu.wait_indirect_dma semaphore(%run_scoped3A : memref<!tpu.dma_semaphore, #tpu.memory_space<semaphore_mem>>) src(%arg14 : memref<16x128xf32, #tpu.memory_space<vmem>>) dst(%dma_wait3A_139 : memref<10000x128xf32, #tpu.memory_space<vmem_shared>>)
        tpu.yield
      }) : () -> ()
    }
    %scan3A_101 = arith.constant 1250 : i32
    %barrier3A_102 = arith.constant 0 : index
    tpu.barrier barrier_id(%barrier3A_102)
    "tpu.region"() ({
      %run_scoped3A = tpu.sem_alloc : memref<!tpu.dma_semaphore, #tpu.memory_space<semaphore_mem>>
      %dma_start3A = arith.constant 0 : i32
      %dma_start3A_108 = arith.constant 0 : i32
      %dma_start3A_109 = tpu.memref_slice %arg7[%arg0, %dma_start3A, %dma_start3A_108] : memref<2x10000x128xf32, #tpu.memory_space<hbm>> -> memref<1x10000x128xf32, #tpu.memory_space<hbm>>
      %dma_start3A_110 = tpu.memref_squeeze %dma_start3A_109 : memref<1x10000x128xf32, #tpu.memory_space<hbm>> -> memref<10000x128xf32, #tpu.memory_space<hbm>>
      %dma_start3A_111 = arith.constant 0 : i32
      %dma_start3A_112 = tpu.memref_slice %dma_start3A_110[%mul3A_8, %dma_start3A_111] : memref<10000x128xf32, #tpu.memory_space<hbm>> -> memref<624x128xf32, #tpu.memory_space<hbm>>
      %dma_start3A_113 = arith.constant 0 : i32
      %dma_start3A_114 = tpu.memref_slice %arg17[%mul3A_8, %dma_start3A_113] : memref<10000x128xf32, #tpu.memory_space<vmem_shared>> -> memref<624x128xf32, #tpu.memory_space<vmem_shared>>
      tpu.enqueue_dma source(%dma_start3A_114 : memref<624x128xf32, #tpu.memory_space<vmem_shared>>) target(%dma_start3A_112 : memref<624x128xf32, #tpu.memory_space<hbm>>) target_semaphore(%run_scoped3A : memref<!tpu.dma_semaphore, #tpu.memory_space<semaphore_mem>>)
      %dma_wait3A = arith.constant 0 : i32
      %dma_wait3A_115 = arith.constant 0 : i32
      %dma_wait3A_116 = tpu.memref_slice %arg7[%arg0, %dma_wait3A, %dma_wait3A_115] : memref<2x10000x128xf32, #tpu.memory_space<hbm>> -> memref<1x10000x128xf32, #tpu.memory_space<hbm>>
      %dma_wait3A_117 = tpu.memref_squeeze %dma_wait3A_116 : memref<1x10000x128xf32, #tpu.memory_space<hbm>> -> memref<10000x128xf32, #tpu.memory_space<hbm>>
      %dma_wait3A_118 = arith.constant 0 : i32
      %dma_wait3A_119 = tpu.memref_slice %dma_wait3A_117[%mul3A_8, %dma_wait3A_118] : memref<10000x128xf32, #tpu.memory_space<hbm>> -> memref<624x128xf32, #tpu.memory_space<hbm>>
      %dma_wait3A_120 = arith.constant 0 : i32
      %dma_wait3A_121 = tpu.memref_slice %arg17[%mul3A_8, %dma_wait3A_120] : memref<10000x128xf32, #tpu.memory_space<vmem_shared>> -> memref<624x128xf32, #tpu.memory_space<vmem_shared>>
      tpu.wait_dma2 semaphore(%run_scoped3A : memref<!tpu.dma_semaphore, #tpu.memory_space<semaphore_mem>>) src(%dma_wait3A_121 : memref<624x128xf32, #tpu.memory_space<vmem_shared>>) dst(%dma_wait3A_119 : memref<624x128xf32, #tpu.memory_space<hbm>>)
      tpu.yield
    }) : () -> ()
    %eq3A_103 = arith.constant 15 : i32
    %eq3A_104 = arith.cmpi eq, %arg1, %eq3A_103 : i32
    %convert_element_type3A_105 = arith.extui %eq3A_104 : i1 to i32
    %cond3A_106 = arith.constant 0 : i32
    %cond3A_107 = arith.cmpi ne, %convert_element_type3A_105, %cond3A_106 : i32
    scf.if %cond3A_107 {
      "tpu.region"() ({
        %run_scoped3A = tpu.sem_alloc : memref<!tpu.dma_semaphore, #tpu.memory_space<semaphore_mem>>
        %dma_start3A = arith.constant 0 : i32
        %dma_start3A_108 = arith.constant 0 : i32
        %dma_start3A_109 = tpu.memref_slice %arg7[%arg0, %dma_start3A, %dma_start3A_108] : memref<2x10000x128xf32, #tpu.memory_space<hbm>> -> memref<1x10000x128xf32, #tpu.memory_space<hbm>>
        %dma_start3A_110 = tpu.memref_squeeze %dma_start3A_109 : memref<1x10000x128xf32, #tpu.memory_space<hbm>> -> memref<10000x128xf32, #tpu.memory_space<hbm>>
        %dma_start3A_111 = arith.constant 9984 : i32
        %dma_start3A_112 = arith.constant 0 : i32
        %dma_start3A_113 = tpu.memref_slice %dma_start3A_110[%dma_start3A_111, %dma_start3A_112] : memref<10000x128xf32, #tpu.memory_space<hbm>> -> memref<16x128xf32, #tpu.memory_space<hbm>>
        %dma_start3A_114 = arith.constant 9984 : i32
        %dma_start3A_115 = arith.constant 0 : i32
        %dma_start3A_116 = tpu.memref_slice %arg17[%dma_start3A_114, %dma_start3A_115] : memref<10000x128xf32, #tpu.memory_space<vmem_shared>> -> memref<16x128xf32, #tpu.memory_space<vmem_shared>>
        tpu.enqueue_dma source(%dma_start3A_116 : memref<16x128xf32, #tpu.memory_space<vmem_shared>>) target(%dma_start3A_113 : memref<16x128xf32, #tpu.memory_space<hbm>>) target_semaphore(%run_scoped3A : memref<!tpu.dma_semaphore, #tpu.memory_space<semaphore_mem>>)
        %dma_wait3A = arith.constant 0 : i32
        %dma_wait3A_117 = arith.constant 0 : i32
        %dma_wait3A_118 = tpu.memref_slice %arg7[%arg0, %dma_wait3A, %dma_wait3A_117] : memref<2x10000x128xf32, #tpu.memory_space<hbm>> -> memref<1x10000x128xf32, #tpu.memory_space<hbm>>
        %dma_wait3A_119 = tpu.memref_squeeze %dma_wait3A_118 : memref<1x10000x128xf32, #tpu.memory_space<hbm>> -> memref<10000x128xf32, #tpu.memory_space<hbm>>
        %dma_wait3A_120 = arith.constant 9984 : i32
        %dma_wait3A_121 = arith.constant 0 : i32
        %dma_wait3A_122 = tpu.memref_slice %dma_wait3A_119[%dma_wait3A_120, %dma_wait3A_121] : memref<10000x128xf32, #tpu.memory_space<hbm>> -> memref<16x128xf32, #tpu.memory_space<hbm>>
        %dma_wait3A_123 = arith.constant 9984 : i32
        %dma_wait3A_124 = arith.constant 0 : i32
        %dma_wait3A_125 = tpu.memref_slice %arg17[%dma_wait3A_123, %dma_wait3A_124] : memref<10000x128xf32, #tpu.memory_space<vmem_shared>> -> memref<16x128xf32, #tpu.memory_space<vmem_shared>>
        tpu.wait_dma2 semaphore(%run_scoped3A : memref<!tpu.dma_semaphore, #tpu.memory_space<semaphore_mem>>) src(%dma_wait3A_125 : memref<16x128xf32, #tpu.memory_space<vmem_shared>>) dst(%dma_wait3A_122 : memref<16x128xf32, #tpu.memory_space<hbm>>)
        tpu.yield
      }) : () -> ()
    } else {
    }
    return
  }
}

module attributes {stable_mosaic.version = 14 : i64} {
  func.func @_k1_body(%arg0: memref<10000x128xf32, #tpu.memory_space<vmem>>, %arg1: memref<128x128xf32, #tpu.memory_space<vmem>>, %arg2: memref<1x128xf32, #tpu.memory_space<vmem>>, %arg3: memref<1x128xf32, #tpu.memory_space<vmem>>, %arg4: memref<10000x128xf32, #tpu.memory_space<vmem>>, %arg5: memref<2x10000x16xf32, #tpu.memory_space<vmem>>, %arg6: memref<1x16xf32, #tpu.memory_space<vmem>>) attributes {dimension_semantics = [], scalar_prefetch = 0 : i64, scratch_operands = 0 : i64, tpu.core_type = #tpu.core_type<tc>} {
    %get3A = arith.constant 0 : index
    %get3A_0 = arith.constant 0 : index
    %get3A_1 = vector.load %arg0[%get3A, %get3A_0] : memref<10000x128xf32, #tpu.memory_space<vmem>>, vector<10000x128xf32>
    %get3A_2 = arith.constant 0 : index
    %get3A_3 = arith.constant 0 : index
    %get3A_4 = vector.load %arg1[%get3A_2, %get3A_3] : memref<128x128xf32, #tpu.memory_space<vmem>>, vector<128x128xf32>
    %dot_general3A = arith.constant dense<0.000000e+00> : vector<10000x128xf32>
    %dot_general3A_5 = tpu.matmul %get3A_1, %get3A_4, %dot_general3A {dimension_numbers = #tpu.dot_dimension_numbers<[1], [0], [0], [1], [0, 0, 1, 1], [], []>, transpose_lhs_hint = false} : vector<10000x128xf32>, vector<128x128xf32>, vector<10000x128xf32> -> vector<10000x128xf32>
    %iota3A = tpu.iota {dimensions = array<i32: 0>} : vector<128x8xi32>
    %iota3A_6 = tpu.iota {dimensions = array<i32: 1>} : vector<128x8xi32>
    %jit3A = arith.constant 16 : i32
    %div3A = vector.broadcast %jit3A : i32 to vector<128x8xi32>
    %div3A_7 = arith.divsi %iota3A, %div3A : vector<128x8xi32>
    %sign3A = arith.constant 0 : i32
    %sign3A_8 = vector.broadcast %sign3A : i32 to vector<128x8xi32>
    %sign3A_9 = arith.cmpi sgt, %iota3A, %sign3A_8 : vector<128x8xi32>
    %sign3A_10 = arith.extui %sign3A_9 : vector<128x8xi1> to vector<128x8xi32>
    %sign3A_11 = arith.constant 0 : i32
    %sign3A_12 = vector.broadcast %sign3A_11 : i32 to vector<128x8xi32>
    %sign3A_13 = arith.cmpi slt, %iota3A, %sign3A_12 : vector<128x8xi32>
    %sign3A_14 = arith.extui %sign3A_13 : vector<128x8xi1> to vector<128x8xi32>
    %sign3A_15 = arith.subi %sign3A_10, %sign3A_14 : vector<128x8xi32>
    %sign3A_16 = arith.constant 0 : i32
    %sign3A_17 = arith.cmpi sgt, %jit3A, %sign3A_16 : i32
    %sign3A_18 = arith.extui %sign3A_17 : i1 to i32
    %sign3A_19 = arith.constant 0 : i32
    %sign3A_20 = arith.cmpi slt, %jit3A, %sign3A_19 : i32
    %sign3A_21 = arith.extui %sign3A_20 : i1 to i32
    %sign3A_22 = arith.subi %sign3A_18, %sign3A_21 : i32
    %ne3A = vector.broadcast %sign3A_22 : i32 to vector<128x8xi32>
    %ne3A_23 = arith.cmpi ne, %sign3A_15, %ne3A : vector<128x8xi32>
    %rem3A = vector.broadcast %jit3A : i32 to vector<128x8xi32>
    %rem3A_24 = arith.remsi %iota3A, %rem3A : vector<128x8xi32>
    %ne3A_25 = arith.constant 0 : i32
    %ne3A_26 = vector.broadcast %ne3A_25 : i32 to vector<128x8xi32>
    %ne3A_27 = arith.cmpi ne, %rem3A_24, %ne3A_26 : vector<128x8xi32>
    %and3A = arith.andi %ne3A_23, %ne3A_27 : vector<128x8xi1>
    %sub3A = arith.constant 1 : i32
    %sub3A_28 = vector.broadcast %sub3A : i32 to vector<128x8xi32>
    %sub3A_29 = arith.subi %div3A_7, %sub3A_28 : vector<128x8xi32>
    %select_n3A = arith.select %and3A, %sub3A_29, %div3A_7 : vector<128x8xi1>, vector<128x8xi32>
    %eq3A = arith.cmpi eq, %select_n3A, %iota3A_6 : vector<128x8xi32>
    %convert_element_type3A = arith.extui %eq3A : vector<128x8xi1> to vector<128x8xi32>
    %convert_element_type3A_30 = arith.sitofp %convert_element_type3A : vector<128x8xi32> to vector<128x8xf32>
    %get3A_31 = arith.constant 0 : index
    %get3A_32 = arith.constant 0 : index
    %get3A_33 = vector.load %arg2[%get3A_31, %get3A_32] : memref<1x128xf32, #tpu.memory_space<vmem>>, vector<1x128xf32>
    %mul3A = vector.broadcast %get3A_33 : vector<1x128xf32> to vector<10000x128xf32>
    %mul3A_34 = arith.mulf %dot_general3A_5, %mul3A : vector<10000x128xf32>
    %dot_general3A_35 = arith.constant dense<0.000000e+00> : vector<10000x8xf32>
    %dot_general3A_36 = tpu.matmul %mul3A_34, %convert_element_type3A_30, %dot_general3A_35 {dimension_numbers = #tpu.dot_dimension_numbers<[1], [0], [0], [1], [0, 0, 1, 1], [], []>, transpose_lhs_hint = false} : vector<10000x128xf32>, vector<128x8xf32>, vector<10000x8xf32> -> vector<10000x8xf32>
    %get3A_37 = arith.constant 0 : index
    %get3A_38 = arith.constant 0 : index
    %get3A_39 = vector.load %arg3[%get3A_37, %get3A_38] : memref<1x128xf32, #tpu.memory_space<vmem>>, vector<1x128xf32>
    %mul3A_40 = vector.broadcast %get3A_39 : vector<1x128xf32> to vector<10000x128xf32>
    %mul3A_41 = arith.mulf %dot_general3A_5, %mul3A_40 : vector<10000x128xf32>
    %dot_general3A_42 = arith.constant dense<0.000000e+00> : vector<10000x8xf32>
    %dot_general3A_43 = tpu.matmul %mul3A_41, %convert_element_type3A_30, %dot_general3A_42 {dimension_numbers = #tpu.dot_dimension_numbers<[1], [0], [0], [1], [0, 0, 1, 1], [], []>, transpose_lhs_hint = false} : vector<10000x128xf32>, vector<128x8xf32>, vector<10000x8xf32> -> vector<10000x8xf32>
    %swap3A = arith.constant 0 : index
    %swap3A_44 = arith.constant 0 : index
    %swap3A_45 = vector.load %arg4[%swap3A, %swap3A_44] : memref<10000x128xf32, #tpu.memory_space<vmem>>, vector<10000x128xf32>
    tpu.vector_store %arg4[%swap3A, %swap3A_44], %dot_general3A_5 {strides = array<i32>} : memref<10000x128xf32, #tpu.memory_space<vmem>>, vector<10000x128xf32>,
    %broadcast_in_dim3A = arith.constant 0.000000e+00 : f32
    %broadcast_in_dim3A_46 = vector.broadcast %broadcast_in_dim3A : f32 to vector<10000x8xf32>
    %slice3A = vector.extract_strided_slice %dot_general3A_36 {offsets = [0, 0], sizes = [10000, 4], strides = [1, 1]} : vector<10000x8xf32> to vector<10000x4xf32>
    %slice3A_47 = vector.extract_strided_slice %dot_general3A_43 {offsets = [0, 0], sizes = [10000, 4], strides = [1, 1]} : vector<10000x8xf32> to vector<10000x4xf32>
    %concatenate3A = tpu.concatenate %slice3A, %slice3A_47, %broadcast_in_dim3A_46 in 1 : vector<10000x4xf32>, vector<10000x4xf32>, vector<10000x8xf32> -> vector<10000x16xf32>
    %swap3A_48 = arith.constant 0 : index
    %swap3A_49 = arith.constant 0 : index
    %swap3A_50 = arith.constant 0 : index
    %swap3A_51 = vector.load %arg5[%swap3A_48, %swap3A_49, %swap3A_50] : memref<2x10000x16xf32, #tpu.memory_space<vmem>>, vector<1x10000x16xf32>
    %swap3A_52 = vector.shape_cast %swap3A_51 : vector<1x10000x16xf32> to vector<10000x16xf32>
    %swap3A_53 = vector.shape_cast %concatenate3A : vector<10000x16xf32> to vector<1x10000x16xf32>
    tpu.vector_store %arg5[%swap3A_48, %swap3A_49, %swap3A_50], %swap3A_53 {strides = array<i32>} : memref<2x10000x16xf32, #tpu.memory_space<vmem>>, vector<1x10000x16xf32>,
    %slice3A_54 = vector.extract_strided_slice %dot_general3A_36 {offsets = [0, 4], sizes = [10000, 4], strides = [1, 1]} : vector<10000x8xf32> to vector<10000x4xf32>
    %slice3A_55 = vector.extract_strided_slice %dot_general3A_43 {offsets = [0, 4], sizes = [10000, 4], strides = [1, 1]} : vector<10000x8xf32> to vector<10000x4xf32>
    %concatenate3A_56 = tpu.concatenate %slice3A_54, %slice3A_55, %broadcast_in_dim3A_46 in 1 : vector<10000x4xf32>, vector<10000x4xf32>, vector<10000x8xf32> -> vector<10000x16xf32>
    %swap3A_57 = arith.constant 1 : index
    %swap3A_58 = arith.constant 0 : index
    %swap3A_59 = arith.constant 0 : index
    %swap3A_60 = vector.load %arg5[%swap3A_57, %swap3A_58, %swap3A_59] : memref<2x10000x16xf32, #tpu.memory_space<vmem>>, vector<1x10000x16xf32>
    %swap3A_61 = vector.shape_cast %swap3A_60 : vector<1x10000x16xf32> to vector<10000x16xf32>
    %swap3A_62 = vector.shape_cast %concatenate3A_56 : vector<10000x16xf32> to vector<1x10000x16xf32>
    tpu.vector_store %arg5[%swap3A_57, %swap3A_58, %swap3A_59], %swap3A_62 {strides = array<i32>} : memref<2x10000x16xf32, #tpu.memory_space<vmem>>, vector<1x10000x16xf32>,
    %reduce_max3A = vector.shape_cast %dot_general3A_36 : vector<10000x8xf32> to vector<1x10000x8xf32>
    %reduce_max3A_63 = arith.constant dense<0xFF800000> : vector<1xf32>
    %reduce_max3A_64 = vector.multi_reduction <maximumf>, %reduce_max3A, %reduce_max3A_63 [1, 2] : vector<1x10000x8xf32> to vector<1xf32>
    %reduce_max3A_65 = vector.shape_cast %reduce_max3A_64 : vector<1xf32> to vector<1x1x1xf32>
    %reduce_max3A_66 = vector.extract %reduce_max3A_65[0, 0, 0] : f32 from vector<1x1x1xf32>
    %reduce_max3A_67 = vector.shape_cast %dot_general3A_43 : vector<10000x8xf32> to vector<1x10000x8xf32>
    %reduce_max3A_68 = arith.constant dense<0xFF800000> : vector<1xf32>
    %reduce_max3A_69 = vector.multi_reduction <maximumf>, %reduce_max3A_67, %reduce_max3A_68 [1, 2] : vector<1x10000x8xf32> to vector<1xf32>
    %reduce_max3A_70 = vector.shape_cast %reduce_max3A_69 : vector<1xf32> to vector<1x1x1xf32>
    %reduce_max3A_71 = vector.extract %reduce_max3A_70[0, 0, 0] : f32 from vector<1x1x1xf32>
    %add3A = arith.addf %reduce_max3A_66, %reduce_max3A_71 : f32
    %max3A = arith.constant 0.000000e+00 : f32
    %max3A_72 = arith.maximumf %add3A, %max3A : f32
    %broadcast_in_dim3A_73 = vector.broadcast %max3A_72 : f32 to vector<1x16xf32>
    %swap3A_74 = arith.constant 0 : index
    %swap3A_75 = arith.constant 0 : index
    %swap3A_76 = vector.load %arg6[%swap3A_74, %swap3A_75] : memref<1x16xf32, #tpu.memory_space<vmem>>, vector<1x16xf32>
    tpu.vector_store %arg6[%swap3A_74, %swap3A_75], %broadcast_in_dim3A_73 {strides = array<i32>} : memref<1x16xf32, #tpu.memory_space<vmem>>, vector<1x16xf32>,
    return
  }
}

module attributes {stable_mosaic.version = 14 : i64} {
  func.func @_k2_body(%arg0: memref<2x10000x128xf32, #tpu.memory_space<vmem>>, %arg1: memref<1x128xf32, #tpu.memory_space<vmem>>, %arg2: memref<128x64xf32, #tpu.memory_space<vmem>>, %arg3: memref<64x1xf32, #tpu.memory_space<vmem>>, %arg4: memref<64x1xf32, #tpu.memory_space<vmem>>, %arg5: memref<10000x128xf32, #tpu.memory_space<vmem>>, %arg6: memref<10000x16xf32, #tpu.memory_space<vmem>>, %arg7: memref<1x16xf32, #tpu.memory_space<vmem>>) attributes {dimension_semantics = [], scalar_prefetch = 0 : i64, scratch_operands = 0 : i64, tpu.core_type = #tpu.core_type<tc>} {
    %get3A = arith.constant 0 : index
    %get3A_0 = arith.constant 0 : index
    %get3A_1 = arith.constant 0 : index
    %get3A_2 = vector.load %arg0[%get3A, %get3A_0, %get3A_1] : memref<2x10000x128xf32, #tpu.memory_space<vmem>>, vector<1x10000x128xf32>
    %get3A_3 = vector.shape_cast %get3A_2 : vector<1x10000x128xf32> to vector<10000x128xf32>
    %get3A_4 = arith.constant 1 : index
    %get3A_5 = arith.constant 0 : index
    %get3A_6 = arith.constant 0 : index
    %get3A_7 = vector.load %arg0[%get3A_4, %get3A_5, %get3A_6] : memref<2x10000x128xf32, #tpu.memory_space<vmem>>, vector<1x10000x128xf32>
    %get3A_8 = vector.shape_cast %get3A_7 : vector<1x10000x128xf32> to vector<10000x128xf32>
    %iota3A = tpu.iota {dimensions = array<i32: 1>} : vector<4x64xi32>
    %iota3A_9 = tpu.iota {dimensions = array<i32: 0>} : vector<4x64xi32>
    %jit3A = arith.constant 16 : i32
    %div3A = vector.broadcast %jit3A : i32 to vector<4x64xi32>
    %div3A_10 = arith.divsi %iota3A, %div3A : vector<4x64xi32>
    %sign3A = arith.constant 0 : i32
    %sign3A_11 = vector.broadcast %sign3A : i32 to vector<4x64xi32>
    %sign3A_12 = arith.cmpi sgt, %iota3A, %sign3A_11 : vector<4x64xi32>
    %sign3A_13 = arith.extui %sign3A_12 : vector<4x64xi1> to vector<4x64xi32>
    %sign3A_14 = arith.constant 0 : i32
    %sign3A_15 = vector.broadcast %sign3A_14 : i32 to vector<4x64xi32>
    %sign3A_16 = arith.cmpi slt, %iota3A, %sign3A_15 : vector<4x64xi32>
    %sign3A_17 = arith.extui %sign3A_16 : vector<4x64xi1> to vector<4x64xi32>
    %sign3A_18 = arith.subi %sign3A_13, %sign3A_17 : vector<4x64xi32>
    %sign3A_19 = arith.constant 0 : i32
    %sign3A_20 = arith.cmpi sgt, %jit3A, %sign3A_19 : i32
    %sign3A_21 = arith.extui %sign3A_20 : i1 to i32
    %sign3A_22 = arith.constant 0 : i32
    %sign3A_23 = arith.cmpi slt, %jit3A, %sign3A_22 : i32
    %sign3A_24 = arith.extui %sign3A_23 : i1 to i32
    %sign3A_25 = arith.subi %sign3A_21, %sign3A_24 : i32
    %ne3A = vector.broadcast %sign3A_25 : i32 to vector<4x64xi32>
    %ne3A_26 = arith.cmpi ne, %sign3A_18, %ne3A : vector<4x64xi32>
    %rem3A = vector.broadcast %jit3A : i32 to vector<4x64xi32>
    %rem3A_27 = arith.remsi %iota3A, %rem3A : vector<4x64xi32>
    %ne3A_28 = arith.constant 0 : i32
    %ne3A_29 = vector.broadcast %ne3A_28 : i32 to vector<4x64xi32>
    %ne3A_30 = arith.cmpi ne, %rem3A_27, %ne3A_29 : vector<4x64xi32>
    %and3A = arith.andi %ne3A_26, %ne3A_30 : vector<4x64xi1>
    %sub3A = arith.constant 1 : i32
    %sub3A_31 = vector.broadcast %sub3A : i32 to vector<4x64xi32>
    %sub3A_32 = arith.subi %div3A_10, %sub3A_31 : vector<4x64xi32>
    %select_n3A = arith.select %and3A, %sub3A_32, %div3A_10 : vector<4x64xi1>, vector<4x64xi32>
    %eq3A = arith.cmpi eq, %select_n3A, %iota3A_9 : vector<4x64xi32>
    %convert_element_type3A = arith.extui %eq3A : vector<4x64xi1> to vector<4x64xi32>
    %convert_element_type3A_33 = arith.sitofp %convert_element_type3A : vector<4x64xi32> to vector<4x64xf32>
    %slice3A = vector.extract_strided_slice %get3A_3 {offsets = [0, 64], sizes = [10000, 4], strides = [1, 1]} : vector<10000x128xf32> to vector<10000x4xf32>
    %dot_general3A = arith.constant dense<0.000000e+00> : vector<10000x64xf32>
    %dot_general3A_34 = tpu.matmul %slice3A, %convert_element_type3A_33, %dot_general3A {dimension_numbers = #tpu.dot_dimension_numbers<[1], [0], [0], [1], [0, 0, 1, 1], [], []>, transpose_lhs_hint = false} : vector<10000x4xf32>, vector<4x64xf32>, vector<10000x64xf32> -> vector<10000x64xf32>
    %add3A = arith.constant 1.000000e-16 : f32
    %add3A_35 = vector.broadcast %add3A : f32 to vector<10000x64xf32>
    %add3A_36 = arith.addf %dot_general3A_34, %add3A_35 : vector<10000x64xf32>
    %slice3A_37 = vector.extract_strided_slice %get3A_8 {offsets = [0, 64], sizes = [10000, 4], strides = [1, 1]} : vector<10000x128xf32> to vector<10000x4xf32>
    %dot_general3A_38 = arith.constant dense<0.000000e+00> : vector<10000x64xf32>
    %dot_general3A_39 = tpu.matmul %slice3A_37, %convert_element_type3A_33, %dot_general3A_38 {dimension_numbers = #tpu.dot_dimension_numbers<[1], [0], [0], [1], [0, 0, 1, 1], [], []>, transpose_lhs_hint = false} : vector<10000x4xf32>, vector<4x64xf32>, vector<10000x64xf32> -> vector<10000x64xf32>
    %add3A_40 = arith.constant 1.000000e-16 : f32
    %add3A_41 = vector.broadcast %add3A_40 : f32 to vector<10000x64xf32>
    %add3A_42 = arith.addf %dot_general3A_39, %add3A_41 : vector<10000x64xf32>
    %slice3A_43 = vector.extract_strided_slice %get3A_3 {offsets = [0, 0], sizes = [10000, 64], strides = [1, 1]} : vector<10000x128xf32> to vector<10000x64xf32>
    %div3A_44 = arith.divf %slice3A_43, %add3A_36 : vector<10000x64xf32>
    %slice3A_45 = vector.extract_strided_slice %get3A_8 {offsets = [0, 0], sizes = [10000, 64], strides = [1, 1]} : vector<10000x128xf32> to vector<10000x64xf32>
    %div3A_46 = arith.divf %slice3A_45, %add3A_42 : vector<10000x64xf32>
    %concatenate3A = tpu.concatenate %div3A_44, %div3A_46 in 1 : vector<10000x64xf32>, vector<10000x64xf32> -> vector<10000x128xf32>
    %get3A_47 = arith.constant 0 : index
    %get3A_48 = arith.constant 0 : index
    %get3A_49 = vector.load %arg1[%get3A_47, %get3A_48] : memref<1x128xf32, #tpu.memory_space<vmem>>, vector<1x128xf32>
    %add3A_50 = vector.broadcast %get3A_49 : vector<1x128xf32> to vector<10000x128xf32>
    %add3A_51 = arith.addf %concatenate3A, %add3A_50 : vector<10000x128xf32>
    %gt3A = arith.constant 0.000000e+00 : f32
    %gt3A_52 = vector.broadcast %gt3A : f32 to vector<10000x128xf32>
    %gt3A_53 = arith.cmpf ogt, %add3A_51, %gt3A_52 : vector<10000x128xf32>
    %min3A = arith.constant 0.000000e+00 : f32
    %min3A_54 = vector.broadcast %min3A : f32 to vector<10000x128xf32>
    %min3A_55 = arith.minimumf %add3A_51, %min3A_54 : vector<10000x128xf32>
    %exp3A = math.exp %min3A_55 : vector<10000x128xf32>
    %sub3A_56 = arith.constant 1.000000e+00 : f32
    %sub3A_57 = vector.broadcast %sub3A_56 : f32 to vector<10000x128xf32>
    %sub3A_58 = arith.subf %exp3A, %sub3A_57 : vector<10000x128xf32>
    %select_n3A_59 = arith.select %gt3A_53, %add3A_51, %sub3A_58 : vector<10000x128xi1>, vector<10000x128xf32>
    %get3A_60 = arith.constant 0 : index
    %get3A_61 = arith.constant 0 : index
    %get3A_62 = vector.load %arg2[%get3A_60, %get3A_61] : memref<128x64xf32, #tpu.memory_space<vmem>>, vector<128x64xf32>
    %dot_general3A_63 = arith.constant dense<0.000000e+00> : vector<10000x64xf32>
    %dot_general3A_64 = tpu.matmul %select_n3A_59, %get3A_62, %dot_general3A_63 {dimension_numbers = #tpu.dot_dimension_numbers<[1], [0], [0], [1], [0, 0, 1, 1], [], []>, transpose_lhs_hint = false} : vector<10000x128xf32>, vector<128x64xf32>, vector<10000x64xf32> -> vector<10000x64xf32>
    %broadcast_in_dim3A = arith.constant 0.000000e+00 : f32
    %broadcast_in_dim3A_65 = vector.broadcast %broadcast_in_dim3A : f32 to vector<10000x64xf32>
    %concatenate3A_66 = tpu.concatenate %dot_general3A_64, %broadcast_in_dim3A_65 in 1 : vector<10000x64xf32>, vector<10000x64xf32> -> vector<10000x128xf32>
    %swap3A = arith.constant 0 : index
    %swap3A_67 = arith.constant 0 : index
    %swap3A_68 = vector.load %arg5[%swap3A, %swap3A_67] : memref<10000x128xf32, #tpu.memory_space<vmem>>, vector<10000x128xf32>
    tpu.vector_store %arg5[%swap3A, %swap3A_67], %concatenate3A_66 {strides = array<i32>} : memref<10000x128xf32, #tpu.memory_space<vmem>>, vector<10000x128xf32>,
    %get3A_69 = arith.constant 0 : index
    %get3A_70 = arith.constant 0 : index
    %get3A_71 = vector.load %arg3[%get3A_69, %get3A_70] : memref<64x1xf32, #tpu.memory_space<vmem>>, vector<64x1xf32>
    %dot_general3A_72 = arith.constant dense<0.000000e+00> : vector<10000x1xf32>
    %dot_general3A_73 = tpu.matmul %dot_general3A_64, %get3A_71, %dot_general3A_72 {dimension_numbers = #tpu.dot_dimension_numbers<[1], [0], [0], [1], [0, 0, 1, 1], [], []>, transpose_lhs_hint = false} : vector<10000x64xf32>, vector<64x1xf32>, vector<10000x1xf32> -> vector<10000x1xf32>
    %get3A_74 = arith.constant 0 : index
    %get3A_75 = arith.constant 0 : index
    %get3A_76 = vector.load %arg4[%get3A_74, %get3A_75] : memref<64x1xf32, #tpu.memory_space<vmem>>, vector<64x1xf32>
    %dot_general3A_77 = arith.constant dense<0.000000e+00> : vector<10000x1xf32>
    %dot_general3A_78 = tpu.matmul %dot_general3A_64, %get3A_76, %dot_general3A_77 {dimension_numbers = #tpu.dot_dimension_numbers<[1], [0], [0], [1], [0, 0, 1, 1], [], []>, transpose_lhs_hint = false} : vector<10000x64xf32>, vector<64x1xf32>, vector<10000x1xf32> -> vector<10000x1xf32>
    %broadcast_in_dim3A_79 = arith.constant 0.000000e+00 : f32
    %broadcast_in_dim3A_80 = vector.broadcast %broadcast_in_dim3A_79 : f32 to vector<10000x14xf32>
    %concatenate3A_81 = tpu.concatenate %dot_general3A_73, %dot_general3A_78, %broadcast_in_dim3A_80 in 1 : vector<10000x1xf32>, vector<10000x1xf32>, vector<10000x14xf32> -> vector<10000x16xf32>
    %swap3A_82 = arith.constant 0 : index
    %swap3A_83 = arith.constant 0 : index
    %swap3A_84 = vector.load %arg6[%swap3A_82, %swap3A_83] : memref<10000x16xf32, #tpu.memory_space<vmem>>, vector<10000x16xf32>
    tpu.vector_store %arg6[%swap3A_82, %swap3A_83], %concatenate3A_81 {strides = array<i32>} : memref<10000x16xf32, #tpu.memory_space<vmem>>, vector<10000x16xf32>,
    %reduce_max3A = vector.shape_cast %dot_general3A_73 : vector<10000x1xf32> to vector<1x10000x1xf32>
    %reduce_max3A_85 = arith.constant dense<0xFF800000> : vector<1xf32>
    %reduce_max3A_86 = vector.multi_reduction <maximumf>, %reduce_max3A, %reduce_max3A_85 [1, 2] : vector<1x10000x1xf32> to vector<1xf32>
    %reduce_max3A_87 = vector.shape_cast %reduce_max3A_86 : vector<1xf32> to vector<1x1x1xf32>
    %reduce_max3A_88 = vector.extract %reduce_max3A_87[0, 0, 0] : f32 from vector<1x1x1xf32>
    %reduce_max3A_89 = vector.shape_cast %dot_general3A_78 : vector<10000x1xf32> to vector<1x10000x1xf32>
    %reduce_max3A_90 = arith.constant dense<0xFF800000> : vector<1xf32>
    %reduce_max3A_91 = vector.multi_reduction <maximumf>, %reduce_max3A_89, %reduce_max3A_90 [1, 2] : vector<1x10000x1xf32> to vector<1xf32>
    %reduce_max3A_92 = vector.shape_cast %reduce_max3A_91 : vector<1xf32> to vector<1x1x1xf32>
    %reduce_max3A_93 = vector.extract %reduce_max3A_92[0, 0, 0] : f32 from vector<1x1x1xf32>
    %add3A_94 = arith.addf %reduce_max3A_88, %reduce_max3A_93 : f32
    %max3A = arith.constant 0.000000e+00 : f32
    %max3A_95 = arith.maximumf %add3A_94, %max3A : f32
    %broadcast_in_dim3A_96 = vector.broadcast %max3A_95 : f32 to vector<1x16xf32>
    %swap3A_97 = arith.constant 0 : index
    %swap3A_98 = arith.constant 0 : index
    %swap3A_99 = vector.load %arg7[%swap3A_97, %swap3A_98] : memref<1x16xf32, #tpu.memory_space<vmem>>, vector<1x16xf32>
    tpu.vector_store %arg7[%swap3A_97, %swap3A_98], %broadcast_in_dim3A_96 {strides = array<i32>} : memref<1x16xf32, #tpu.memory_space<vmem>>, vector<1x16xf32>,
    return
  }
}

module attributes {stable_mosaic.version = 14 : i64} {
  func.func @_k3_body(%arg0: memref<2x10000x128xf32, #tpu.memory_space<vmem>>, %arg1: memref<1x64xf32, #tpu.memory_space<vmem>>, %arg2: memref<10000x64xf32, #tpu.memory_space<vmem>>) attributes {dimension_semantics = [], scalar_prefetch = 0 : i64, scratch_operands = 0 : i64, tpu.core_type = #tpu.core_type<tc>} {
    %get3A = arith.constant 0 : index
    %get3A_0 = arith.constant 0 : index
    %get3A_1 = arith.constant 0 : index
    %get3A_2 = vector.load %arg0[%get3A, %get3A_0, %get3A_1] : memref<2x10000x128xf32, #tpu.memory_space<vmem>>, vector<1x10000x128xf32>
    %get3A_3 = vector.shape_cast %get3A_2 : vector<1x10000x128xf32> to vector<10000x128xf32>
    %get3A_4 = arith.constant 1 : index
    %get3A_5 = arith.constant 0 : index
    %get3A_6 = arith.constant 0 : index
    %get3A_7 = vector.load %arg0[%get3A_4, %get3A_5, %get3A_6] : memref<2x10000x128xf32, #tpu.memory_space<vmem>>, vector<1x10000x128xf32>
    %get3A_8 = vector.shape_cast %get3A_7 : vector<1x10000x128xf32> to vector<10000x128xf32>
    %slice3A = vector.extract_strided_slice %get3A_3 {offsets = [0, 32], sizes = [10000, 1], strides = [1, 1]} : vector<10000x128xf32> to vector<10000x1xf32>
    %add3A = arith.constant 1.000000e-16 : f32
    %add3A_9 = vector.broadcast %add3A : f32 to vector<10000x1xf32>
    %add3A_10 = arith.addf %slice3A, %add3A_9 : vector<10000x1xf32>
    %slice3A_11 = vector.extract_strided_slice %get3A_8 {offsets = [0, 32], sizes = [10000, 1], strides = [1, 1]} : vector<10000x128xf32> to vector<10000x1xf32>
    %add3A_12 = arith.constant 1.000000e-16 : f32
    %add3A_13 = vector.broadcast %add3A_12 : f32 to vector<10000x1xf32>
    %add3A_14 = arith.addf %slice3A_11, %add3A_13 : vector<10000x1xf32>
    %slice3A_15 = vector.extract_strided_slice %get3A_3 {offsets = [0, 0], sizes = [10000, 32], strides = [1, 1]} : vector<10000x128xf32> to vector<10000x32xf32>
    %div3A = vector.broadcast %add3A_10 : vector<10000x1xf32> to vector<10000x32xf32>
    %div3A_16 = arith.divf %slice3A_15, %div3A : vector<10000x32xf32>
    %slice3A_17 = vector.extract_strided_slice %get3A_8 {offsets = [0, 0], sizes = [10000, 32], strides = [1, 1]} : vector<10000x128xf32> to vector<10000x32xf32>
    %div3A_18 = vector.broadcast %add3A_14 : vector<10000x1xf32> to vector<10000x32xf32>
    %div3A_19 = arith.divf %slice3A_17, %div3A_18 : vector<10000x32xf32>
    %concatenate3A = tpu.concatenate %div3A_16, %div3A_19 in 1 : vector<10000x32xf32>, vector<10000x32xf32> -> vector<10000x64xf32>
    %get3A_20 = arith.constant 0 : index
    %get3A_21 = arith.constant 0 : index
    %get3A_22 = vector.load %arg1[%get3A_20, %get3A_21] : memref<1x64xf32, #tpu.memory_space<vmem>>, vector<1x64xf32>
    %add3A_23 = vector.broadcast %get3A_22 : vector<1x64xf32> to vector<10000x64xf32>
    %add3A_24 = arith.addf %concatenate3A, %add3A_23 : vector<10000x64xf32>
    %swap3A = arith.constant 0 : index
    %swap3A_25 = arith.constant 0 : index
    %swap3A_26 = vector.load %arg2[%swap3A, %swap3A_25] : memref<10000x64xf32, #tpu.memory_space<vmem>>, vector<10000x64xf32>
    tpu.vector_store %arg2[%swap3A, %swap3A_25], %add3A_24 {strides = array<i32>} : memref<10000x64xf32, #tpu.memory_space<vmem>>, vector<10000x64xf32>,
    return
  }
}

</mosaic_0001>

<sc_bundles>
// kernel: kernel.10.cloned.1.call-start
scs
__scs_entry_jumppad:
0x0: {  	(pc) =	sbr.rel $0x88, $3  }
0x1: {  	(tag) =	ssettag $0x0;
	lr =	simm.s32 $0x1  }
0x2: {  	[smem:$0x3F97] =	sst lr;
	_ =	strace $0xD0000000  }
0x3: {  	_ = 	snop  }
0x4: {  	_ = 	snop  }
0x5: {  	_ = 	snop  }
0x6: {  	_ = 	snop  }
0x7: {  	_ = 	snop  }
__scs_overlays_trampoline_lowered:
0x8: {  	[smem:$0x3FA6] =	sst s0  }
0x9: {  	[smem:$0x3FA7] =	sst s1  }
0xa: {  	[smem:$0x3FA8] =	sst s2  }
0xb: {  	[smem:$0x3FA9] =	sst s3  }
0xc: {  	[smem:$0x3FAA] =	sst s4  }
0xd: {  	[smem:$0x3FAB] =	sst s5  }
0xe: {  	[smem:$0x3FAC] =	sst s6  }
0xf: {  	[smem:$0x3FAD] =	sst s7  }
0x10: {  	[smem:$0x3FAE] =	sst s8  }
0x11: {  	[smem:$0x3FAF] =	sst s9;
	s0 =	simm.s32 @!p0 $0x0  }
0x12: {  	s1 =	sld [smem:$0x3F95];
	s0 =	simm.s32 @p0 $0x1  }
0x13: {  	[smem:$0x3FB0] =	sst s0;
	s0 =	simm.s32 @!p1 $0x0  }
0x14: {  	s2 =	sld [smem:$0x3F94];
	s0 =	simm.s32 @p1 $0x1  }
0x15: {  	[smem:$0x3FB1] =	sst s0;
	s0 =	simm.s32 @!p2 $0x0  }
0x16: {  	s3 =	sld [smem:$0x3FDB];
	s0 =	simm.s32 @p2 $0x1  }
0x17: {  	s4 =	simm.s32 $0x1BF5;
	[smem:$0x3FB3] =	sst s0  }
0x18: {  	s0 =	sld [smem:$0x3F96];
	_ =	swait.ge [sflag:s4], $0x0  }
0x19: {  	s7 =	sld [smem:$0x3F97]  }
0x1a: {  	s8 =	sadd.s32 $0xFFFFE003, lr  }
0x1b: {  	s9 =	sadd.s32 $0xFFFFFEF7, lr;
	s5 =	simm.s32 $0xFFFFFFFF;
	p2 =	slt.u32 s8, $0xFFFFF086  }
0x1c: {  	p1 =	slt.u32 s9, $0xF7A;
	s5 =	simm.s32 @!p2 $0x0  }
0x1d: {  	s5 =	simm.s32 @p1 $0x1;
	p0 =	seq.s32 s7, s2  }
0x1e: {  	s7 =	smul.u32 @!p0 $0xF7A, s2;
	p2 =	seq.s32 @!p0 s5, $0x0  }
0x1f: {  	s9 =	smul.u32 $0xF7A, s1;
	s8 =	simm.s32 @!p0 $0x1BF5;
	p2 =	por !p2, p0  }
0x20: {  	[sflag:s8] =	ssyncset.s32 @!p0 $0xFFFFF086;
	s6 =	sadd.s32 @!p0 s3, s7;
	s7 =	simm.s32 @!p0 $0x108  }
0x21: {  	s3 =	sadd.s32 s3, s9;
	s6 =	sadd.s32 @!p0 $0x88, s6;
	s7 =	simm.s32 @p2 $0x1082  }
0x22: {  	[simem:s7], [sflag:s8] =	dma.local @!p0 [hbm:s6], $0xF7A  }
0x23: {  	s9 =	sor.u32 $0xD0000000, s2;
	s6 =	simm.s32 $0x108;
	_ =	swait.ge @!p0 [sflag:s8], $0x0  }
0x24: {  	s3 =	sadd.s32 $0x88, s3;
	s6 =	simm.s32 @!p1 $0x1082;
	[sflag:s4] =	ssyncset.s32 $0xFFFFF086  }
0x25: {  	[simem:s6], [sflag:s4] =	dma.local [hbm:s3], $0xF7A  }
0x26: {  	[smem:$0x3F97] =	sst s1;
	(tag) =	ssettag s2;
	_ =	strace s9  }
0x27: {  	s1 =	sld [smem:$0x3FA7]  }
0x28: {  	s2 =	sld [smem:$0x3FA8]  }
0x29: {  	s4 =	sld [smem:$0x3FAA]  }
0x2a: {  	p0 =	seq.s32 s5, $0x0;
	s5 =	sld [smem:$0x3FAB]  }
0x2b: {  	s6 =	sld [smem:$0x3FAC]  }
0x2c: {  	s7 =	sld [smem:$0x3FAD]  }
0x2d: {  	s3 =	simm.s32 $0x108;
	s8 =	sld [smem:$0x3FAE]  }
0x2e: {  	s3 =	simm.s32 @!p0 $0x1082;
	s9 =	sld [smem:$0x3FAF]  }
0x2f: {  	lr =	sadd.s32 s0, s3;
	s0 =	sld [smem:$0x3FA6]  }
0x30: {  	s3 =	sld [smem:$0x3FA9]  }
0x31: {  	[smem:$0x3FB2] =	sst s10  }
0x32: {  	s10 =	sld [smem:$0x3FB0];
	_ =	sdelay $0x3  }
0x33: {  	p0 =	seq.s32 s10, $0x1;
	s10 =	sld [smem:$0x3FB2];
	_ =	sdelay $0x3  }
0x34: {  	[smem:$0x3FB2] =	sst s10  }
0x35: {  	s10 =	sld [smem:$0x3FB1];
	_ =	sdelay $0x3  }
0x36: {  	p1 =	seq.s32 s10, $0x1;
	s10 =	sld [smem:$0x3FB2];
	_ =	sdelay $0x3  }
0x37: {  	[smem:$0x3FB2] =	sst s10  }
0x38: {  	s10 =	sld [smem:$0x3FB3]  }
0x39: {  	_ = 	snop;
	(pc) =	sbr.ind lr, $3  }
0x3a: {  	_ = 	snop  }
0x3b: {  	_ = 	snop  }
0x3c: {  	p2 =	seq.s32 s10, $0x1;
	s10 =	sld [smem:$0x3FB2]  }
0x3d: {  	_ =	shalt  }
0x3e: {  	_ =	shalt  }
0x3f: {  	_ =	shalt  }
0x40: {  	_ =	shalt  }
0x41: {  	_ =	shalt  }
0x42: {  	_ =	shalt  }
0x43: {  	_ =	shalt  }
0x44: {  	_ =	shalt  }
0x45: {  	_ =	shalt  }
0x46: {  	_ =	shalt  }
0x47: {  	_ =	shalt  }
0x48: {  	_ =	shalt  }
0x49: {  	_ =	shalt  }
0x4a: {  	_ =	shalt  }
0x4b: {  	_ =	shalt  }
0x4c: {  	_ =	shalt  }
0x4d: {  	_ =	shalt  }
0x4e: {  	_ =	shalt  }
0x4f: {  	_ =	shalt  }
0x50: {  	_ =	shalt  }
0x51: {  	_ =	shalt  }
0x52: {  	_ =	shalt  }
0x53: {  	_ =	shalt  }
0x54: {  	_ =	shalt  }
0x55: {  	_ =	shalt  }
0x56: {  	_ =	shalt  }
0x57: {  	_ =	shalt  }
0x58: {  	_ =	shalt  }
0x59: {  	_ =	shalt  }
0x5a: {  	_ =	shalt  }
0x5b: {  	_ =	shalt  }
0x5c: {  	_ =	shalt  }
0x5d: {  	_ =	shalt  }
0x5e: {  	_ =	shalt  }
0x5f: {  	_ =	shalt  }
0x60: {  	_ =	shalt  }
0x61: {  	_ =	shalt  }
0x62: {  	_ =	shalt  }
0x63: {  	_ =	shalt  }
0x64: {  	_ =	shalt  }
0x65: {  	_ =	shalt  }
0x66: {  	_ =	shalt  }
0x67: {  	_ =	shalt  }
0x68: {  	_ =	shalt  }
0x69: {  	_ =	shalt  }
0x6a: {  	_ =	shalt  }
0x6b: {  	_ =	shalt  }
0x6c: {  	_ =	shalt  }
0x6d: {  	_ =	shalt  }
0x6e: {  	_ =	shalt  }
0x6f: {  	_ =	shalt  }
0x70: {  	_ =	shalt  }
0x71: {  	_ =	shalt  }
0x72: {  	_ =	shalt  }
0x73: {  	_ =	shalt  }
0x74: {  	_ =	shalt  }
0x75: {  	_ =	shalt  }
0x76: {  	_ =	shalt  }
0x77: {  	_ =	shalt  }
0x78: {  	_ =	shalt  }
0x79: {  	_ =	shalt  }
0x7a: {  	_ =	shalt  }
0x7b: {  	_ =	shalt  }
0x7c: {  	_ =	shalt  }
0x7d: {  	_ =	shalt  }
0x7e: {  	_ =	shalt  }
0x7f: {  	_ =	shalt  }
0x80: {  	_ =	shalt  }
0x81: {  	_ =	shalt  }
0x82: {  	_ =	shalt  }
0x83: {  	_ =	shalt  }
0x84: {  	_ =	shalt  }
0x85: {  	_ =	shalt  }
0x86: {  	_ =	shalt  }
0x87: {  	_ =	shalt  }
.Lfunc_end0:
.L_simem_size_0:
called_computation.1_lowered:
.L_overlay_start_0:
0x88: {  	s2 =	sld [smem:$0x3FD9]  }
0x89: {  	s3 =	sld [smem:$0x3FFE];
	_ =	sdelay $0x1  }
0x8a: {  	s1 =	srdreg.scid  }
0x8b: {  	s0 =	sand.u32 $0x1, s1  }
0x8c: {  	s17 =	sshll.u32 s0, $0xA;
	s2 =	sadd.s32 s3, s2  }
0x8d: {  	s2 =	sadd.s32 s2, s17  }
0x8e: {  	[smem:$0x3FBE] =	sst s2  }
0x8f: {  	_ = 	snop  }
0x90: {  	s2 =	sld [smem:$0x3FD0];
	(tm) =	ssettm $0x1  }
0x91: {  	s18 =	sld [smem:$0x3FFB];
	_ =	sdelay $0x3  }
0x92: {  	_ =	strace s18  }
0x93: {  	s3 =	sld [smem:$0x3FFC];
	_ =	sdelay $0x3  }
0x94: {  	_ =	strace s3  }
0x95: {  	s3 =	sld [smem:$0x3FFD];
	_ =	sdelay $0x3  }
0x96: {  	_ =	strace s3  }
0x97: {  	_ =	strace $0x8FFFFFFF  }
0x98: {  	s19 =	sld [smem:$0x3FDB];
	_ =	sdelay $0x1  }
0x99: {  	s4 =	simm.s32 $_scs_section_size  }
0x9a: {  	s5 =	simm.s32 $_size__tile_overlayer_lowered;
	s6 =	simm.s32 $_tile_overlayer_lowered  }
0x9b: {  	s22 =	simm.s32 $0x1BFF;
	s21 =	sshll.u32 s6, $0x1;
	s3 =	sadd.s32 s4, s19  }
0x9c: {  	s7 =	simm.s32 $0x0;
	s20 =	sshll.u32 s5, $0x1;
	s5 =	sadd.s32 s21, s3  }
0x9d: {  	[timem:s7], [sflag:s22] =	dma.local [hbm:s5], s20  }
0x9e: {  	_ =	swait.ge [sflag:s22], s20  }
0x9f: {  	s4 =	ssub.s32 $0x0, s20;
	[sflag:s22] =	ssyncset.done $0x0  }
0xa0: {  	[sflag:s22] =	ssyncadd.s32 s4;
	_ =	sdelay $0x1  }
0xa1: {  	s23 =	simm.s32 $0x1B8B  }
0xa2: {  	_ =	swait.ge [sflag:s23], $0x1  }
0xa3: {  	[sflag:s23] =	ssyncset.done $0x0  }
0xa4: {  	s25 =	simm.s32 $0x1B8E;
	s24 =	sld [smem:$0x3FFE];
	[sflag:s23] =	ssyncadd.s32 $0xFFFFFFFF  }
0xa5: {  	s26 =	simm.s32 $execute0_lowered;
	[smem:$0x3FD2] =	sst s25  }
0xa6: {  	s5 =	sshll.u32 s26, $0x1;
	_ =	strace $0x80000049;
	[dreg:$0x1] =	wrdreg $0xFFFFFFFF  }
0xa7: {  	s28 =	simm.s32 $_size_execute0_lowered;
	s3 =	sadd.s32 s3, s5;
	[dreg:$0x0] =	wrdreg $0x0  }
0xa8: {  	s5 =	sshll.u32 s28, $0x1;
	[dreg:$0x2] =	wrdreg s3  }
0xa9: {  	[dreg:$0x3] =	wrdreg s5  }
0xaa: {  	[dreg:$0x4] =	wrdreg $0xC0  }
0xab: {  	_ =	task [dreg:s7], $0x5FFFF  }
0xac: {  	[dreg:$0x1] =	wrdreg $0xFFFFFFFF  }
0xad: {  	[dreg:$0x0] =	wrdreg $0x60  }
0xae: {  	[dreg:$0x2] =	wrdreg s24  }
0xaf: {  	[dreg:$0x3] =	wrdreg s2  }
0xb0: {  	[dreg:$0x4] =	wrdreg $0x12300  }
0xb1: {  	[dreg:$0x5] =	wrdreg $0x39400  }
0xb2: {  	[dreg:$0x6] =	wrdreg $0x9  }
0xb3: {  	_ =	task.clear_ibuf [dreg:s7], $0x7FFFF;
	_ =	strace $0x90000049  }
0xb4: {  	s29 =	simm.s32 $0x9;
	_ =	strace $0x8000004B  }
0xb5: {  	_ =	swait.ge [sflag:s29], $0x1  }
0xb6: {  	[sflag:s29] =	ssyncadd.s32 $0xFFFFFFFF  }
0xb7: {  	_ =	strace $0x9000004B  }
0xb8: {  	_ =	sfence  }
0xb9: {  	s30 =	sld [smem:$0x0];
	_ =	sdelay $0x2  }
0xba: {  	s31 =	sshll.u32 s1, $0xD;
	s1 =	sshrl.u32 s1, $0x2  }
0xbb: {  	s3 =	sand.u32 $0x4000, s31;
	s1 =	sadd.s32 s1, s30  }
0xbc: {  	s0 =	sor.u32 s3, s0;
	s1 =	sshll.u32 s1, $0x11  }
0xbd: {  	s0 =	sor.u32 s1, s0  }
0xbe: {  	s0 =	sadd.s32 $0x8F2B, s0  }
0xbf: {  	[sflag:s0] =	ssyncadd.remote.s32 $0x1  }
0xc0: {  	_ =	sfence.sel $0xFFFF  }
0xc1: {  	[dreg:$0x0] =	wrdreg $0xFFFFFFFF;
	(pc) =	sbr.abs _section_cstart, $3  }
0xc2: {  	[dreg:$0x1] =	wrdreg $0xFFFFFFFF  }
0xc3: {  	_ =	task.clear_ibuf [dreg:s7], $0x2FFFF;
	_ =	strace $0x9FFFFFFF  }
0xc4: {  	(tm) =	ssettm $0x7FFFFFFF  }
0xc5: {  	_ =	shalt  }
tec
execute0_lowered:
.L_overlay_start_1:
0x0: {  	(tag) =	ssettag $0x1  }
0x1: {  	s0 =	rddreg [dreg:$0x0]  }
0x2: {  	s2 =	rddreg [dreg:$0x2];
	s10 =	stileid.u32  }
0x3: {  	s3 =	rddreg [dreg:$0x3];
	s4 =	simm.s32 $0x0;
	s19 =	smul.u32 $0x4E000, s10  }
0x4: {  	[smem:$0x7FF] =	sst s4;
	s5 =	sadd.s32 $0x3CC00, s0  }
0x5: {  	_ =	strace $0x8000004A;
	[dreg:$0x5] =	wrdreg s5;
	s5 =	sshrl.u32 s19, $0x2  }
0x6: {  	s5 =	sadd.s32 s5, s3  }
0x7: {  	s11 =	sadd.s32 $0x800, s5  }
0x8: {  	s21 =	sadd.s32 $0x1000, s5;
	[dreg:$0x6] =	wrdreg s11  }
0x9: {  	s22 =	sadd.s32 $0x1800, s5;
	[dreg:$0x7] =	wrdreg s21  }
0xa: {  	s23 =	sadd.s32 $0x2000, s5;
	[dreg:$0x8] =	wrdreg s22  }
0xb: {  	s24 =	sadd.s32 $0x2800, s5;
	[dreg:$0x9] =	wrdreg s23  }
0xc: {  	s25 =	sadd.s32 $0x3000, s5;
	[dreg:$0xa] =	wrdreg s24  }
0xd: {  	s1 =	srdreg.scid;
	s26 =	sadd.s32 $0x3800, s5;
	[dreg:$0xb] =	wrdreg s25  }
0xe: {  	s1 =	sand.u32 $0x1, s1;
	s12 =	sadd.s32 $0x4000, s5;
	[dreg:$0xc] =	wrdreg s26  }
0xf: {  	s6 =	sadd.s32 $0x15A00, s0;
	s13 =	sadd.s32 $0x4800, s5;
	[dreg:$0xd] =	wrdreg s12  }
0x10: {  	s8 =	sadd.s32 $0xBC00, s0;
	s14 =	sadd.s32 $0x5000, s5;
	[dreg:$0xe] =	wrdreg s13  }
0x11: {  	s9 =	sadd.s32 $0x1E00, s0;
	s15 =	sadd.s32 $0x5800, s5;
	[dreg:$0xf] =	wrdreg s14  }
0x12: {  	s18 =	smul.u32 $0x27100, s1;
	s16 =	sadd.s32 $0x6000, s5;
	[dreg:$0x10] =	wrdreg s15  }
0x13: {  	s7 =	ssub.s32 $0x2, s1;
	s17 =	sadd.s32 $0x6800, s5;
	[dreg:$0x11] =	wrdreg s16  }
0x14: {  	s0 =	sadd.s32 s18, s0;
	s18 =	sadd.s32 $0x7000, s5;
	[dreg:$0x12] =	wrdreg s17  }
0x15: {  	s20 =	sshrl.u32 s7, $0x1;
	s19 =	sadd.s32 $0x7800, s5;
	[dreg:$0x13] =	wrdreg s18  }
0x16: {  	s4 =	ssub.s32 s7, s20;
	s20 =	sadd.s32 $0x8000, s5;
	[dreg:$0x14] =	wrdreg s19  }
0x17: {  	[dreg:$0x15] =	wrdreg s20;
	s21 =	sadd.s32 $0x8800, s5  }
0x18: {  	s22 =	sadd.s32 $0x9000, s5;
	[dreg:$0x16] =	wrdreg s21  }
0x19: {  	s23 =	sadd.s32 $0x9800, s5;
	[dreg:$0x17] =	wrdreg s22  }
0x1a: {  	s24 =	sadd.s32 $0xA000, s5;
	[dreg:$0x18] =	wrdreg s23  }
0x1b: {  	s25 =	sadd.s32 $0xA800, s5;
	[dreg:$0x19] =	wrdreg s24  }
0x1c: {  	s26 =	sadd.s32 $0xB000, s5;
	[dreg:$0x1a] =	wrdreg s25  }
0x1d: {  	s30 =	simm.s32 $0x4;
	s12 =	sadd.s32 $0xB800, s5;
	[dreg:$0x1b] =	wrdreg s26  }
0x1e: {  	s31 =	simm.s32 $0xA30;
	s13 =	sadd.s32 $0xC000, s5;
	[dreg:$0x1c] =	wrdreg s12  }
0x1f: {  	p0 =	sne.s32 s10, $0x0;
	s14 =	sadd.s32 $0xC800, s5;
	[dreg:$0x1d] =	wrdreg s13  }
0x20: {  	p1 =	sne.s32 s10, $0xF;
	s15 =	sadd.s32 $0xD000, s5;
	[dreg:$0x1e] =	wrdreg s14  }
0x21: {  	s28 =	sadd.s32 $0x138000, s3;
	s16 =	sadd.s32 $0xD800, s5;
	[dreg:$0x1f] =	wrdreg s15  }
0x22: {  	s29 =	smul.u32 $0x4E20, s10;
	s17 =	sadd.s32 $0xE000, s5;
	[smem:$0x7F4] =	sst s16  }
0x23: {  	s1 =	sshll.u32 s1, $0x5;
	s18 =	sadd.s32 $0xE800, s5;
	[smem:$0x7F5] =	sst s17  }
0x24: {  	s7 =	smul.u32 $0x13800, s10;
	s19 =	sadd.s32 $0xF000, s5;
	[smem:$0x7F6] =	sst s18  }
0x25: {  	s10 =	simm.s32 $0x2;
	s20 =	sadd.s32 $0xF800, s5;
	[smem:$0x7F7] =	sst s19  }
0x26: {  	s11 =	simm.s32 $0x130;
	[smem:$0x7F8] =	sst s20;
	s21 =	sadd.s32 $0x10000, s5  }
0x27: {  	s22 =	sadd.s32 $0x10800, s5;
	s23 =	sadd.s32 $0x11000, s5;
	[smem:$0x7F9] =	sst s21  }
0x28: {  	s24 =	sadd.s32 $0x11800, s5;
	s25 =	sadd.s32 $0x12000, s5;
	[smem:$0x7FA] =	sst s22  }
0x29: {  	s20 =	sadd.s32 $0x12800, s5;
	s26 =	sshrl.u32 s7, $0x3;
	[smem:$0x7FB] =	sst s23  }
0x2a: {  	s17 =	sor.u32 $0x240, s1;
	s1 =	simm.s32 $0x20;
	[smem:$0x7FC] =	sst s24  }
0x2b: {  	s12 =	simm.s32 $0x3;
	s13 =	simm.s32 $0x0;
	[smem:$0x7FD] =	sst s25  }
0x2c: {  	s21 =	sadd.s32 $0x13000, s5;
	s22 =	sadd.s32 $0x3CE00, s0;
	s23 =	sadd.s32 s7, s3  }
0x2d: {  	v0 =	vimm.f32 $0.0e+00;
	s24 =	smax.u32 s4, $0x1;
	s0 =	simm.s32 $0x10;
	s4 =	simm.s32 $0x230  }
0x2e: {  	v1 =	vimm.s32 $0x1;
	v2 =	vimm.s32 $0x0;
	vm0 =	vmmov $0x1;
	s5 =	simm.s32 $0x1;
	s7 =	simm.s32 $0x30;
	s26 =	sadd.s32 s26, s22  }
.LBB2_1:
0x2f: {  	s14 =	sshrl.u32 @!p0 s2, $0x3;
	s15 =	simm.s32 @!p0 $0x1C04;
	s16 =	rddreg [dreg:$0x1]  }
0x30: {  	[spmem:s14], [sflag:s15] =	dma.local @!p0 [hbm:s16], $0x4E20  }
0x31: {  	s14 =	simm.s32 @!p0 $0x4  }
0x32: {  	_ =	swait.ge @!p0 [sflag:s14], $0x4E20  }
0x33: {  	[sflag:s14] =	ssyncset.done @!p0 $0x0  }
0x34: {  	s19 =	simm.s32 $0x0;
	s25 =	rddreg [dreg:$0x5];
	[sflag:s14] =	ssyncadd.s32 @!p0 $0xFFFFB1E0  }
0x35: {  	[tilespmem:s19], [sflag:$0x4] =	stream.linear.gather [hbm4b:s25+s19], $0x10, $0x38;
	[tilespmem:$0x171C0] =	vst v63  }
0x36: {  	_ =	swait.ge [sflag:s30], $0x10  }
0x37: {  	[sflag:s30] =	ssyncset.done $0x0  }
0x38: {  	s15 =	simm.s32 $0x200;
	s14 =	simm.s32 $0x0;
	[sflag:s30] =	ssyncadd.s32 $0xFFFFFFF0  }
.LBB2_2:
0x39: {  	p2 =	sne.s32 s15, $0x1E00;
	[tilespmem:s14+$0xAA0] =	vst v0  }
0x3a: {  	[tilespmem:s14+$0xA30] =	vst v0  }
0x3b: {  	[tilespmem:s14+$0xA40] =	vst v0  }
.Ltmp0:
0x3c: {  	[tilespmem:s14+$0xA50] =	vst v0;
	(pc) =	sbr.rel @p2 .LBB2_2-.Ltmp0, $4  }
0x3d: {  	[tilespmem:s14+$0xA60] =	vst v0  }
0x3e: {  	[tilespmem:s14+$0xA70] =	vst v0  }
0x3f: {  	[tilespmem:s14+$0xA80] =	vst v0  }
0x40: {  	[tilespmem:s14+$0xA90] =	vst v0;
	s14 =	sshra.s32 s15, $0x2;
	s15 =	sadd.s32 $0x200, s15  }
0x41: {  	[tilespmem:s14+$0xAA0] =	vst v0  }
0x42: {  	[tilespmem:s14+$0xA30] =	vst v0  }
0x43: {  	[tilespmem:s14+$0xA40] =	vst v0  }
0x44: {  	[tilespmem:s14+$0xA50] =	vst v0  }
0x45: {  	[tilespmem:s14+$0xA60] =	vst v0  }
0x46: {  	[tilespmem:s14+$0xA70] =	vst v0  }
0x47: {  	[tilespmem:s14+$0xA80] =	vst v0  }
0x48: {  	[tilespmem:s14+$0xA90] =	vst v0  }
0x49: {  	[spmem:s23] =	stream.linear.scatter [tilespmem:s31], [sflag:$0x4], $0x800, $0x38;
	[tilespmem:$0x171C0] =	vst v63  }
0x4a: {  	_ =	swait.ge [sflag:s30], $0x800  }
0x4b: {  	[sflag:s30] =	ssyncset.done $0x0  }
0x4c: {  	s25 =	rddreg [dreg:$0x6];
	[sflag:s30] =	ssyncadd.s32 $0xFFFFF800  }
0x4d: {  	[spmem:s25] =	stream.linear.scatter [tilespmem:s31], [sflag:$0x4], $0x800, $0x38;
	[tilespmem:$0x171C0] =	vst v63  }
0x4e: {  	_ =	swait.ge [sflag:s30], $0x800  }
0x4f: {  	[sflag:s30] =	ssyncset.done $0x0  }
0x50: {  	s15 =	rddreg [dreg:$0x7];
	[sflag:s30] =	ssyncadd.s32 $0xFFFFF800  }
0x51: {  	[spmem:s15] =	stream.linear.scatter [tilespmem:s31], [sflag:$0x4], $0x800, $0x38;
	[tilespmem:$0x171C0] =	vst v63  }
0x52: {  	_ =	swait.ge [sflag:s30], $0x800  }
0x53: {  	[sflag:s30] =	ssyncset.done $0x0  }
0x54: {  	s16 =	rddreg [dreg:$0x8];
	[sflag:s30] =	ssyncadd.s32 $0xFFFFF800  }
0x55: {  	[spmem:s16] =	stream.linear.scatter [tilespmem:s31], [sflag:$0x4], $0x800, $0x38;
	[tilespmem:$0x171C0] =	vst v63  }
0x56: {  	_ =	swait.ge [sflag:s30], $0x800  }
0x57: {  	[sflag:s30] =	ssyncset.done $0x0  }
0x58: {  	s18 =	rddreg [dreg:$0x9];
	[sflag:s30] =	ssyncadd.s32 $0xFFFFF800  }
0x59: {  	[spmem:s18] =	stream.linear.scatter [tilespmem:s31], [sflag:$0x4], $0x800, $0x38;
	[tilespmem:$0x171C0] =	vst v63  }
0x5a: {  	_ =	swait.ge [sflag:s30], $0x800  }
0x5b: {  	[sflag:s30] =	ssyncset.done $0x0  }
0x5c: {  	s19 =	rddreg [dreg:$0xa];
	[sflag:s30] =	ssyncadd.s32 $0xFFFFF800  }
0x5d: {  	[spmem:s19] =	stream.linear.scatter [tilespmem:s31], [sflag:$0x4], $0x800, $0x38;
	[tilespmem:$0x171C0] =	vst v63  }
0x5e: {  	_ =	swait.ge [sflag:s30], $0x800  }
0x5f: {  	[sflag:s30] =	ssyncset.done $0x0  }
0x60: {  	s25 =	rddreg [dreg:$0xb];
	[sflag:s30] =	ssyncadd.s32 $0xFFFFF800  }
0x61: {  	[spmem:s25] =	stream.linear.scatter [tilespmem:s31], [sflag:$0x4], $0x800, $0x38;
	[tilespmem:$0x171C0] =	vst v63  }
0x62: {  	_ =	swait.ge [sflag:s30], $0x800  }
0x63: {  	[sflag:s30] =	ssyncset.done $0x0  }
0x64: {  	s15 =	rddreg [dreg:$0xc];
	[sflag:s30] =	ssyncadd.s32 $0xFFFFF800  }
0x65: {  	[spmem:s15] =	stream.linear.scatter [tilespmem:s31], [sflag:$0x4], $0x800, $0x38;
	[tilespmem:$0x171C0] =	vst v63  }
0x66: {  	_ =	swait.ge [sflag:s30], $0x800  }
0x67: {  	[sflag:s30] =	ssyncset.done $0x0  }
0x68: {  	s16 =	rddreg [dreg:$0xd];
	[sflag:s30] =	ssyncadd.s32 $0xFFFFF800  }
0x69: {  	[spmem:s16] =	stream.linear.scatter [tilespmem:s31], [sflag:$0x4], $0x800, $0x38;
	[tilespmem:$0x171C0] =	vst v63  }
0x6a: {  	_ =	swait.ge [sflag:s30], $0x800  }
0x6b: {  	[sflag:s30] =	ssyncset.done $0x0  }
0x6c: {  	s18 =	rddreg [dreg:$0xe];
	[sflag:s30] =	ssyncadd.s32 $0xFFFFF800  }
0x6d: {  	[spmem:s18] =	stream.linear.scatter [tilespmem:s31], [sflag:$0x4], $0x800, $0x38;
	[tilespmem:$0x171C0] =	vst v63  }
0x6e: {  	_ =	swait.ge [sflag:s30], $0x800  }
0x6f: {  	[sflag:s30] =	ssyncset.done $0x0  }
0x70: {  	s19 =	rddreg [dreg:$0xf];
	[sflag:s30] =	ssyncadd.s32 $0xFFFFF800  }
0x71: {  	[spmem:s19] =	stream.linear.scatter [tilespmem:s31], [sflag:$0x4], $0x800, $0x38;
	[tilespmem:$0x171C0] =	vst v63  }
0x72: {  	_ =	swait.ge [sflag:s30], $0x800  }
0x73: {  	[sflag:s30] =	ssyncset.done $0x0  }
0x74: {  	s25 =	rddreg [dreg:$0x10];
	[sflag:s30] =	ssyncadd.s32 $0xFFFFF800  }
0x75: {  	[spmem:s25] =	stream.linear.scatter [tilespmem:s31], [sflag:$0x4], $0x800, $0x38;
	[tilespmem:$0x171C0] =	vst v63  }
0x76: {  	_ =	swait.ge [sflag:s30], $0x800  }
0x77: {  	[sflag:s30] =	ssyncset.done $0x0  }
0x78: {  	s15 =	rddreg [dreg:$0x11];
	[sflag:s30] =	ssyncadd.s32 $0xFFFFF800  }
0x79: {  	[spmem:s15] =	stream.linear.scatter [tilespmem:s31], [sflag:$0x4], $0x800, $0x38;
	[tilespmem:$0x171C0] =	vst v63  }
0x7a: {  	_ =	swait.ge [sflag:s30], $0x800  }
0x7b: {  	[sflag:s30] =	ssyncset.done $0x0  }
0x7c: {  	s16 =	rddreg [dreg:$0x12];
	[sflag:s30] =	ssyncadd.s32 $0xFFFFF800  }
0x7d: {  	[spmem:s16] =	stream.linear.scatter [tilespmem:s31], [sflag:$0x4], $0x800, $0x38;
	[tilespmem:$0x171C0] =	vst v63  }
0x7e: {  	_ =	swait.ge [sflag:s30], $0x800  }
0x7f: {  	[sflag:s30] =	ssyncset.done $0x0  }
0x80: {  	s18 =	rddreg [dreg:$0x13];
	[sflag:s30] =	ssyncadd.s32 $0xFFFFF800  }
0x81: {  	[spmem:s18] =	stream.linear.scatter [tilespmem:s31], [sflag:$0x4], $0x800, $0x38;
	[tilespmem:$0x171C0] =	vst v63  }
0x82: {  	_ =	swait.ge [sflag:s30], $0x800  }
0x83: {  	[sflag:s30] =	ssyncset.done $0x0  }
0x84: {  	s19 =	rddreg [dreg:$0x14];
	[sflag:s30] =	ssyncadd.s32 $0xFFFFF800  }
0x85: {  	[spmem:s19] =	stream.linear.scatter [tilespmem:s31], [sflag:$0x4], $0x800, $0x38;
	[tilespmem:$0x171C0] =	vst v63  }
0x86: {  	_ =	swait.ge [sflag:s30], $0x800  }
0x87: {  	[sflag:s30] =	ssyncset.done $0x0  }
0x88: {  	s25 =	rddreg [dreg:$0x15];
	[sflag:s30] =	ssyncadd.s32 $0xFFFFF800  }
0x89: {  	[spmem:s25] =	stream.linear.scatter [tilespmem:s31], [sflag:$0x4], $0x800, $0x38;
	[tilespmem:$0x171C0] =	vst v63  }
0x8a: {  	_ =	swait.ge [sflag:s30], $0x800  }
0x8b: {  	[sflag:s30] =	ssyncset.done $0x0  }
0x8c: {  	s15 =	rddreg [dreg:$0x16];
	[sflag:s30] =	ssyncadd.s32 $0xFFFFF800  }
0x8d: {  	[spmem:s15] =	stream.linear.scatter [tilespmem:s31], [sflag:$0x4], $0x800, $0x38;
	[tilespmem:$0x171C0] =	vst v63  }
0x8e: {  	_ =	swait.ge [sflag:s30], $0x800  }
0x8f: {  	[sflag:s30] =	ssyncset.done $0x0  }
0x90: {  	s16 =	rddreg [dreg:$0x17];
	[sflag:s30] =	ssyncadd.s32 $0xFFFFF800  }
0x91: {  	[spmem:s16] =	stream.linear.scatter [tilespmem:s31], [sflag:$0x4], $0x800, $0x38;
	[tilespmem:$0x171C0] =	vst v63  }
0x92: {  	_ =	swait.ge [sflag:s30], $0x800  }
0x93: {  	[sflag:s30] =	ssyncset.done $0x0  }
0x94: {  	s18 =	rddreg [dreg:$0x18];
	[sflag:s30] =	ssyncadd.s32 $0xFFFFF800  }
0x95: {  	[spmem:s18] =	stream.linear.scatter [tilespmem:s31], [sflag:$0x4], $0x800, $0x38;
	[tilespmem:$0x171C0] =	vst v63  }
0x96: {  	_ =	swait.ge [sflag:s30], $0x800  }
0x97: {  	[sflag:s30] =	ssyncset.done $0x0  }
0x98: {  	s19 =	rddreg [dreg:$0x19];
	[sflag:s30] =	ssyncadd.s32 $0xFFFFF800  }
0x99: {  	[spmem:s19] =	stream.linear.scatter [tilespmem:s31], [sflag:$0x4], $0x800, $0x38;
	[tilespmem:$0x171C0] =	vst v63  }
0x9a: {  	_ =	swait.ge [sflag:s30], $0x800  }
0x9b: {  	[sflag:s30] =	ssyncset.done $0x0  }
0x9c: {  	s25 =	rddreg [dreg:$0x1a];
	[sflag:s30] =	ssyncadd.s32 $0xFFFFF800  }
0x9d: {  	[spmem:s25] =	stream.linear.scatter [tilespmem:s31], [sflag:$0x4], $0x800, $0x38;
	[tilespmem:$0x171C0] =	vst v63  }
0x9e: {  	_ =	swait.ge [sflag:s30], $0x800  }
0x9f: {  	[sflag:s30] =	ssyncset.done $0x0  }
0xa0: {  	s15 =	rddreg [dreg:$0x1b];
	[sflag:s30] =	ssyncadd.s32 $0xFFFFF800  }
0xa1: {  	[spmem:s15] =	stream.linear.scatter [tilespmem:s31], [sflag:$0x4], $0x800, $0x38;
	[tilespmem:$0x171C0] =	vst v63  }
0xa2: {  	_ =	swait.ge [sflag:s30], $0x800  }
0xa3: {  	[sflag:s30] =	ssyncset.done $0x0  }
0xa4: {  	s16 =	rddreg [dreg:$0x1c];
	[sflag:s30] =	ssyncadd.s32 $0xFFFFF800  }
0xa5: {  	[spmem:s16] =	stream.linear.scatter [tilespmem:s31], [sflag:$0x4], $0x800, $0x38;
	[tilespmem:$0x171C0] =	vst v63  }
0xa6: {  	_ =	swait.ge [sflag:s30], $0x800  }
0xa7: {  	[sflag:s30] =	ssyncset.done $0x0  }
0xa8: {  	s18 =	rddreg [dreg:$0x1d];
	[sflag:s30] =	ssyncadd.s32 $0xFFFFF800  }
0xa9: {  	[spmem:s18] =	stream.linear.scatter [tilespmem:s31], [sflag:$0x4], $0x800, $0x38;
	[tilespmem:$0x171C0] =	vst v63  }
0xaa: {  	_ =	swait.ge [sflag:s30], $0x800  }
0xab: {  	[sflag:s30] =	ssyncset.done $0x0  }
0xac: {  	s19 =	rddreg [dreg:$0x1e];
	[sflag:s30] =	ssyncadd.s32 $0xFFFFF800  }
0xad: {  	[spmem:s19] =	stream.linear.scatter [tilespmem:s31], [sflag:$0x4], $0x800, $0x38;
	[tilespmem:$0x171C0] =	vst v63  }
0xae: {  	_ =	swait.ge [sflag:s30], $0x800  }
0xaf: {  	[sflag:s30] =	ssyncset.done $0x0  }
0xb0: {  	s25 =	rddreg [dreg:$0x1f];
	[sflag:s30] =	ssyncadd.s32 $0xFFFFF800  }
0xb1: {  	[spmem:s25] =	stream.linear.scatter [tilespmem:s31], [sflag:$0x4], $0x800, $0x38;
	[tilespmem:$0x171C0] =	vst v63  }
0xb2: {  	_ =	swait.ge [sflag:s30], $0x800  }
0xb3: {  	s15 =	sld [smem:$0x7F4]  }
0xb4: {  	[sflag:s30] =	ssyncset.done $0x0  }
0xb5: {  	[sflag:s30] =	ssyncadd.s32 $0xFFFFF800  }
0xb6: {  	[spmem:s15] =	stream.linear.scatter [tilespmem:s31], [sflag:$0x4], $0x800, $0x38;
	[tilespmem:$0x171C0] =	vst v63  }
0xb7: {  	_ =	swait.ge [sflag:s30], $0x800  }
0xb8: {  	s16 =	sld [smem:$0x7F5]  }
0xb9: {  	[sflag:s30] =	ssyncset.done $0x0  }
0xba: {  	[sflag:s30] =	ssyncadd.s32 $0xFFFFF800  }
0xbb: {  	[spmem:s16] =	stream.linear.scatter [tilespmem:s31], [sflag:$0x4], $0x800, $0x38;
	[tilespmem:$0x171C0] =	vst v63  }
0xbc: {  	_ =	swait.ge [sflag:s30], $0x800  }
0xbd: {  	s18 =	sld [smem:$0x7F6]  }
0xbe: {  	[sflag:s30] =	ssyncset.done $0x0  }
0xbf: {  	[sflag:s30] =	ssyncadd.s32 $0xFFFFF800  }
0xc0: {  	[spmem:s18] =	stream.linear.scatter [tilespmem:s31], [sflag:$0x4], $0x800, $0x38;
	[tilespmem:$0x171C0] =	vst v63  }
0xc1: {  	_ =	swait.ge [sflag:s30], $0x800  }
0xc2: {  	s19 =	sld [smem:$0x7F7]  }
0xc3: {  	[sflag:s30] =	ssyncset.done $0x0  }
0xc4: {  	[sflag:s30] =	ssyncadd.s32 $0xFFFFF800  }
0xc5: {  	[spmem:s19] =	stream.linear.scatter [tilespmem:s31], [sflag:$0x4], $0x800, $0x38;
	[tilespmem:$0x171C0] =	vst v63  }
0xc6: {  	_ =	swait.ge [sflag:s30], $0x800  }
0xc7: {  	s25 =	sld [smem:$0x7F8]  }
0xc8: {  	[sflag:s30] =	ssyncset.done $0x0  }
0xc9: {  	[sflag:s30] =	ssyncadd.s32 $0xFFFFF800  }
0xca: {  	[spmem:s25] =	stream.linear.scatter [tilespmem:s31], [sflag:$0x4], $0x800, $0x38;
	[tilespmem:$0x171C0] =	vst v63  }
0xcb: {  	_ =	swait.ge [sflag:s30], $0x800  }
0xcc: {  	s15 =	sld [smem:$0x7F9]  }
0xcd: {  	[sflag:s30] =	ssyncset.done $0x0  }
0xce: {  	[sflag:s30] =	ssyncadd.s32 $0xFFFFF800  }
0xcf: {  	[spmem:s15] =	stream.linear.scatter [tilespmem:s31], [sflag:$0x4], $0x800, $0x38;
	[tilespmem:$0x171C0] =	vst v63  }
0xd0: {  	_ =	swait.ge [sflag:s30], $0x800  }
0xd1: {  	s16 =	sld [smem:$0x7FA]  }
0xd2: {  	[sflag:s30] =	ssyncset.done $0x0  }
0xd3: {  	[sflag:s30] =	ssyncadd.s32 $0xFFFFF800  }
0xd4: {  	[spmem:s16] =	stream.linear.scatter [tilespmem:s31], [sflag:$0x4], $0x800, $0x38;
	[tilespmem:$0x171C0] =	vst v63  }
0xd5: {  	_ =	swait.ge [sflag:s30], $0x800  }
0xd6: {  	s18 =	sld [smem:$0x7FB]  }
0xd7: {  	[sflag:s30] =	ssyncset.done $0x0  }
0xd8: {  	[sflag:s30] =	ssyncadd.s32 $0xFFFFF800  }
0xd9: {  	[spmem:s18] =	stream.linear.scatter [tilespmem:s31], [sflag:$0x4], $0x800, $0x38;
	[tilespmem:$0x171C0] =	vst v63  }
0xda: {  	_ =	swait.ge [sflag:s30], $0x800  }
0xdb: {  	s19 =	sld [smem:$0x7FC]  }
0xdc: {  	[sflag:s30] =	ssyncset.done $0x0  }
0xdd: {  	[sflag:s30] =	ssyncadd.s32 $0xFFFFF800  }
0xde: {  	[spmem:s19] =	stream.linear.scatter [tilespmem:s31], [sflag:$0x4], $0x800, $0x38;
	[tilespmem:$0x171C0] =	vst v63  }
0xdf: {  	_ =	swait.ge [sflag:s30], $0x800  }
0xe0: {  	s25 =	sld [smem:$0x7FD]  }
0xe1: {  	[sflag:s30] =	ssyncset.done $0x0  }
0xe2: {  	[sflag:s30] =	ssyncadd.s32 $0xFFFFF800  }
0xe3: {  	[spmem:s25] =	stream.linear.scatter [tilespmem:s31], [sflag:$0x4], $0x800, $0x38;
	[tilespmem:$0x171C0] =	vst v63  }
0xe4: {  	_ =	swait.ge [sflag:s30], $0x800  }
0xe5: {  	[sflag:s30] =	ssyncset.done $0x0  }
0xe6: {  	[sflag:s30] =	ssyncadd.s32 $0xFFFFF800  }
0xe7: {  	[spmem:s20] =	stream.linear.scatter [tilespmem:s31], [sflag:$0x4], $0x800, $0x38;
	[tilespmem:$0x171C0] =	vst v63  }
0xe8: {  	_ =	swait.ge [sflag:s30], $0x800  }
0xe9: {  	[sflag:s30] =	ssyncset.done $0x0  }
0xea: {  	[sflag:s30] =	ssyncadd.s32 $0xFFFFF800  }
0xeb: {  	[spmem:s21] =	stream.linear.scatter [tilespmem:s31], [sflag:$0x4], $0x800, $0x38;
	[tilespmem:$0x171C0] =	vst v63  }
0xec: {  	_ =	swait.ge [sflag:s30], $0x800  }
0xed: {  	[sflag:s30] =	ssyncset.done $0x0  }
0xee: {  	s14 =	simm.s32 @!p1 $0xA30;
	[sflag:s30] =	ssyncadd.s32 $0xFFFFF800  }
0xef: {  	[spmem:s28] =	stream.linear.scatter @!p1 [tilespmem:s14], [sflag:$0x4], $0x800, $0x38;
	[tilespmem:$0x171C0] =	vst v63  }
0xf0: {  	s14 =	simm.s32 @!p1 $0x4  }
0xf1: {  	_ =	swait.ge @!p1 [sflag:s14], $0x800  }
0xf2: {  	[sflag:s14] =	ssyncset.done @!p1 $0x0  }
0xf3: {  	[sflag:s14] =	ssyncadd.s32 @!p1 $0xFFFFF800  }
0xf4: {  	[bflag:$0x0] =	sbarrier.arrive $0xFFFF  }
0xf5: {  	s15 =	simm.s32 $0x0;
	s14 =	simm.s32 $0x0;
	v3 =	vld [tilespmem:$0x0]  }
.LBB2_4:
0xf6: {  	s16 =	sshll.u32 s15, $0x4  }
0xf7: {  	s16 =	sadd.s32 s29, s16  }
0xf8: {  	s16 =	sshrl.u32 s16, $0x3  }
0xf9: {  	s18 =	sadd.s32 s8, s16  }
0xfa: {  	[tilespmem:s0], [sflag:$0x4] =	stream.linear.gather [hbm4b:s18+s14], $0x10, $0x38;
	[tilespmem:$0x171C0] =	vst v63  }
0xfb: {  	_ =	swait.ge [sflag:s30], $0x10  }
0xfc: {  	[sflag:s30] =	ssyncset.done $0x0  }
0xfd: {  	s16 =	sadd.s32 s9, s16;
	[sflag:s30] =	ssyncadd.s32 $0xFFFFFFF0  }
0xfe: {  	[tilespmem:s1], [sflag:$0x4] =	stream.linear.gather [hbm4b:s16+s14], $0x10, $0x38;
	[tilespmem:$0x171C0] =	vst v63  }
0xff: {  	_ =	swait.ge [sflag:s30], $0x10  }
0x100: {  	[sflag:s30] =	ssyncset.done $0x0  }
0x101: {  	[sflag:s30] =	ssyncadd.s32 $0xFFFFFFF0  }
0x102: {  	[tilespmem:s4], [sflag:$0x1] =	stream.indirect.gather [hbm4b:s6+s0], $0x80, s0, s0, $0xb8;
	[tilespmem:$0x171C0] =	vst v63  }
0x103: {  	_ =	swait.ge [sflag:s5], $0x800  }
0x104: {  	[sflag:s5] =	ssyncset.done $0x0  }
0x105: {  	[sflag:s5] =	ssyncadd.s32 $0xFFFFF800  }
0x106: {  	[tilespmem:s7], [sflag:$0x2] =	stream.indirect.gather [spmem:s2], $0x10, s0, s0, $0xb8;
	[tilespmem:$0x171C0] =	vst v63  }
0x107: {  	_ =	swait.ge [sflag:s10], $0x100  }
0x108: {  	[sflag:s10] =	ssyncset.done $0x0  }
0x109: {  	[sflag:s10] =	ssyncadd.s32 $0xFFFFFF00  }
0x10a: {  	[tilespmem:s11], [sflag:$0x3] =	stream.indirect.gather [spmem:s2], $0x10, s1, s0, $0xb8;
	[tilespmem:$0x171C0] =	vst v63  }
0x10b: {  	_ =	swait.ge [sflag:s12], $0x100  }
0x10c: {  	[sflag:s12] =	ssyncset.done $0x0  }
0x10d: {  	s25 =	simm.s32 $0x0;
	[sflag:s12] =	ssyncadd.s32 $0xFFFFFF00  }
0x10e: {  	v4 =	vld [tilespmem:s25+$0x130];
	_ =	sdelay $0x1  }
0x10f: {  	v5 =	vld [tilespmem:s25+$0x30];
	_ =	sdelay $0x2  }
0x110: {  	v4 =	vperm.xlane v4, v1;
	_ =	sdelay $0x1  }
0x111: {  	v4 =	vadd.f32 v4, v5;
	_ =	sdelay $0x1  }
0x112: {  	v5 =	vmul.f32 $2.000000030e-01, v4;
	_ =	sdelay $0x1  }
0x113: {  	v4 =	vmax.f32 v4, v5  }
0x114: {  	v4 =	vsub.f32 v4, v3;
	_ =	sdelay $0x1  }
0x115: {  	v4 =	vmul.f32 $1.442695020e+00, v4;
	_ =	sdelay $0x1  }
0x116: {  	(erf) = vpow2.f32 v4;
	_ =	sdelay $0x8  }
0x117: {  	v4 =	vpop (erf)  }
0x118: {  	v4 =	vperm.xlane v4, v2;
	_ =	sdelay $0x1  }
0x119: {  	s16 =	simm.s32 $0xA50;
	v5 =	vnsel vm0, $0x0, v4  }
0x11a: {  	[tilespmem:s16+$0x0] =	vst v5  }
0x11b: {  	v5 =	vld [tilespmem:s17+$0xFFFFFFF0];
	_ =	sdelay $0x4  }
0x11c: {  	v5 =	vmul.f32 v5, v4;
	_ =	sdelay $0x1  }
0x11d: {  	[tilespmem:s16+$0xFFFFFFE0] =	vst v5  }
0x11e: {  	v5 =	vld [tilespmem:s17+$0x0];
	_ =	sdelay $0x4  }
0x11f: {  	v4 =	vmul.f32 v5, v4;
	_ =	sdelay $0x1  }
0x120: {  	s19 =	simm.s32 $0x10;
	s18 =	simm.s32 $0x80;
	s25 =	smov.u32 s17;
	[tilespmem:s16+$0xFFFFFFF0] =	vst v4  }
.LBB2_5:
0x121: {  	p2 =	sne.s32 s18, $0x3C0;
	v4 =	vld [tilespmem:s19+$0x130]  }
0x122: {  	v5 =	vld [tilespmem:s19+$0x30];
	_ =	sdelay $0x3  }
0x123: {  	v4 =	vperm.xlane v4, v1;
	_ =	sdelay $0x1  }
0x124: {  	v4 =	vadd.f32 v4, v5;
	_ =	sdelay $0x1  }
0x125: {  	v5 =	vmul.f32 $2.000000030e-01, v4;
	_ =	sdelay $0x1  }
0x126: {  	v4 =	vmax.f32 v4, v5  }
0x127: {  	v4 =	vsub.f32 v4, v3;
	_ =	sdelay $0x1  }
0x128: {  	v4 =	vmul.f32 $1.442695020e+00, v4;
	_ =	sdelay $0x1  }
0x129: {  	(erf) = vpow2.f32 v4;
	_ =	sdelay $0x8  }
0x12a: {  	v4 =	vpop (erf)  }
0x12b: {  	v4 =	vperm.xlane v4, v2;
	_ =	sdelay $0x1  }
0x12c: {  	s16 =	sadd.s32 $0x80, s16;
	v5 =	vnsel vm0, $0x0, v4  }
0x12d: {  	s25 =	sadd.s32 $0x80, s25;
	[tilespmem:s16+$0x0] =	vst v5  }
0x12e: {  	v5 =	vld [tilespmem:s25+$0xFFFFFFF0];
	_ =	sdelay $0x4  }
0x12f: {  	v5 =	vmul.f32 v5, v4;
	_ =	sdelay $0x1  }
0x130: {  	[tilespmem:s16+$0xFFFFFFE0] =	vst v5  }
0x131: {  	v5 =	vld [tilespmem:s25+$0x0];
	_ =	sdelay $0x2  }
.Ltmp1:
0x132: {  	(pc) =	sbr.rel @p2 .LBB2_5-.Ltmp1, $3  }
0x133: {  	_ = 	snop  }
0x134: {  	v4 =	vmul.f32 v5, v4;
	_ =	sdelay $0x1  }
0x135: {  	s19 =	sshra.s32 s18, $0x2;
	s18 =	sadd.s32 $0x40, s18;
	[tilespmem:s16+$0xFFFFFFF0] =	vst v4  }
0x136: {  	v4 =	vld [tilespmem:s19+$0x130];
	_ =	sdelay $0x1  }
0x137: {  	v5 =	vld [tilespmem:s19+$0x30];
	_ =	sdelay $0x2  }
0x138: {  	v4 =	vperm.xlane v4, v1;
	_ =	sdelay $0x1  }
0x139: {  	v4 =	vadd.f32 v4, v5;
	_ =	sdelay $0x1  }
0x13a: {  	v5 =	vmul.f32 $2.000000030e-01, v4;
	_ =	sdelay $0x1  }
0x13b: {  	v4 =	vmax.f32 v4, v5  }
0x13c: {  	v4 =	vsub.f32 v4, v3;
	_ =	sdelay $0x1  }
0x13d: {  	v4 =	vmul.f32 $1.442695020e+00, v4;
	_ =	sdelay $0x1  }
0x13e: {  	(erf) = vpow2.f32 v4;
	_ =	sdelay $0x8  }
0x13f: {  	v4 =	vpop (erf)  }
0x140: {  	v4 =	vperm.xlane v4, v2;
	_ =	sdelay $0x1  }
0x141: {  	s16 =	sadd.s32 $0x80, s16;
	v5 =	vnsel vm0, $0x0, v4  }
0x142: {  	s18 =	sadd.s32 $0x80, s25;
	[tilespmem:s16+$0x0] =	vst v5  }
0x143: {  	v5 =	vld [tilespmem:s18+$0xFFFFFFF0];
	_ =	sdelay $0x4  }
0x144: {  	v5 =	vmul.f32 v5, v4;
	_ =	sdelay $0x1  }
0x145: {  	[tilespmem:s16+$0xFFFFFFE0] =	vst v5  }
0x146: {  	v5 =	vld [tilespmem:s18+$0x0];
	_ =	sdelay $0x4  }
0x147: {  	s15 =	sadd.s32 $0x1, s15;
	v4 =	vmul.f32 v5, v4  }
0x148: {  	p2 =	sne.s32 s15, $0x4E2  }
.Ltmp2:
0x149: {  	[tilespmem:s16+$0xFFFFFFF0] =	vst v4;
	(pc) =	sbr.rel @p2 .LBB2_4-.Ltmp2, $4  }
0x14a: {  	[spmem:s3] =	stream.indirect.scatter.add.f32 [tilespmem:s31], [sflag:$0x4], $0x80, s1, s0, $0xb8;
	[tilespmem:$0x171C0] =	vst v63  }
0x14b: {  	_ =	swait.ge [sflag:s30], $0x800  }
0x14c: {  	[sflag:s30] =	ssyncset.done $0x0  }
0x14d: {  	[sflag:s30] =	ssyncadd.s32 $0xFFFFF800  }
0x14e: {  	s14 =	stileid.u32  }
0x14f: {  	s14 =	sshll.u32 s14, $0x6  }
0x150: {  	[bflag:$0x0] =	sbarrier.arrive $0xFFFF;
	s15 =	sshrl.u32 s23, $0x3;
	s14 =	sor.u32 $0x1C04, s14  }
0x151: {  	[hbm:s26], [sflag:s14] =	dma.local [spmem:s15], $0x2700  }
0x152: {  	_ =	swait.ge [sflag:s30], $0x2700  }
0x153: {  	s16 =	sshrl.u32 @!p1 s28, $0x3;
	s13 =	sadd.s32 $0x1, s13;
	[sflag:s30] =	ssyncset.done $0x0  }
0x154: {  	p2 =	sne.s32 s13, s24;
	s15 =	sadd.s32 @!p1 $0x27000, s22;
	[sflag:s30] =	ssyncadd.s32 $0xFFFFD900  }
0x155: {  	[hbm:s15], [sflag:s14] =	dma.local @!p1 [spmem:s16], $0x100  }
.Ltmp3:
0x156: {  	_ = 	snop;
	(pc) =	sbr.rel @p2 .LBB2_1-.Ltmp3, $4  }
0x157: {  	s14 =	simm.s32 @!p1 $0x4  }
0x158: {  	_ =	swait.ge @!p1 [sflag:s14], $0x100  }
0x159: {  	[sflag:s14] =	ssyncset.done @!p1 $0x0  }
0x15a: {  	[sflag:s14] =	ssyncadd.s32 @!p1 $0xFFFFFF00  }
0x15b: {  	_ =	sfence.sel $0x180000  }
0x15c: {  	[bflag:$0x0] =	sbarrier.arrive $0xFFFF  }
0x15d: {  	_ =	strace $0x9000004A  }
0x15e: {  	[bflag:$0x2] =	sbarrier.arrive $0xFFFF  }
0x15f: {  	s0 =	rddreg [dreg:$0x4]  }
0x160: {  	s0 =	sadd.s32 @!p0 $0x100000, s0  }
0x161: {  	[sflag:s0] =	ssyncadd.tile.s32 @!p0 $0x1;
	_ =	shalt  }
.Lfunc_end2:
_tile_overlayer_lowered:
.L_overlay_start_2:
0x162: {  	(tag) =	ssettag $0x2  }
0x163: {  	s0 =	rddreg [dreg:$0x0];
	s2 =	stileid.u32  }
0x164: {  	s1 =	rddreg [dreg:$0x1];
	p0 =	sne.s32 s2, $0x0  }
0x165: {  	s3 =	rddreg [dreg:$0x2];
	[bflag:$0x3] =	sbarrier.arrive $0xFFFF;
	s2 =	simm.s32 @!p0 $0x1C04  }
0x166: {  	[timem:s3], [sflag:s2] =	dma.local @!p0 [hbm:s0], s1  }
0x167: {  	s0 =	simm.s32 @!p0 $0x4  }
0x168: {  	_ =	swait.ge @!p0 [sflag:s0], s1  }
0x169: {  	s1 =	ssub.s32 @!p0 $0x0, s1;
	[sflag:s0] =	ssyncset.done @!p0 $0x0  }
0x16a: {  	[sflag:s0] =	ssyncadd.s32 @!p0 s1  }
0x16b: {  	[bflag:$0x3] =	sbarrier.arrive $0xFFFF  }
0x16c: {  	_ =	shalt  }

// kernel: kernel.7.cloned.1.call-start
scs
__scs_entry_jumppad:
0x0: {  	(pc) =	sbr.rel $0x88, $3  }
0x1: {  	(tag) =	ssettag $0x0;
	lr =	simm.s32 $0x1  }
0x2: {  	[smem:$0x3F97] =	sst lr;
	_ =	strace $0xD0000000  }
0x3: {  	_ = 	snop  }
0x4: {  	_ = 	snop  }
0x5: {  	_ = 	snop  }
0x6: {  	_ = 	snop  }
0x7: {  	_ = 	snop  }
__scs_overlays_trampoline_lowered:
0x8: {  	[smem:$0x3FA6] =	sst s0  }
0x9: {  	[smem:$0x3FA7] =	sst s1  }
0xa: {  	[smem:$0x3FA8] =	sst s2  }
0xb: {  	[smem:$0x3FA9] =	sst s3  }
0xc: {  	[smem:$0x3FAA] =	sst s4  }
0xd: {  	[smem:$0x3FAB] =	sst s5  }
0xe: {  	[smem:$0x3FAC] =	sst s6  }
0xf: {  	[smem:$0x3FAD] =	sst s7  }
0x10: {  	[smem:$0x3FAE] =	sst s8  }
0x11: {  	[smem:$0x3FAF] =	sst s9;
	s0 =	simm.s32 @!p0 $0x0  }
0x12: {  	s1 =	sld [smem:$0x3F95];
	s0 =	simm.s32 @p0 $0x1  }
0x13: {  	[smem:$0x3FB0] =	sst s0;
	s0 =	simm.s32 @!p1 $0x0  }
0x14: {  	s2 =	sld [smem:$0x3F94];
	s0 =	simm.s32 @p1 $0x1  }
0x15: {  	[smem:$0x3FB1] =	sst s0;
	s0 =	simm.s32 @!p2 $0x0  }
0x16: {  	s3 =	sld [smem:$0x3FDB];
	s0 =	simm.s32 @p2 $0x1  }
0x17: {  	s4 =	simm.s32 $0x1BF5;
	[smem:$0x3FB3] =	sst s0  }
0x18: {  	s0 =	sld [smem:$0x3F96];
	_ =	swait.ge [sflag:s4], $0x0  }
0x19: {  	s7 =	sld [smem:$0x3F97]  }
0x1a: {  	s8 =	sadd.s32 $0xFFFFE003, lr  }
0x1b: {  	s9 =	sadd.s32 $0xFFFFFEF7, lr;
	s5 =	simm.s32 $0xFFFFFFFF;
	p2 =	slt.u32 s8, $0xFFFFF086  }
0x1c: {  	p1 =	slt.u32 s9, $0xF7A;
	s5 =	simm.s32 @!p2 $0x0  }
0x1d: {  	s5 =	simm.s32 @p1 $0x1;
	p0 =	seq.s32 s7, s2  }
0x1e: {  	s7 =	smul.u32 @!p0 $0xF7A, s2;
	p2 =	seq.s32 @!p0 s5, $0x0  }
0x1f: {  	s9 =	smul.u32 $0xF7A, s1;
	s8 =	simm.s32 @!p0 $0x1BF5;
	p2 =	por !p2, p0  }
0x20: {  	[sflag:s8] =	ssyncset.s32 @!p0 $0xFFFFF086;
	s6 =	sadd.s32 @!p0 s3, s7;
	s7 =	simm.s32 @!p0 $0x108  }
0x21: {  	s3 =	sadd.s32 s3, s9;
	s6 =	sadd.s32 @!p0 $0x88, s6;
	s7 =	simm.s32 @p2 $0x1082  }
0x22: {  	[simem:s7], [sflag:s8] =	dma.local @!p0 [hbm:s6], $0xF7A  }
0x23: {  	s9 =	sor.u32 $0xD0000000, s2;
	s6 =	simm.s32 $0x108;
	_ =	swait.ge @!p0 [sflag:s8], $0x0  }
0x24: {  	s3 =	sadd.s32 $0x88, s3;
	s6 =	simm.s32 @!p1 $0x1082;
	[sflag:s4] =	ssyncset.s32 $0xFFFFF086  }
0x25: {  	[simem:s6], [sflag:s4] =	dma.local [hbm:s3], $0xF7A  }
0x26: {  	[smem:$0x3F97] =	sst s1;
	(tag) =	ssettag s2;
	_ =	strace s9  }
0x27: {  	s1 =	sld [smem:$0x3FA7]  }
0x28: {  	s2 =	sld [smem:$0x3FA8]  }
0x29: {  	s4 =	sld [smem:$0x3FAA]  }
0x2a: {  	p0 =	seq.s32 s5, $0x0;
	s5 =	sld [smem:$0x3FAB]  }
0x2b: {  	s6 =	sld [smem:$0x3FAC]  }
0x2c: {  	s7 =	sld [smem:$0x3FAD]  }
0x2d: {  	s3 =	simm.s32 $0x108;
	s8 =	sld [smem:$0x3FAE]  }
0x2e: {  	s3 =	simm.s32 @!p0 $0x1082;
	s9 =	sld [smem:$0x3FAF]  }
0x2f: {  	lr =	sadd.s32 s0, s3;
	s0 =	sld [smem:$0x3FA6]  }
0x30: {  	s3 =	sld [smem:$0x3FA9]  }
0x31: {  	[smem:$0x3FB2] =	sst s10  }
0x32: {  	s10 =	sld [smem:$0x3FB0];
	_ =	sdelay $0x3  }
0x33: {  	p0 =	seq.s32 s10, $0x1;
	s10 =	sld [smem:$0x3FB2];
	_ =	sdelay $0x3  }
0x34: {  	[smem:$0x3FB2] =	sst s10  }
0x35: {  	s10 =	sld [smem:$0x3FB1];
	_ =	sdelay $0x3  }
0x36: {  	p1 =	seq.s32 s10, $0x1;
	s10 =	sld [smem:$0x3FB2];
	_ =	sdelay $0x3  }
0x37: {  	[smem:$0x3FB2] =	sst s10  }
0x38: {  	s10 =	sld [smem:$0x3FB3]  }
0x39: {  	_ = 	snop;
	(pc) =	sbr.ind lr, $3  }
0x3a: {  	_ = 	snop  }
0x3b: {  	_ = 	snop  }
0x3c: {  	p2 =	seq.s32 s10, $0x1;
	s10 =	sld [smem:$0x3FB2]  }
0x3d: {  	_ =	shalt  }
0x3e: {  	_ =	shalt  }
0x3f: {  	_ =	shalt  }
0x40: {  	_ =	shalt  }
0x41: {  	_ =	shalt  }
0x42: {  	_ =	shalt  }
0x43: {  	_ =	shalt  }
0x44: {  	_ =	shalt  }
0x45: {  	_ =	shalt  }
0x46: {  	_ =	shalt  }
0x47: {  	_ =	shalt  }
0x48: {  	_ =	shalt  }
0x49: {  	_ =	shalt  }
0x4a: {  	_ =	shalt  }
0x4b: {  	_ =	shalt  }
0x4c: {  	_ =	shalt  }
0x4d: {  	_ =	shalt  }
0x4e: {  	_ =	shalt  }
0x4f: {  	_ =	shalt  }
0x50: {  	_ =	shalt  }
0x51: {  	_ =	shalt  }
0x52: {  	_ =	shalt  }
0x53: {  	_ =	shalt  }
0x54: {  	_ =	shalt  }
0x55: {  	_ =	shalt  }
0x56: {  	_ =	shalt  }
0x57: {  	_ =	shalt  }
0x58: {  	_ =	shalt  }
0x59: {  	_ =	shalt  }
0x5a: {  	_ =	shalt  }
0x5b: {  	_ =	shalt  }
0x5c: {  	_ =	shalt  }
0x5d: {  	_ =	shalt  }
0x5e: {  	_ =	shalt  }
0x5f: {  	_ =	shalt  }
0x60: {  	_ =	shalt  }
0x61: {  	_ =	shalt  }
0x62: {  	_ =	shalt  }
0x63: {  	_ =	shalt  }
0x64: {  	_ =	shalt  }
0x65: {  	_ =	shalt  }
0x66: {  	_ =	shalt  }
0x67: {  	_ =	shalt  }
0x68: {  	_ =	shalt  }
0x69: {  	_ =	shalt  }
0x6a: {  	_ =	shalt  }
0x6b: {  	_ =	shalt  }
0x6c: {  	_ =	shalt  }
0x6d: {  	_ =	shalt  }
0x6e: {  	_ =	shalt  }
0x6f: {  	_ =	shalt  }
0x70: {  	_ =	shalt  }
0x71: {  	_ =	shalt  }
0x72: {  	_ =	shalt  }
0x73: {  	_ =	shalt  }
0x74: {  	_ =	shalt  }
0x75: {  	_ =	shalt  }
0x76: {  	_ =	shalt  }
0x77: {  	_ =	shalt  }
0x78: {  	_ =	shalt  }
0x79: {  	_ =	shalt  }
0x7a: {  	_ =	shalt  }
0x7b: {  	_ =	shalt  }
0x7c: {  	_ =	shalt  }
0x7d: {  	_ =	shalt  }
0x7e: {  	_ =	shalt  }
0x7f: {  	_ =	shalt  }
0x80: {  	_ =	shalt  }
0x81: {  	_ =	shalt  }
0x82: {  	_ =	shalt  }
0x83: {  	_ =	shalt  }
0x84: {  	_ =	shalt  }
0x85: {  	_ =	shalt  }
0x86: {  	_ =	shalt  }
0x87: {  	_ =	shalt  }
.Lfunc_end0:
.L_simem_size_0:
called_computation_lowered:
.L_overlay_start_0:
0x88: {  	s2 =	sld [smem:$0x3FD9]  }
0x89: {  	s3 =	sld [smem:$0x3FFE];
	_ =	sdelay $0x1  }
0x8a: {  	s1 =	srdreg.scid  }
0x8b: {  	s0 =	sand.u32 $0x1, s1  }
0x8c: {  	s17 =	sshll.u32 s0, $0xA;
	s2 =	sadd.s32 s3, s2  }
0x8d: {  	s2 =	sadd.s32 s2, s17  }
0x8e: {  	[smem:$0x3FBE] =	sst s2  }
0x8f: {  	_ = 	snop  }
0x90: {  	s2 =	sld [smem:$0x3FD0];
	(tm) =	ssettm $0x1  }
0x91: {  	s18 =	sld [smem:$0x3FFB];
	_ =	sdelay $0x3  }
0x92: {  	_ =	strace s18  }
0x93: {  	s3 =	sld [smem:$0x3FFC];
	_ =	sdelay $0x3  }
0x94: {  	_ =	strace s3  }
0x95: {  	s3 =	sld [smem:$0x3FFD];
	_ =	sdelay $0x3  }
0x96: {  	_ =	strace s3  }
0x97: {  	_ =	strace $0x8FFFFFFF  }
0x98: {  	s19 =	sld [smem:$0x3FDB];
	_ =	sdelay $0x1  }
0x99: {  	s4 =	simm.s32 $_scs_section_size  }
0x9a: {  	s5 =	simm.s32 $_size__tile_overlayer_lowered;
	s6 =	simm.s32 $_tile_overlayer_lowered  }
0x9b: {  	s22 =	simm.s32 $0x1BFF;
	s21 =	sshll.u32 s6, $0x1;
	s3 =	sadd.s32 s4, s19  }
0x9c: {  	s7 =	simm.s32 $0x0;
	s20 =	sshll.u32 s5, $0x1;
	s5 =	sadd.s32 s21, s3  }
0x9d: {  	[timem:s7], [sflag:s22] =	dma.local [hbm:s5], s20  }
0x9e: {  	_ =	swait.ge [sflag:s22], s20  }
0x9f: {  	s4 =	ssub.s32 $0x0, s20;
	[sflag:s22] =	ssyncset.done $0x0  }
0xa0: {  	[sflag:s22] =	ssyncadd.s32 s4;
	_ =	sdelay $0x1  }
0xa1: {  	s23 =	simm.s32 $0x1B8B  }
0xa2: {  	_ =	swait.ge [sflag:s23], $0x1  }
0xa3: {  	[sflag:s23] =	ssyncset.done $0x0  }
0xa4: {  	s25 =	simm.s32 $0x1B8E;
	s24 =	sld [smem:$0x3FFE];
	[sflag:s23] =	ssyncadd.s32 $0xFFFFFFFF  }
0xa5: {  	s26 =	simm.s32 $execute0_lowered;
	[smem:$0x3FD2] =	sst s25  }
0xa6: {  	s5 =	sshll.u32 s26, $0x1;
	_ =	strace $0x80000046;
	[dreg:$0x1] =	wrdreg $0xFFFFFFFF  }
0xa7: {  	s28 =	simm.s32 $_size_execute0_lowered;
	s3 =	sadd.s32 s3, s5;
	[dreg:$0x0] =	wrdreg $0x0  }
0xa8: {  	s5 =	sshll.u32 s28, $0x1;
	[dreg:$0x2] =	wrdreg s3  }
0xa9: {  	[dreg:$0x3] =	wrdreg s5  }
0xaa: {  	[dreg:$0x4] =	wrdreg $0xC0  }
0xab: {  	_ =	task [dreg:s7], $0x5FFFF  }
0xac: {  	[dreg:$0x1] =	wrdreg $0xFFFFFFFF  }
0xad: {  	[dreg:$0x0] =	wrdreg $0x60  }
0xae: {  	[dreg:$0x2] =	wrdreg s24  }
0xaf: {  	[dreg:$0x3] =	wrdreg s2  }
0xb0: {  	[dreg:$0x4] =	wrdreg $0x12300  }
0xb1: {  	[dreg:$0x5] =	wrdreg $0x39400  }
0xb2: {  	[dreg:$0x6] =	wrdreg $0x9  }
0xb3: {  	_ =	task.clear_ibuf [dreg:s7], $0x7FFFF;
	_ =	strace $0x90000046  }
0xb4: {  	s29 =	simm.s32 $0x9;
	_ =	strace $0x80000048  }
0xb5: {  	_ =	swait.ge [sflag:s29], $0x1  }
0xb6: {  	[sflag:s29] =	ssyncadd.s32 $0xFFFFFFFF  }
0xb7: {  	_ =	strace $0x90000048  }
0xb8: {  	_ =	sfence  }
0xb9: {  	s30 =	sld [smem:$0x0];
	_ =	sdelay $0x2  }
0xba: {  	s31 =	sshll.u32 s1, $0xD;
	s1 =	sshrl.u32 s1, $0x2  }
0xbb: {  	s3 =	sand.u32 $0x4000, s31;
	s1 =	sadd.s32 s1, s30  }
0xbc: {  	s0 =	sor.u32 s3, s0;
	s1 =	sshll.u32 s1, $0x11  }
0xbd: {  	s0 =	sor.u32 s1, s0  }
0xbe: {  	s0 =	sadd.s32 $0x8F2B, s0  }
0xbf: {  	[sflag:s0] =	ssyncadd.remote.s32 $0x1  }
0xc0: {  	_ =	sfence.sel $0xFFFF  }
0xc1: {  	[dreg:$0x0] =	wrdreg $0xFFFFFFFF;
	(pc) =	sbr.abs _section_cstart, $3  }
0xc2: {  	[dreg:$0x1] =	wrdreg $0xFFFFFFFF  }
0xc3: {  	_ =	task.clear_ibuf [dreg:s7], $0x2FFFF;
	_ =	strace $0x9FFFFFFF  }
0xc4: {  	(tm) =	ssettm $0x7FFFFFFF  }
0xc5: {  	_ =	shalt  }
tec
execute0_lowered:
.L_overlay_start_1:
0x0: {  	(tag) =	ssettag $0x1  }
0x1: {  	s0 =	rddreg [dreg:$0x0]  }
0x2: {  	s3 =	rddreg [dreg:$0x1]  }
0x3: {  	s1 =	rddreg [dreg:$0x2]  }
0x4: {  	s2 =	rddreg [dreg:$0x3];
	s4 =	simm.s32 $0x0;
	s5 =	srdreg.scid  }
0x5: {  	s13 =	stileid.u32;
	[smem:$0x7FF] =	sst s4  }
0x6: {  	s5 =	sand.u32 $0x1, s5;
	s6 =	sadd.s32 $0x3CC00, s0;
	s10 =	smul.u32 $0x4E000, s13  }
0x7: {  	_ =	strace $0x80000047;
	s9 =	ssub.s32 $0x2, s5;
	s12 =	smul.u32 $0x4E20, s5  }
0x8: {  	[dreg:$0x5] =	wrdreg s6;
	s11 =	sshrl.u32 s9, $0x1;
	s18 =	sshrl.u32 s10, $0x2  }
0x9: {  	s6 =	ssub.s32 s9, s11;
	s3 =	sadd.s32 s3, s12;
	s9 =	sadd.s32 s18, s2  }
0xa: {  	[dreg:$0x6] =	wrdreg s3;
	s19 =	sadd.s32 $0x800, s9  }
0xb: {  	s20 =	sadd.s32 $0x1000, s9;
	[dreg:$0x7] =	wrdreg s19  }
0xc: {  	s21 =	sadd.s32 $0x1800, s9;
	[dreg:$0x8] =	wrdreg s20  }
0xd: {  	s22 =	sadd.s32 $0x2000, s9;
	[dreg:$0x9] =	wrdreg s21  }
0xe: {  	s23 =	sadd.s32 $0x2800, s9;
	[dreg:$0xa] =	wrdreg s22  }
0xf: {  	s24 =	sadd.s32 $0x3000, s9;
	[dreg:$0xb] =	wrdreg s23  }
0x10: {  	s25 =	sadd.s32 $0x3800, s9;
	[dreg:$0xc] =	wrdreg s24  }
0x11: {  	s26 =	sadd.s32 $0x4000, s9;
	[dreg:$0xd] =	wrdreg s25  }
0x12: {  	s11 =	sadd.s32 $0x4800, s9;
	[dreg:$0xe] =	wrdreg s26  }
0x13: {  	s4 =	sadd.s32 $0x15A00, s0;
	s12 =	sadd.s32 $0x5000, s9;
	[dreg:$0xf] =	wrdreg s11  }
0x14: {  	s7 =	sadd.s32 $0xBC00, s0;
	s14 =	sadd.s32 $0x5800, s9;
	[dreg:$0x10] =	wrdreg s12  }
0x15: {  	s17 =	smul.u32 $0x27100, s5;
	s15 =	sadd.s32 $0x6000, s9;
	[dreg:$0x11] =	wrdreg s14  }
0x16: {  	s8 =	sadd.s32 $0x1E00, s0;
	s16 =	sadd.s32 $0x6800, s9;
	[dreg:$0x12] =	wrdreg s15  }
0x17: {  	s0 =	sadd.s32 s17, s0;
	s17 =	sadd.s32 $0x7000, s9;
	[dreg:$0x13] =	wrdreg s16  }
0x18: {  	s18 =	sadd.s32 $0x7800, s9;
	[dreg:$0x14] =	wrdreg s17  }
0x19: {  	[dreg:$0x15] =	wrdreg s18;
	s19 =	sadd.s32 $0x8000, s9  }
0x1a: {  	s20 =	sadd.s32 $0x8800, s9;
	[dreg:$0x16] =	wrdreg s19  }
0x1b: {  	s21 =	sadd.s32 $0x9000, s9;
	[dreg:$0x17] =	wrdreg s20  }
0x1c: {  	s22 =	sadd.s32 $0x9800, s9;
	[dreg:$0x18] =	wrdreg s21  }
0x1d: {  	s23 =	sadd.s32 $0xA000, s9;
	[dreg:$0x19] =	wrdreg s22  }
0x1e: {  	s24 =	sadd.s32 $0xA800, s9;
	[dreg:$0x1a] =	wrdreg s23  }
0x1f: {  	s25 =	sadd.s32 $0xB000, s9;
	[dreg:$0x1b] =	wrdreg s24  }
0x20: {  	s30 =	simm.s32 $0x4;
	s26 =	sadd.s32 $0xB800, s9;
	[dreg:$0x1c] =	wrdreg s25  }
0x21: {  	s31 =	simm.s32 $0xA30;
	s11 =	sadd.s32 $0xC000, s9;
	[dreg:$0x1d] =	wrdreg s26  }
0x22: {  	p0 =	sne.s32 s13, $0x0;
	s12 =	sadd.s32 $0xC800, s9;
	[dreg:$0x1e] =	wrdreg s11  }
0x23: {  	p1 =	sne.s32 s13, $0xF;
	s14 =	sadd.s32 $0xD000, s9;
	[dreg:$0x1f] =	wrdreg s12  }
0x24: {  	s28 =	sadd.s32 $0x138000, s2;
	s15 =	sadd.s32 $0xD800, s9;
	[smem:$0x7F3] =	sst s14  }
0x25: {  	s29 =	smul.u32 $0x4E20, s13;
	s16 =	sadd.s32 $0xE000, s9;
	[smem:$0x7F4] =	sst s15  }
0x26: {  	s10 =	simm.s32 $0x2;
	s17 =	sadd.s32 $0xE800, s9;
	[smem:$0x7F5] =	sst s16  }
0x27: {  	s3 =	smul.u32 $0x13800, s13;
	s18 =	sadd.s32 $0xF000, s9;
	[smem:$0x7F6] =	sst s17  }
0x28: {  	s13 =	simm.s32 $0x0;
	[smem:$0x7F7] =	sst s18;
	s19 =	sadd.s32 $0xF800, s9  }
0x29: {  	s20 =	sadd.s32 $0x10000, s9;
	s21 =	sadd.s32 $0x10800, s9;
	[smem:$0x7F8] =	sst s19  }
0x2a: {  	s22 =	sadd.s32 $0x11000, s9;
	s23 =	sadd.s32 $0x11800, s9;
	[smem:$0x7F9] =	sst s20  }
0x2b: {  	v0 =	vimm.s32 $0xBA987654;
	s24 =	sadd.s32 $0x12000, s9;
	s25 =	sshrl.u32 s3, $0x3;
	[smem:$0x7FA] =	sst s21  }
0x2c: {  	v0 =	vunpack.c.l.s4.s8 v0;
	s26 =	sshll.u32 s5, $0x6;
	s5 =	simm.s32 $0x1;
	[smem:$0x7FB] =	sst s22  }
0x2d: {  	vm0 =	vcmask $0x1F00;
	s11 =	simm.s32 $0x130;
	s12 =	simm.s32 $0x3;
	[smem:$0x7FC] =	sst s23  }
0x2e: {  	v3 =	vimm.s32 $0x1;
	v1 =	vunpack.c.0.s8.s32 v0;
	v0 =	vimm.s32 $0xF0E0D0C;
	[smem:$0x7FD] =	sst s24;
	s20 =	sadd.s32 $0x12800, s9;
	s21 =	sadd.s32 $0x13000, s9  }
0x2f: {  	v4 =	vimm.s32 $0x2;
	v5 =	vimm.s32 $0x3;
	v2 =	vunpack.c.0.s8.s32 v0;
	s22 =	sadd.s32 $0x3CE00, s0;
	s23 =	sadd.s32 s3, s2;
	s24 =	smax.u32 s6, $0x1  }
0x30: {  	v0 =	vimm.f32 $0.0e+00;
	v1 =	vnsel vm0, $0xF, v1;
	vm0 =	vcmask $0x2F20;
	s17 =	sadd.s32 $0x250, s26;
	s0 =	simm.s32 $0x10;
	s3 =	simm.s32 $0x20  }
0x31: {  	v1 =	vsel vm0, v2, v1;
	vm0 =	vmmov $0xf;
	v2 =	vimm.s32 $0x0;
	s6 =	simm.s32 $0x230;
	s9 =	simm.s32 $0x30;
	s26 =	sadd.s32 s25, s22  }
.LBB2_1:
0x32: {  	s14 =	sshrl.u32 @!p0 s1, $0x3;
	s15 =	simm.s32 @!p0 $0x1C04;
	s16 =	rddreg [dreg:$0x6]  }
0x33: {  	[spmem:s14], [sflag:s15] =	dma.local @!p0 [hbm:s16], $0x4E20  }
0x34: {  	s14 =	simm.s32 @!p0 $0x4  }
0x35: {  	_ =	swait.ge @!p0 [sflag:s14], $0x4E20  }
0x36: {  	[sflag:s14] =	ssyncset.done @!p0 $0x0  }
0x37: {  	s19 =	simm.s32 $0x0;
	s25 =	rddreg [dreg:$0x5];
	[sflag:s14] =	ssyncadd.s32 @!p0 $0xFFFFB1E0  }
0x38: {  	[tilespmem:s19], [sflag:$0x4] =	stream.linear.gather [hbm4b:s25+s19], $0x10, $0x38;
	[tilespmem:$0x171C0] =	vst v63  }
0x39: {  	_ =	swait.ge [sflag:s30], $0x10  }
0x3a: {  	[sflag:s30] =	ssyncset.done $0x0  }
0x3b: {  	s15 =	simm.s32 $0x200;
	s14 =	simm.s32 $0x0;
	[sflag:s30] =	ssyncadd.s32 $0xFFFFFFF0  }
.LBB2_2:
0x3c: {  	p2 =	sne.s32 s15, $0x1E00;
	[tilespmem:s14+$0xAA0] =	vst v0  }
0x3d: {  	[tilespmem:s14+$0xA30] =	vst v0  }
0x3e: {  	[tilespmem:s14+$0xA40] =	vst v0  }
.Ltmp0:
0x3f: {  	[tilespmem:s14+$0xA50] =	vst v0;
	(pc) =	sbr.rel @p2 .LBB2_2-.Ltmp0, $4  }
0x40: {  	[tilespmem:s14+$0xA60] =	vst v0  }
0x41: {  	[tilespmem:s14+$0xA70] =	vst v0  }
0x42: {  	[tilespmem:s14+$0xA80] =	vst v0  }
0x43: {  	[tilespmem:s14+$0xA90] =	vst v0;
	s14 =	sshra.s32 s15, $0x2;
	s15 =	sadd.s32 $0x200, s15  }
0x44: {  	[tilespmem:s14+$0xAA0] =	vst v0  }
0x45: {  	[tilespmem:s14+$0xA30] =	vst v0  }
0x46: {  	[tilespmem:s14+$0xA40] =	vst v0  }
0x47: {  	[tilespmem:s14+$0xA50] =	vst v0  }
0x48: {  	[tilespmem:s14+$0xA60] =	vst v0  }
0x49: {  	[tilespmem:s14+$0xA70] =	vst v0  }
0x4a: {  	[tilespmem:s14+$0xA80] =	vst v0  }
0x4b: {  	[tilespmem:s14+$0xA90] =	vst v0  }
0x4c: {  	[spmem:s23] =	stream.linear.scatter [tilespmem:s31], [sflag:$0x4], $0x800, $0x38;
	[tilespmem:$0x171C0] =	vst v63  }
0x4d: {  	_ =	swait.ge [sflag:s30], $0x800  }
0x4e: {  	[sflag:s30] =	ssyncset.done $0x0  }
0x4f: {  	s25 =	rddreg [dreg:$0x7];
	[sflag:s30] =	ssyncadd.s32 $0xFFFFF800  }
0x50: {  	[spmem:s25] =	stream.linear.scatter [tilespmem:s31], [sflag:$0x4], $0x800, $0x38;
	[tilespmem:$0x171C0] =	vst v63  }
0x51: {  	_ =	swait.ge [sflag:s30], $0x800  }
0x52: {  	[sflag:s30] =	ssyncset.done $0x0  }
0x53: {  	s15 =	rddreg [dreg:$0x8];
	[sflag:s30] =	ssyncadd.s32 $0xFFFFF800  }
0x54: {  	[spmem:s15] =	stream.linear.scatter [tilespmem:s31], [sflag:$0x4], $0x800, $0x38;
	[tilespmem:$0x171C0] =	vst v63  }
0x55: {  	_ =	swait.ge [sflag:s30], $0x800  }
0x56: {  	[sflag:s30] =	ssyncset.done $0x0  }
0x57: {  	s16 =	rddreg [dreg:$0x9];
	[sflag:s30] =	ssyncadd.s32 $0xFFFFF800  }
0x58: {  	[spmem:s16] =	stream.linear.scatter [tilespmem:s31], [sflag:$0x4], $0x800, $0x38;
	[tilespmem:$0x171C0] =	vst v63  }
0x59: {  	_ =	swait.ge [sflag:s30], $0x800  }
0x5a: {  	[sflag:s30] =	ssyncset.done $0x0  }
0x5b: {  	s18 =	rddreg [dreg:$0xa];
	[sflag:s30] =	ssyncadd.s32 $0xFFFFF800  }
0x5c: {  	[spmem:s18] =	stream.linear.scatter [tilespmem:s31], [sflag:$0x4], $0x800, $0x38;
	[tilespmem:$0x171C0] =	vst v63  }
0x5d: {  	_ =	swait.ge [sflag:s30], $0x800  }
0x5e: {  	[sflag:s30] =	ssyncset.done $0x0  }
0x5f: {  	s19 =	rddreg [dreg:$0xb];
	[sflag:s30] =	ssyncadd.s32 $0xFFFFF800  }
0x60: {  	[spmem:s19] =	stream.linear.scatter [tilespmem:s31], [sflag:$0x4], $0x800, $0x38;
	[tilespmem:$0x171C0] =	vst v63  }
0x61: {  	_ =	swait.ge [sflag:s30], $0x800  }
0x62: {  	[sflag:s30] =	ssyncset.done $0x0  }
0x63: {  	s25 =	rddreg [dreg:$0xc];
	[sflag:s30] =	ssyncadd.s32 $0xFFFFF800  }
0x64: {  	[spmem:s25] =	stream.linear.scatter [tilespmem:s31], [sflag:$0x4], $0x800, $0x38;
	[tilespmem:$0x171C0] =	vst v63  }
0x65: {  	_ =	swait.ge [sflag:s30], $0x800  }
0x66: {  	[sflag:s30] =	ssyncset.done $0x0  }
0x67: {  	s15 =	rddreg [dreg:$0xd];
	[sflag:s30] =	ssyncadd.s32 $0xFFFFF800  }
0x68: {  	[spmem:s15] =	stream.linear.scatter [tilespmem:s31], [sflag:$0x4], $0x800, $0x38;
	[tilespmem:$0x171C0] =	vst v63  }
0x69: {  	_ =	swait.ge [sflag:s30], $0x800  }
0x6a: {  	[sflag:s30] =	ssyncset.done $0x0  }
0x6b: {  	s16 =	rddreg [dreg:$0xe];
	[sflag:s30] =	ssyncadd.s32 $0xFFFFF800  }
0x6c: {  	[spmem:s16] =	stream.linear.scatter [tilespmem:s31], [sflag:$0x4], $0x800, $0x38;
	[tilespmem:$0x171C0] =	vst v63  }
0x6d: {  	_ =	swait.ge [sflag:s30], $0x800  }
0x6e: {  	[sflag:s30] =	ssyncset.done $0x0  }
0x6f: {  	s18 =	rddreg [dreg:$0xf];
	[sflag:s30] =	ssyncadd.s32 $0xFFFFF800  }
0x70: {  	[spmem:s18] =	stream.linear.scatter [tilespmem:s31], [sflag:$0x4], $0x800, $0x38;
	[tilespmem:$0x171C0] =	vst v63  }
0x71: {  	_ =	swait.ge [sflag:s30], $0x800  }
0x72: {  	[sflag:s30] =	ssyncset.done $0x0  }
0x73: {  	s19 =	rddreg [dreg:$0x10];
	[sflag:s30] =	ssyncadd.s32 $0xFFFFF800  }
0x74: {  	[spmem:s19] =	stream.linear.scatter [tilespmem:s31], [sflag:$0x4], $0x800, $0x38;
	[tilespmem:$0x171C0] =	vst v63  }
0x75: {  	_ =	swait.ge [sflag:s30], $0x800  }
0x76: {  	[sflag:s30] =	ssyncset.done $0x0  }
0x77: {  	s25 =	rddreg [dreg:$0x11];
	[sflag:s30] =	ssyncadd.s32 $0xFFFFF800  }
0x78: {  	[spmem:s25] =	stream.linear.scatter [tilespmem:s31], [sflag:$0x4], $0x800, $0x38;
	[tilespmem:$0x171C0] =	vst v63  }
0x79: {  	_ =	swait.ge [sflag:s30], $0x800  }
0x7a: {  	[sflag:s30] =	ssyncset.done $0x0  }
0x7b: {  	s15 =	rddreg [dreg:$0x12];
	[sflag:s30] =	ssyncadd.s32 $0xFFFFF800  }
0x7c: {  	[spmem:s15] =	stream.linear.scatter [tilespmem:s31], [sflag:$0x4], $0x800, $0x38;
	[tilespmem:$0x171C0] =	vst v63  }
0x7d: {  	_ =	swait.ge [sflag:s30], $0x800  }
0x7e: {  	[sflag:s30] =	ssyncset.done $0x0  }
0x7f: {  	s16 =	rddreg [dreg:$0x13];
	[sflag:s30] =	ssyncadd.s32 $0xFFFFF800  }
0x80: {  	[spmem:s16] =	stream.linear.scatter [tilespmem:s31], [sflag:$0x4], $0x800, $0x38;
	[tilespmem:$0x171C0] =	vst v63  }
0x81: {  	_ =	swait.ge [sflag:s30], $0x800  }
0x82: {  	[sflag:s30] =	ssyncset.done $0x0  }
0x83: {  	s18 =	rddreg [dreg:$0x14];
	[sflag:s30] =	ssyncadd.s32 $0xFFFFF800  }
0x84: {  	[spmem:s18] =	stream.linear.scatter [tilespmem:s31], [sflag:$0x4], $0x800, $0x38;
	[tilespmem:$0x171C0] =	vst v63  }
0x85: {  	_ =	swait.ge [sflag:s30], $0x800  }
0x86: {  	[sflag:s30] =	ssyncset.done $0x0  }
0x87: {  	s19 =	rddreg [dreg:$0x15];
	[sflag:s30] =	ssyncadd.s32 $0xFFFFF800  }
0x88: {  	[spmem:s19] =	stream.linear.scatter [tilespmem:s31], [sflag:$0x4], $0x800, $0x38;
	[tilespmem:$0x171C0] =	vst v63  }
0x89: {  	_ =	swait.ge [sflag:s30], $0x800  }
0x8a: {  	[sflag:s30] =	ssyncset.done $0x0  }
0x8b: {  	s25 =	rddreg [dreg:$0x16];
	[sflag:s30] =	ssyncadd.s32 $0xFFFFF800  }
0x8c: {  	[spmem:s25] =	stream.linear.scatter [tilespmem:s31], [sflag:$0x4], $0x800, $0x38;
	[tilespmem:$0x171C0] =	vst v63  }
0x8d: {  	_ =	swait.ge [sflag:s30], $0x800  }
0x8e: {  	[sflag:s30] =	ssyncset.done $0x0  }
0x8f: {  	s15 =	rddreg [dreg:$0x17];
	[sflag:s30] =	ssyncadd.s32 $0xFFFFF800  }
0x90: {  	[spmem:s15] =	stream.linear.scatter [tilespmem:s31], [sflag:$0x4], $0x800, $0x38;
	[tilespmem:$0x171C0] =	vst v63  }
0x91: {  	_ =	swait.ge [sflag:s30], $0x800  }
0x92: {  	[sflag:s30] =	ssyncset.done $0x0  }
0x93: {  	s16 =	rddreg [dreg:$0x18];
	[sflag:s30] =	ssyncadd.s32 $0xFFFFF800  }
0x94: {  	[spmem:s16] =	stream.linear.scatter [tilespmem:s31], [sflag:$0x4], $0x800, $0x38;
	[tilespmem:$0x171C0] =	vst v63  }
0x95: {  	_ =	swait.ge [sflag:s30], $0x800  }
0x96: {  	[sflag:s30] =	ssyncset.done $0x0  }
0x97: {  	s18 =	rddreg [dreg:$0x19];
	[sflag:s30] =	ssyncadd.s32 $0xFFFFF800  }
0x98: {  	[spmem:s18] =	stream.linear.scatter [tilespmem:s31], [sflag:$0x4], $0x800, $0x38;
	[tilespmem:$0x171C0] =	vst v63  }
0x99: {  	_ =	swait.ge [sflag:s30], $0x800  }
0x9a: {  	[sflag:s30] =	ssyncset.done $0x0  }
0x9b: {  	s19 =	rddreg [dreg:$0x1a];
	[sflag:s30] =	ssyncadd.s32 $0xFFFFF800  }
0x9c: {  	[spmem:s19] =	stream.linear.scatter [tilespmem:s31], [sflag:$0x4], $0x800, $0x38;
	[tilespmem:$0x171C0] =	vst v63  }
0x9d: {  	_ =	swait.ge [sflag:s30], $0x800  }
0x9e: {  	[sflag:s30] =	ssyncset.done $0x0  }
0x9f: {  	s25 =	rddreg [dreg:$0x1b];
	[sflag:s30] =	ssyncadd.s32 $0xFFFFF800  }
0xa0: {  	[spmem:s25] =	stream.linear.scatter [tilespmem:s31], [sflag:$0x4], $0x800, $0x38;
	[tilespmem:$0x171C0] =	vst v63  }
0xa1: {  	_ =	swait.ge [sflag:s30], $0x800  }
0xa2: {  	[sflag:s30] =	ssyncset.done $0x0  }
0xa3: {  	s15 =	rddreg [dreg:$0x1c];
	[sflag:s30] =	ssyncadd.s32 $0xFFFFF800  }
0xa4: {  	[spmem:s15] =	stream.linear.scatter [tilespmem:s31], [sflag:$0x4], $0x800, $0x38;
	[tilespmem:$0x171C0] =	vst v63  }
0xa5: {  	_ =	swait.ge [sflag:s30], $0x800  }
0xa6: {  	[sflag:s30] =	ssyncset.done $0x0  }
0xa7: {  	s16 =	rddreg [dreg:$0x1d];
	[sflag:s30] =	ssyncadd.s32 $0xFFFFF800  }
0xa8: {  	[spmem:s16] =	stream.linear.scatter [tilespmem:s31], [sflag:$0x4], $0x800, $0x38;
	[tilespmem:$0x171C0] =	vst v63  }
0xa9: {  	_ =	swait.ge [sflag:s30], $0x800  }
0xaa: {  	[sflag:s30] =	ssyncset.done $0x0  }
0xab: {  	s18 =	rddreg [dreg:$0x1e];
	[sflag:s30] =	ssyncadd.s32 $0xFFFFF800  }
0xac: {  	[spmem:s18] =	stream.linear.scatter [tilespmem:s31], [sflag:$0x4], $0x800, $0x38;
	[tilespmem:$0x171C0] =	vst v63  }
0xad: {  	_ =	swait.ge [sflag:s30], $0x800  }
0xae: {  	[sflag:s30] =	ssyncset.done $0x0  }
0xaf: {  	s19 =	rddreg [dreg:$0x1f];
	[sflag:s30] =	ssyncadd.s32 $0xFFFFF800  }
0xb0: {  	[spmem:s19] =	stream.linear.scatter [tilespmem:s31], [sflag:$0x4], $0x800, $0x38;
	[tilespmem:$0x171C0] =	vst v63  }
0xb1: {  	_ =	swait.ge [sflag:s30], $0x800  }
0xb2: {  	s25 =	sld [smem:$0x7F3]  }
0xb3: {  	[sflag:s30] =	ssyncset.done $0x0  }
0xb4: {  	[sflag:s30] =	ssyncadd.s32 $0xFFFFF800  }
0xb5: {  	[spmem:s25] =	stream.linear.scatter [tilespmem:s31], [sflag:$0x4], $0x800, $0x38;
	[tilespmem:$0x171C0] =	vst v63  }
0xb6: {  	_ =	swait.ge [sflag:s30], $0x800  }
0xb7: {  	s15 =	sld [smem:$0x7F4]  }
0xb8: {  	[sflag:s30] =	ssyncset.done $0x0  }
0xb9: {  	[sflag:s30] =	ssyncadd.s32 $0xFFFFF800  }
0xba: {  	[spmem:s15] =	stream.linear.scatter [tilespmem:s31], [sflag:$0x4], $0x800, $0x38;
	[tilespmem:$0x171C0] =	vst v63  }
0xbb: {  	_ =	swait.ge [sflag:s30], $0x800  }
0xbc: {  	s16 =	sld [smem:$0x7F5]  }
0xbd: {  	[sflag:s30] =	ssyncset.done $0x0  }
0xbe: {  	[sflag:s30] =	ssyncadd.s32 $0xFFFFF800  }
0xbf: {  	[spmem:s16] =	stream.linear.scatter [tilespmem:s31], [sflag:$0x4], $0x800, $0x38;
	[tilespmem:$0x171C0] =	vst v63  }
0xc0: {  	_ =	swait.ge [sflag:s30], $0x800  }
0xc1: {  	s18 =	sld [smem:$0x7F6]  }
0xc2: {  	[sflag:s30] =	ssyncset.done $0x0  }
0xc3: {  	[sflag:s30] =	ssyncadd.s32 $0xFFFFF800  }
0xc4: {  	[spmem:s18] =	stream.linear.scatter [tilespmem:s31], [sflag:$0x4], $0x800, $0x38;
	[tilespmem:$0x171C0] =	vst v63  }
0xc5: {  	_ =	swait.ge [sflag:s30], $0x800  }
0xc6: {  	s19 =	sld [smem:$0x7F7]  }
0xc7: {  	[sflag:s30] =	ssyncset.done $0x0  }
0xc8: {  	[sflag:s30] =	ssyncadd.s32 $0xFFFFF800  }
0xc9: {  	[spmem:s19] =	stream.linear.scatter [tilespmem:s31], [sflag:$0x4], $0x800, $0x38;
	[tilespmem:$0x171C0] =	vst v63  }
0xca: {  	_ =	swait.ge [sflag:s30], $0x800  }
0xcb: {  	s25 =	sld [smem:$0x7F8]  }
0xcc: {  	[sflag:s30] =	ssyncset.done $0x0  }
0xcd: {  	[sflag:s30] =	ssyncadd.s32 $0xFFFFF800  }
0xce: {  	[spmem:s25] =	stream.linear.scatter [tilespmem:s31], [sflag:$0x4], $0x800, $0x38;
	[tilespmem:$0x171C0] =	vst v63  }
0xcf: {  	_ =	swait.ge [sflag:s30], $0x800  }
0xd0: {  	s15 =	sld [smem:$0x7F9]  }
0xd1: {  	[sflag:s30] =	ssyncset.done $0x0  }
0xd2: {  	[sflag:s30] =	ssyncadd.s32 $0xFFFFF800  }
0xd3: {  	[spmem:s15] =	stream.linear.scatter [tilespmem:s31], [sflag:$0x4], $0x800, $0x38;
	[tilespmem:$0x171C0] =	vst v63  }
0xd4: {  	_ =	swait.ge [sflag:s30], $0x800  }
0xd5: {  	s16 =	sld [smem:$0x7FA]  }
0xd6: {  	[sflag:s30] =	ssyncset.done $0x0  }
0xd7: {  	[sflag:s30] =	ssyncadd.s32 $0xFFFFF800  }
0xd8: {  	[spmem:s16] =	stream.linear.scatter [tilespmem:s31], [sflag:$0x4], $0x800, $0x38;
	[tilespmem:$0x171C0] =	vst v63  }
0xd9: {  	_ =	swait.ge [sflag:s30], $0x800  }
0xda: {  	s18 =	sld [smem:$0x7FB]  }
0xdb: {  	[sflag:s30] =	ssyncset.done $0x0  }
0xdc: {  	[sflag:s30] =	ssyncadd.s32 $0xFFFFF800  }
0xdd: {  	[spmem:s18] =	stream.linear.scatter [tilespmem:s31], [sflag:$0x4], $0x800, $0x38;
	[tilespmem:$0x171C0] =	vst v63  }
0xde: {  	_ =	swait.ge [sflag:s30], $0x800  }
0xdf: {  	s19 =	sld [smem:$0x7FC]  }
0xe0: {  	[sflag:s30] =	ssyncset.done $0x0  }
0xe1: {  	[sflag:s30] =	ssyncadd.s32 $0xFFFFF800  }
0xe2: {  	[spmem:s19] =	stream.linear.scatter [tilespmem:s31], [sflag:$0x4], $0x800, $0x38;
	[tilespmem:$0x171C0] =	vst v63  }
0xe3: {  	_ =	swait.ge [sflag:s30], $0x800  }
0xe4: {  	s25 =	sld [smem:$0x7FD]  }
0xe5: {  	[sflag:s30] =	ssyncset.done $0x0  }
0xe6: {  	[sflag:s30] =	ssyncadd.s32 $0xFFFFF800  }
0xe7: {  	[spmem:s25] =	stream.linear.scatter [tilespmem:s31], [sflag:$0x4], $0x800, $0x38;
	[tilespmem:$0x171C0] =	vst v63  }
0xe8: {  	_ =	swait.ge [sflag:s30], $0x800  }
0xe9: {  	[sflag:s30] =	ssyncset.done $0x0  }
0xea: {  	[sflag:s30] =	ssyncadd.s32 $0xFFFFF800  }
0xeb: {  	[spmem:s20] =	stream.linear.scatter [tilespmem:s31], [sflag:$0x4], $0x800, $0x38;
	[tilespmem:$0x171C0] =	vst v63  }
0xec: {  	_ =	swait.ge [sflag:s30], $0x800  }
0xed: {  	[sflag:s30] =	ssyncset.done $0x0  }
0xee: {  	[sflag:s30] =	ssyncadd.s32 $0xFFFFF800  }
0xef: {  	[spmem:s21] =	stream.linear.scatter [tilespmem:s31], [sflag:$0x4], $0x800, $0x38;
	[tilespmem:$0x171C0] =	vst v63  }
0xf0: {  	_ =	swait.ge [sflag:s30], $0x800  }
0xf1: {  	[sflag:s30] =	ssyncset.done $0x0  }
0xf2: {  	s14 =	simm.s32 @!p1 $0xA30;
	[sflag:s30] =	ssyncadd.s32 $0xFFFFF800  }
0xf3: {  	[spmem:s28] =	stream.linear.scatter @!p1 [tilespmem:s14], [sflag:$0x4], $0x800, $0x38;
	[tilespmem:$0x171C0] =	vst v63  }
0xf4: {  	s14 =	simm.s32 @!p1 $0x4  }
0xf5: {  	_ =	swait.ge @!p1 [sflag:s14], $0x800  }
0xf6: {  	[sflag:s14] =	ssyncset.done @!p1 $0x0  }
0xf7: {  	[sflag:s14] =	ssyncadd.s32 @!p1 $0xFFFFF800  }
0xf8: {  	[bflag:$0x0] =	sbarrier.arrive $0xFFFF  }
0xf9: {  	s15 =	simm.s32 $0x0;
	s14 =	simm.s32 $0x0;
	v6 =	vld [tilespmem:$0x0]  }
.LBB2_4:
0xfa: {  	s16 =	sshll.u32 s15, $0x4  }
0xfb: {  	s16 =	sadd.s32 s29, s16  }
0xfc: {  	s16 =	sshrl.u32 s16, $0x3  }
0xfd: {  	s18 =	sadd.s32 s7, s16  }
0xfe: {  	[tilespmem:s0], [sflag:$0x4] =	stream.linear.gather [hbm4b:s18+s14], $0x10, $0x38;
	[tilespmem:$0x171C0] =	vst v63  }
0xff: {  	_ =	swait.ge [sflag:s30], $0x10  }
0x100: {  	[sflag:s30] =	ssyncset.done $0x0  }
0x101: {  	s16 =	sadd.s32 s8, s16;
	[sflag:s30] =	ssyncadd.s32 $0xFFFFFFF0  }
0x102: {  	[tilespmem:s3], [sflag:$0x4] =	stream.linear.gather [hbm4b:s16+s14], $0x10, $0x38;
	[tilespmem:$0x171C0] =	vst v63  }
0x103: {  	_ =	swait.ge [sflag:s30], $0x10  }
0x104: {  	[sflag:s30] =	ssyncset.done $0x0  }
0x105: {  	[sflag:s30] =	ssyncadd.s32 $0xFFFFFFF0  }
0x106: {  	[tilespmem:s6], [sflag:$0x1] =	stream.indirect.gather [hbm4b:s4+s0], $0x80, s0, s0, $0xb8;
	[tilespmem:$0x171C0] =	vst v63  }
0x107: {  	_ =	swait.ge [sflag:s5], $0x800  }
0x108: {  	[sflag:s5] =	ssyncset.done $0x0  }
0x109: {  	[sflag:s5] =	ssyncadd.s32 $0xFFFFF800  }
0x10a: {  	[tilespmem:s9], [sflag:$0x2] =	stream.indirect.gather [spmem:s1], $0x10, s0, s0, $0xb8;
	[tilespmem:$0x171C0] =	vst v63  }
0x10b: {  	_ =	swait.ge [sflag:s10], $0x100  }
0x10c: {  	[sflag:s10] =	ssyncset.done $0x0  }
0x10d: {  	[sflag:s10] =	ssyncadd.s32 $0xFFFFFF00  }
0x10e: {  	[tilespmem:s11], [sflag:$0x3] =	stream.indirect.gather [spmem:s1], $0x10, s3, s0, $0xb8;
	[tilespmem:$0x171C0] =	vst v63  }
0x10f: {  	_ =	swait.ge [sflag:s12], $0x100  }
0x110: {  	[sflag:s12] =	ssyncset.done $0x0  }
0x111: {  	s25 =	simm.s32 $0x0;
	[sflag:s12] =	ssyncadd.s32 $0xFFFFFF00  }
0x112: {  	v7 =	vld [tilespmem:s25+$0x130];
	_ =	sdelay $0x1  }
0x113: {  	v8 =	vld [tilespmem:s25+$0x30];
	_ =	sdelay $0x2  }
0x114: {  	v7 =	vperm.xlane v7, v1;
	_ =	sdelay $0x1  }
0x115: {  	v7 =	vadd.f32 v7, v8;
	_ =	sdelay $0x1  }
0x116: {  	v8 =	vmul.f32 $2.000000030e-01, v7;
	_ =	sdelay $0x1  }
0x117: {  	v7 =	vmax.f32 v7, v8  }
0x118: {  	v7 =	vsub.f32 v7, v6;
	_ =	sdelay $0x1  }
0x119: {  	v7 =	vmul.f32 $1.442695020e+00, v7;
	_ =	sdelay $0x1  }
0x11a: {  	(erf) = vpow2.f32 v7;
	_ =	sdelay $0x8  }
0x11b: {  	v7 =	vpop (erf)  }
0x11c: {  	s16 =	simm.s32 $0xA50;
	v7 =	vnsel vm0, $0x0, v7  }
0x11d: {  	[tilespmem:s16+$0x20] =	vst v7  }
0x11e: {  	v8 =	vld [tilespmem:s17+$0xFFFFFFE0];
	_ =	sdelay $0x2  }
0x11f: {  	v9 =	vperm.xlane v7, v2;
	_ =	sdelay $0x1  }
0x120: {  	v8 =	vmul.f32 v8, v9;
	_ =	sdelay $0x1  }
0x121: {  	[tilespmem:s16+$0xFFFFFFE0] =	vst v8  }
0x122: {  	v8 =	vld [tilespmem:s17+$0xFFFFFFF0];
	_ =	sdelay $0x2  }
0x123: {  	v62 =	vperm.xlane v7, v3;
	_ =	sdelay $0x1  }
0x124: {  	v8 =	vmul.f32 v8, v62;
	_ =	sdelay $0x1  }
0x125: {  	[tilespmem:s16+$0xFFFFFFF0] =	vst v8  }
0x126: {  	v8 =	vld [tilespmem:s17+$0x0];
	_ =	sdelay $0x2  }
0x127: {  	v63 =	vperm.xlane v7, v4;
	_ =	sdelay $0x1  }
0x128: {  	v8 =	vmul.f32 v8, v63;
	_ =	sdelay $0x1  }
0x129: {  	[tilespmem:s16+$0x0] =	vst v8  }
0x12a: {  	v8 =	vld [tilespmem:s17+$0x10];
	_ =	sdelay $0x2  }
0x12b: {  	v7 =	vperm.xlane v7, v5;
	_ =	sdelay $0x1  }
0x12c: {  	v7 =	vmul.f32 v8, v7;
	_ =	sdelay $0x1  }
0x12d: {  	s19 =	simm.s32 $0x10;
	s18 =	simm.s32 $0x80;
	s25 =	smov.u32 s17;
	[tilespmem:s16+$0x10] =	vst v7  }
.LBB2_5:
0x12e: {  	p2 =	sne.s32 s18, $0x3C0;
	v7 =	vld [tilespmem:s19+$0x130]  }
0x12f: {  	v8 =	vld [tilespmem:s19+$0x30];
	_ =	sdelay $0x3  }
0x130: {  	v7 =	vperm.xlane v7, v1;
	_ =	sdelay $0x1  }
0x131: {  	v7 =	vadd.f32 v7, v8;
	_ =	sdelay $0x1  }
0x132: {  	v8 =	vmul.f32 $2.000000030e-01, v7;
	_ =	sdelay $0x1  }
0x133: {  	v7 =	vmax.f32 v7, v8  }
0x134: {  	v7 =	vsub.f32 v7, v6;
	_ =	sdelay $0x1  }
0x135: {  	v7 =	vmul.f32 $1.442695020e+00, v7;
	_ =	sdelay $0x1  }
0x136: {  	(erf) = vpow2.f32 v7;
	_ =	sdelay $0x8  }
0x137: {  	v7 =	vpop (erf)  }
0x138: {  	s16 =	sadd.s32 $0x80, s16;
	v7 =	vnsel vm0, $0x0, v7  }
0x139: {  	s25 =	sadd.s32 $0x80, s25;
	[tilespmem:s16+$0x20] =	vst v7;
	v8 =	vperm.xlane v7, v3;
	v9 =	vperm.xlane v7, v5  }
0x13a: {  	v10 =	vld [tilespmem:s25+$0xFFFFFFE0];
	_ =	sdelay $0x2  }
0x13b: {  	v11 =	vperm.xlane v7, v2;
	_ =	sdelay $0x1  }
0x13c: {  	v10 =	vmul.f32 v10, v11;
	_ =	sdelay $0x1  }
0x13d: {  	[tilespmem:s16+$0xFFFFFFE0] =	vst v10  }
0x13e: {  	v10 =	vld [tilespmem:s25+$0xFFFFFFF0];
	_ =	sdelay $0x4  }
0x13f: {  	v8 =	vmul.f32 v10, v8;
	_ =	sdelay $0x1  }
0x140: {  	[tilespmem:s16+$0xFFFFFFF0] =	vst v8  }
0x141: {  	v8 =	vld [tilespmem:s25+$0x0];
	_ =	sdelay $0x2  }
0x142: {  	v7 =	vperm.xlane v7, v4;
	_ =	sdelay $0x1  }
0x143: {  	v7 =	vmul.f32 v8, v7;
	_ =	sdelay $0x1  }
0x144: {  	[tilespmem:s16+$0x0] =	vst v7  }
0x145: {  	v7 =	vld [tilespmem:s25+$0x10];
	_ =	sdelay $0x2  }
.Ltmp1:
0x146: {  	(pc) =	sbr.rel @p2 .LBB2_5-.Ltmp1, $3  }
0x147: {  	_ = 	snop  }
0x148: {  	v7 =	vmul.f32 v7, v9;
	_ =	sdelay $0x1  }
0x149: {  	s19 =	sshra.s32 s18, $0x2;
	s18 =	sadd.s32 $0x40, s18;
	[tilespmem:s16+$0x10] =	vst v7  }
0x14a: {  	v7 =	vld [tilespmem:s19+$0x130];
	_ =	sdelay $0x1  }
0x14b: {  	v8 =	vld [tilespmem:s19+$0x30];
	_ =	sdelay $0x2  }
0x14c: {  	v7 =	vperm.xlane v7, v1;
	_ =	sdelay $0x1  }
0x14d: {  	v7 =	vadd.f32 v7, v8;
	_ =	sdelay $0x1  }
0x14e: {  	v8 =	vmul.f32 $2.000000030e-01, v7;
	_ =	sdelay $0x1  }
0x14f: {  	v7 =	vmax.f32 v7, v8  }
0x150: {  	v7 =	vsub.f32 v7, v6;
	_ =	sdelay $0x1  }
0x151: {  	v7 =	vmul.f32 $1.442695020e+00, v7;
	_ =	sdelay $0x1  }
0x152: {  	(erf) = vpow2.f32 v7;
	_ =	sdelay $0x8  }
0x153: {  	v7 =	vpop (erf)  }
0x154: {  	s16 =	sadd.s32 $0x80, s16;
	v7 =	vnsel vm0, $0x0, v7  }
0x155: {  	s18 =	sadd.s32 $0x80, s25;
	[tilespmem:s16+$0x20] =	vst v7  }
0x156: {  	v8 =	vld [tilespmem:s18+$0xFFFFFFE0];
	_ =	sdelay $0x2  }
0x157: {  	v9 =	vperm.xlane v7, v2;
	_ =	sdelay $0x1  }
0x158: {  	v8 =	vmul.f32 v8, v9;
	_ =	sdelay $0x1  }
0x159: {  	[tilespmem:s16+$0xFFFFFFE0] =	vst v8  }
0x15a: {  	v8 =	vld [tilespmem:s18+$0xFFFFFFF0];
	_ =	sdelay $0x2  }
0x15b: {  	v62 =	vperm.xlane v7, v3;
	_ =	sdelay $0x1  }
0x15c: {  	v8 =	vmul.f32 v8, v62;
	_ =	sdelay $0x1  }
0x15d: {  	[tilespmem:s16+$0xFFFFFFF0] =	vst v8  }
0x15e: {  	v8 =	vld [tilespmem:s18+$0x0];
	_ =	sdelay $0x2  }
0x15f: {  	v63 =	vperm.xlane v7, v4;
	_ =	sdelay $0x1  }
0x160: {  	v8 =	vmul.f32 v8, v63;
	_ =	sdelay $0x1  }
0x161: {  	[tilespmem:s16+$0x0] =	vst v8  }
0x162: {  	v8 =	vld [tilespmem:s18+$0x10];
	_ =	sdelay $0x2  }
0x163: {  	v7 =	vperm.xlane v7, v5;
	_ =	sdelay $0x1  }
0x164: {  	s15 =	sadd.s32 $0x1, s15;
	v7 =	vmul.f32 v8, v7  }
0x165: {  	p2 =	sne.s32 s15, $0x4E2  }
.Ltmp2:
0x166: {  	[tilespmem:s16+$0x10] =	vst v7;
	(pc) =	sbr.rel @p2 .LBB2_4-.Ltmp2, $4  }
0x167: {  	[spmem:s2] =	stream.indirect.scatter.add.f32 [tilespmem:s31], [sflag:$0x4], $0x80, s3, s0, $0xb8;
	[tilespmem:$0x171C0] =	vst v63  }
0x168: {  	_ =	swait.ge [sflag:s30], $0x800  }
0x169: {  	[sflag:s30] =	ssyncset.done $0x0  }
0x16a: {  	[sflag:s30] =	ssyncadd.s32 $0xFFFFF800  }
0x16b: {  	s14 =	stileid.u32  }
0x16c: {  	s14 =	sshll.u32 s14, $0x6  }
0x16d: {  	[bflag:$0x0] =	sbarrier.arrive $0xFFFF;
	s15 =	sshrl.u32 s23, $0x3;
	s14 =	sor.u32 $0x1C04, s14  }
0x16e: {  	[hbm:s26], [sflag:s14] =	dma.local [spmem:s15], $0x2700  }
0x16f: {  	_ =	swait.ge [sflag:s30], $0x2700  }
0x170: {  	s16 =	sshrl.u32 @!p1 s28, $0x3;
	s13 =	sadd.s32 $0x1, s13;
	[sflag:s30] =	ssyncset.done $0x0  }
0x171: {  	p2 =	sne.s32 s13, s24;
	s15 =	sadd.s32 @!p1 $0x27000, s22;
	[sflag:s30] =	ssyncadd.s32 $0xFFFFD900  }
0x172: {  	[hbm:s15], [sflag:s14] =	dma.local @!p1 [spmem:s16], $0x100  }
.Ltmp3:
0x173: {  	_ = 	snop;
	(pc) =	sbr.rel @p2 .LBB2_1-.Ltmp3, $4  }
0x174: {  	s14 =	simm.s32 @!p1 $0x4  }
0x175: {  	_ =	swait.ge @!p1 [sflag:s14], $0x100  }
0x176: {  	[sflag:s14] =	ssyncset.done @!p1 $0x0  }
0x177: {  	[sflag:s14] =	ssyncadd.s32 @!p1 $0xFFFFFF00  }
0x178: {  	_ =	sfence.sel $0x180000  }
0x179: {  	[bflag:$0x0] =	sbarrier.arrive $0xFFFF  }
0x17a: {  	_ =	strace $0x90000047  }
0x17b: {  	[bflag:$0x2] =	sbarrier.arrive $0xFFFF  }
0x17c: {  	s0 =	rddreg [dreg:$0x4]  }
0x17d: {  	s0 =	sadd.s32 @!p0 $0x100000, s0  }
0x17e: {  	[sflag:s0] =	ssyncadd.tile.s32 @!p0 $0x1;
	_ =	shalt  }
.Lfunc_end2:
_tile_overlayer_lowered:
.L_overlay_start_2:
0x17f: {  	(tag) =	ssettag $0x2  }
0x180: {  	s0 =	rddreg [dreg:$0x0];
	s2 =	stileid.u32  }
0x181: {  	s1 =	rddreg [dreg:$0x1];
	p0 =	sne.s32 s2, $0x0  }
0x182: {  	s3 =	rddreg [dreg:$0x2];
	[bflag:$0x3] =	sbarrier.arrive $0xFFFF;
	s2 =	simm.s32 @!p0 $0x1C04  }
0x183: {  	[timem:s3], [sflag:s2] =	dma.local @!p0 [hbm:s0], s1  }
0x184: {  	s0 =	simm.s32 @!p0 $0x4  }
0x185: {  	_ =	swait.ge @!p0 [sflag:s0], s1  }
0x186: {  	s1 =	ssub.s32 @!p0 $0x0, s1;
	[sflag:s0] =	ssyncset.done @!p0 $0x0  }
0x187: {  	[sflag:s0] =	ssyncadd.s32 @!p0 s1  }
0x188: {  	[bflag:$0x3] =	sbarrier.arrive $0xFFFF  }
0x189: {  	_ =	shalt  }

</sc_bundles>
